<compile_context>
chip_gen: v7x
topology: tpu7x:2x2x1
jax: 0.10.2.dev20260603
libtpu: 0.0.44.dev20260713+nightly
codegen_flags: <defaults>
</compile_context>

<pallas_src>
import functools

import numpy as np
import jax
import jax.numpy as jnp
from jax import lax
from jax.experimental import pallas as pl
from jax.experimental.pallas import tpu as pltpu
from jax.experimental.pallas import tpu_sc as plsc

_B, _T, _E = 32, 1024, 768
_N = _B * _T

_ROT_A = (13, 15, 26, 6)
_ROT_B = (17, 29, 16, 24)


def _host_threefry2x32(k1, k2, x0, x1):
    def rotl(x, d):
        return ((x << np.uint32(d)) | (x >> np.uint32(32 - d))).astype(np.uint32)

    def rounds(x0, x1, rots):
        for r in rots:
            x0 = (x0 + x1).astype(np.uint32)
            x1 = x0 ^ rotl(x1, r)
        return x0, x1

    ks0, ks1 = np.uint32(k1), np.uint32(k2)
    ks2 = np.uint32(ks0 ^ ks1 ^ np.uint32(0x1BD11BDA))
    x0 = (np.uint32(x0) + ks0).astype(np.uint32)
    x1 = (np.uint32(x1) + ks1).astype(np.uint32)
    x0, x1 = rounds(x0, x1, _ROT_A)
    x0 = (x0 + ks1).astype(np.uint32)
    x1 = (x1 + ks2 + np.uint32(1)).astype(np.uint32)
    x0, x1 = rounds(x0, x1, _ROT_B)
    x0 = (x0 + ks2).astype(np.uint32)
    x1 = (x1 + ks0 + np.uint32(2)).astype(np.uint32)
    x0, x1 = rounds(x0, x1, _ROT_A)
    x0 = (x0 + ks0).astype(np.uint32)
    x1 = (x1 + ks1 + np.uint32(3)).astype(np.uint32)
    x0, x1 = rounds(x0, x1, _ROT_B)
    x0 = (x0 + ks1).astype(np.uint32)
    x1 = (x1 + ks2 + np.uint32(4)).astype(np.uint32)
    x0, x1 = rounds(x0, x1, _ROT_A)
    x0 = (x0 + ks2).astype(np.uint32)
    x1 = (x1 + ks0 + np.uint32(5)).astype(np.uint32)
    return x0, x1


_K1, _K2 = (int(v[0]) for v in
            _host_threefry2x32(0, 0, np.uint32([0]), np.uint32([1])))

_DROP_TH = 838861


def _i32c(x):
    return jnp.int32(np.uint32(x & 0xFFFFFFFF).view(np.int32))


def _bits_from_index_i32(idx):
    sru = lax.shift_right_logical

    def rounds(x0, x1, rots):
        for r in rots:
            x0 = x0 + x1
            x1 = x0 ^ ((x1 << jnp.int32(r)) | sru(x1, jnp.int32(32 - r)))
        return x0, x1

    ks0 = _i32c(_K1)
    ks1 = _i32c(_K2)
    ks2 = _i32c(_K1 ^ _K2 ^ 0x1BD11BDA)
    x0 = jnp.full(idx.shape, ks0, jnp.int32)
    x1 = idx + ks1
    x0, x1 = rounds(x0, x1, _ROT_A)
    x0 = x0 + ks1
    x1 = x1 + _i32c((_K1 ^ _K2 ^ 0x1BD11BDA) + 1)
    x0, x1 = rounds(x0, x1, _ROT_B)
    x0 = x0 + ks2
    x1 = x1 + _i32c(_K1 + 2)
    x0, x1 = rounds(x0, x1, _ROT_A)
    x0 = x0 + ks0
    x1 = x1 + _i32c(_K2 + 3)
    x0, x1 = rounds(x0, x1, _ROT_B)
    x0 = x0 + ks1
    x1 = x1 + _i32c((_K1 ^ _K2 ^ 0x1BD11BDA) + 4)
    x0, x1 = rounds(x0, x1, _ROT_A)
    x0 = x0 + ks2
    x1 = x1 + _i32c(_K1 + 5)
    return x0 ^ x1


_NC, _NS = 2, 16
_NW = _NC * _NS
_RPW = _N // _NW
_CB = 16
_NB = _RPW // _CB
_NSLOT = 8


def _sc_body(x_hbm, o_hbm, dlist, flags, zbuf, b0, b1, b2, b3, b4, b5, b6, b7, sg, ss, sz):
    bufs = (b0, b1, b2, b3, b4, b5, b6, b7)
    wid = lax.axis_index("s") * _NC + lax.axis_index("c")
    base = wid * _RPW
    lane = lax.iota(jnp.int32, 16)

    zv = jnp.zeros((16,), jnp.float32)

    @pl.loop(0, 48)
    def _zfill(c):
        for r in range(16):
            zbuf[r, pl.ds(c * 16, 16)] = zv

    def do_group(g, valid):
        rows = base + g * 16 + lane
        bits = _bits_from_index_i32(rows)
        m = lax.shift_right_logical(bits, jnp.int32(9))
        di = lax.shift_right_logical(m - jnp.int32(_DROP_TH), jnp.int32(31))

        @pl.when(valid)
        def _():
            flags[g & 63] = di

    def g_issue(cc):
        for s in range(_NSLOT):
            @pl.when((cc & (_NSLOT - 1)) == s)
            def _(s=s):
                pltpu.async_copy(x_hbm.at[pl.ds(base + cc * _CB, _CB)],
                                 bufs[s], sg)

    def g_wait(cc):
        for s in range(_NSLOT):
            @pl.when((cc & (_NSLOT - 1)) == s)
            def _(s=s):
                pltpu.make_async_copy(x_hbm.at[pl.ds(base, _CB)],
                                      bufs[s], sg).wait()

    def s_issue(cc):
        for s in range(_NSLOT):
            @pl.when((cc & (_NSLOT - 1)) == s)
            def _(s=s):
                pltpu.async_copy(bufs[s],
                                 o_hbm.at[pl.ds(base + cc * _CB, _CB)], ss)

    def s_wait(cc):
        for s in range(_NSLOT):
            @pl.when((cc & (_NSLOT - 1)) == s)
            def _(s=s):
                pltpu.make_async_copy(bufs[s], o_hbm.at[pl.ds(base, _CB)],
                                      ss).wait()

    def master(cc, z):
        valid = cc < _NB

        @pl.when(valid)
        def _():
            @pl.when(cc >= _NSLOT)
            def _():
                s_wait(cc - _NSLOT)
            g_issue(cc)

        do_group(cc & 63, valid)

        @pl.when(jnp.logical_and(cc >= 2, cc - 2 < _NB))
        def _():
            g_wait(cc - 2)
            s_issue(cc - 2)
        return z

    lax.fori_loop(0, _NB + 2, master, jnp.int32(0))

    for j in range(_NSLOT):
        s_wait(jnp.int32(_NB - _NSLOT + j))

    def compact(g, st):
        doff, ld, dP = st
        dv = flags[g]
        for i in range(16):
            fi = dv[i]
            ri = base + g * 16 + i
            d = lane ^ (doff & 15)
            eq = jnp.int32(1) - lax.shift_right_logical(d | (jnp.int32(0) - d),
                                                        jnp.int32(31))
            sel = eq * fi
            dP = dP + sel * (ri - dP)
            ld = ld + fi * (ri - ld)
            doff = doff + fi

            @pl.when(jnp.logical_and(fi > 0, (doff & 15) == 0))
            def _():
                dlist[(doff >> 4) - 1] = dP
        return doff, ld, dP

    doff, ld, dP = lax.fori_loop(
        0, 64, compact,
        (jnp.int32(0), jnp.int32(0), jnp.zeros((16,), jnp.int32)))

    rem = doff & 15

    @pl.when(rem != 0)
    def _():
        lt = lax.shift_right_logical(lane - rem, jnp.int32(31))
        dlist[doff >> 4] = ld + lt * (dP - ld)

    nbd = (doff + 15) >> 4

    @pl.loop(0, nbd)
    def _zscat(j):
        pltpu.async_copy(zbuf, o_hbm.at[dlist.at[j]], sz)

    @pl.loop(0, nbd)
    def _zdrain(j):
        pltpu.make_async_copy(zbuf, o_hbm.at[dlist.at[0]], sz).wait()


_sc_call = functools.partial(
    pl.kernel,
    out_type=jax.ShapeDtypeStruct((_N, _E), jnp.float32),
    mesh=plsc.VectorSubcoreMesh(core_axis_name="c", subcore_axis_name="s"),
    scratch_types=[
        pltpu.VMEM((_RPW // 16, 16), jnp.int32),
        pltpu.VMEM((64, 16), jnp.int32),
        pltpu.VMEM((16, _E), jnp.float32),
        pltpu.VMEM((_CB, _E), jnp.float32),
        pltpu.VMEM((_CB, _E), jnp.float32),
        pltpu.VMEM((_CB, _E), jnp.float32),
        pltpu.VMEM((_CB, _E), jnp.float32),
        pltpu.VMEM((_CB, _E), jnp.float32),
        pltpu.VMEM((_CB, _E), jnp.float32),
        pltpu.VMEM((_CB, _E), jnp.float32),
        pltpu.VMEM((_CB, _E), jnp.float32),
        pltpu.SemaphoreType.DMA,
        pltpu.SemaphoreType.DMA,
        pltpu.SemaphoreType.DMA,
    ],
)(_sc_body)


def kernel(X):
    Xf = X.reshape(_N, _E)
    out = _sc_call(Xf)
    return out.reshape(_B, _T, _E)

# --- scband reference (transcript-rebuilt; emitter-appended) ---
"""Pipeline reference for scband-patch-dropout-2534030705075 (READ-ONLY COPY).

The authoritative reference and input builder live on the scoring server;
editing this copy changes nothing except your own understanding.
"""

import jax, jax.numpy as jnp
import numpy as np

P = 0.1

def setup_inputs(seed: int = 0) -> dict:
    key = jax.random.key(seed)
    X = jax.random.normal(key, (32, 1024, 768), dtype=jnp.float32)
    return {"X": X}

def reference(X):
    # Faithful JAX translation of PatchDropout.forward:
    #   idx = Binomial(1, p).sample((B*T,)).bool()  -> Bernoulli(p) mask per token
    #   X.view(B*T, E)[idx] = 0.0                   -> zero out selected token rows
    B, T, E = X.shape
    mask_key = jax.random.fold_in(jax.random.key(0), 1)
    idx = jax.random.bernoulli(mask_key, P, (B * T,))  # bool[B*T], True -> drop
    Xf = X.reshape(B * T, E)
    Xf = jnp.where(idx[:, None], jnp.float32(0.0), Xf)  # scatter-overwrite of masked rows
    return Xf.reshape(B, T, E)

if __name__ == "__main__":
    import jax
    _d = setup_inputs()
    print(jax.jit(kernel)(*tuple(_d.values())))

</pallas_src>

<mosaic_0001>
#map = affine_map<(d0, d1) -> (0, 0)>
module attributes {stable_mosaic.version = 14 : i64} {
  func.func @_sc_body(%arg0: i32, %arg1: i32, %arg2: memref<32768x768xf32, #tpu.memory_space<hbm>>, %arg3: memref<32768x768xf32, #tpu.memory_space<hbm>>, %arg4: memref<64x16xi32, #tpu.memory_space<vmem>>, %arg5: memref<64x16xi32, #tpu.memory_space<vmem>>, %arg6: memref<16x768xf32, #tpu.memory_space<vmem>>, %arg7: memref<16x768xf32, #tpu.memory_space<vmem>>, %arg8: memref<16x768xf32, #tpu.memory_space<vmem>>, %arg9: memref<16x768xf32, #tpu.memory_space<vmem>>, %arg10: memref<16x768xf32, #tpu.memory_space<vmem>>, %arg11: memref<16x768xf32, #tpu.memory_space<vmem>>, %arg12: memref<16x768xf32, #tpu.memory_space<vmem>>, %arg13: memref<16x768xf32, #tpu.memory_space<vmem>>, %arg14: memref<16x768xf32, #tpu.memory_space<vmem>>, %arg15: memref<!tpu.dma_semaphore, #tpu.memory_space<semaphore_mem>>, %arg16: memref<!tpu.dma_semaphore, #tpu.memory_space<semaphore_mem>>, %arg17: memref<!tpu.dma_semaphore, #tpu.memory_space<semaphore_mem>>) attributes {dimension_semantics = [#tpu.dimension_semantics<core_parallel>, #tpu.dimension_semantics<subcore_parallel>], iteration_bounds = array<i64: 2, 16>, scalar_prefetch = 0 : i64, scratch_operands = 14 : i64, tpu.core_type = #tpu.core_type<sc_vector_subcore>, window_params = [{transform_indices = #map}, {transform_indices = #map}]} {
    %mul3A = arith.constant 2 : i32
    %mul3A_0 = arith.muli %arg1, %mul3A : i32
    %add3A = arith.addi %mul3A_0, %arg0 : i32
    %mul3A_1 = arith.constant 1024 : i32
    %mul3A_2 = arith.muli %add3A, %mul3A_1 : i32
    %iota3A = tpu.iota {dimensions = array<i32: 0>} : vector<16xi32>
    %broadcast_in_dim3A = arith.constant 0.000000e+00 : f32
    %broadcast_in_dim3A_3 = vector.broadcast %broadcast_in_dim3A : f32 to vector<16xf32>
    %scan3A = arith.constant 0 : i32
    %scan3A_4 = arith.constant 48 : i32
    %scan3A_5 = arith.addi %scan3A, %scan3A_4 : i32
    %scan3A_6 = arith.constant 1 : i32
    scf.for %scan3A_576 = %scan3A to %scan3A_5 step %scan3A_6  : i32 {
      %mul3A_577 = arith.constant 1 : i32
      %mul3A_578 = arith.muli %scan3A_576, %mul3A_577 : i32
      %add3A_579 = arith.constant 0 : i32
      %add3A_580 = arith.addi %add3A_579, %mul3A_578 : i32
      %mul3A_581 = arith.constant 16 : i32
      %mul3A_582 = arith.muli %add3A_580, %mul3A_581 : i32
      %swap3A = arith.constant 0 : i32
      %swap3A_583 = arith.index_cast %swap3A : i32 to index
      %swap3A_584 = arith.index_cast %mul3A_582 : i32 to index
      %swap3A_585 = tpu.vector_load %arg6[%swap3A_583, %swap3A_584] {strides = array<i32>} : memref<16x768xf32, #tpu.memory_space<vmem>>, vector<1x16xf32>,
      %swap3A_586 = vector.shape_cast %swap3A_585 : vector<1x16xf32> to vector<16xf32>
      %swap3A_587 = vector.shape_cast %broadcast_in_dim3A_3 : vector<16xf32> to vector<1x16xf32>
      tpu.vector_store %arg6[%swap3A_583, %swap3A_584], %swap3A_587 {strides = array<i32>} : memref<16x768xf32, #tpu.memory_space<vmem>>, vector<1x16xf32>,
      %mul3A_588 = arith.constant 16 : i32
      %mul3A_589 = arith.muli %add3A_580, %mul3A_588 : i32
      %swap3A_590 = arith.constant 1 : i32
      %swap3A_591 = arith.index_cast %swap3A_590 : i32 to index
      %swap3A_592 = arith.index_cast %mul3A_589 : i32 to index
      %swap3A_593 = tpu.vector_load %arg6[%swap3A_591, %swap3A_592] {strides = array<i32>} : memref<16x768xf32, #tpu.memory_space<vmem>>, vector<1x16xf32>,
      %swap3A_594 = vector.shape_cast %swap3A_593 : vector<1x16xf32> to vector<16xf32>
      %swap3A_595 = vector.shape_cast %broadcast_in_dim3A_3 : vector<16xf32> to vector<1x16xf32>
      tpu.vector_store %arg6[%swap3A_591, %swap3A_592], %swap3A_595 {strides = array<i32>} : memref<16x768xf32, #tpu.memory_space<vmem>>, vector<1x16xf32>,
      %mul3A_596 = arith.constant 16 : i32
      %mul3A_597 = arith.muli %add3A_580, %mul3A_596 : i32
      %swap3A_598 = arith.constant 2 : i32
      %swap3A_599 = arith.index_cast %swap3A_598 : i32 to index
      %swap3A_600 = arith.index_cast %mul3A_597 : i32 to index
      %swap3A_601 = tpu.vector_load %arg6[%swap3A_599, %swap3A_600] {strides = array<i32>} : memref<16x768xf32, #tpu.memory_space<vmem>>, vector<1x16xf32>,
      %swap3A_602 = vector.shape_cast %swap3A_601 : vector<1x16xf32> to vector<16xf32>
      %swap3A_603 = vector.shape_cast %broadcast_in_dim3A_3 : vector<16xf32> to vector<1x16xf32>
      tpu.vector_store %arg6[%swap3A_599, %swap3A_600], %swap3A_603 {strides = array<i32>} : memref<16x768xf32, #tpu.memory_space<vmem>>, vector<1x16xf32>,
      %mul3A_604 = arith.constant 16 : i32
      %mul3A_605 = arith.muli %add3A_580, %mul3A_604 : i32
      %swap3A_606 = arith.constant 3 : i32
      %swap3A_607 = arith.index_cast %swap3A_606 : i32 to index
      %swap3A_608 = arith.index_cast %mul3A_605 : i32 to index
      %swap3A_609 = tpu.vector_load %arg6[%swap3A_607, %swap3A_608] {strides = array<i32>} : memref<16x768xf32, #tpu.memory_space<vmem>>, vector<1x16xf32>,
      %swap3A_610 = vector.shape_cast %swap3A_609 : vector<1x16xf32> to vector<16xf32>
      %swap3A_611 = vector.shape_cast %broadcast_in_dim3A_3 : vector<16xf32> to vector<1x16xf32>
      tpu.vector_store %arg6[%swap3A_607, %swap3A_608], %swap3A_611 {strides = array<i32>} : memref<16x768xf32, #tpu.memory_space<vmem>>, vector<1x16xf32>,
      %mul3A_612 = arith.constant 16 : i32
      %mul3A_613 = arith.muli %add3A_580, %mul3A_612 : i32
      %swap3A_614 = arith.constant 4 : i32
      %swap3A_615 = arith.index_cast %swap3A_614 : i32 to index
      %swap3A_616 = arith.index_cast %mul3A_613 : i32 to index
      %swap3A_617 = tpu.vector_load %arg6[%swap3A_615, %swap3A_616] {strides = array<i32>} : memref<16x768xf32, #tpu.memory_space<vmem>>, vector<1x16xf32>,
      %swap3A_618 = vector.shape_cast %swap3A_617 : vector<1x16xf32> to vector<16xf32>
      %swap3A_619 = vector.shape_cast %broadcast_in_dim3A_3 : vector<16xf32> to vector<1x16xf32>
      tpu.vector_store %arg6[%swap3A_615, %swap3A_616], %swap3A_619 {strides = array<i32>} : memref<16x768xf32, #tpu.memory_space<vmem>>, vector<1x16xf32>,
      %mul3A_620 = arith.constant 16 : i32
      %mul3A_621 = arith.muli %add3A_580, %mul3A_620 : i32
      %swap3A_622 = arith.constant 5 : i32
      %swap3A_623 = arith.index_cast %swap3A_622 : i32 to index
      %swap3A_624 = arith.index_cast %mul3A_621 : i32 to index
      %swap3A_625 = tpu.vector_load %arg6[%swap3A_623, %swap3A_624] {strides = array<i32>} : memref<16x768xf32, #tpu.memory_space<vmem>>, vector<1x16xf32>,
      %swap3A_626 = vector.shape_cast %swap3A_625 : vector<1x16xf32> to vector<16xf32>
      %swap3A_627 = vector.shape_cast %broadcast_in_dim3A_3 : vector<16xf32> to vector<1x16xf32>
      tpu.vector_store %arg6[%swap3A_623, %swap3A_624], %swap3A_627 {strides = array<i32>} : memref<16x768xf32, #tpu.memory_space<vmem>>, vector<1x16xf32>,
      %mul3A_628 = arith.constant 16 : i32
      %mul3A_629 = arith.muli %add3A_580, %mul3A_628 : i32
      %swap3A_630 = arith.constant 6 : i32
      %swap3A_631 = arith.index_cast %swap3A_630 : i32 to index
      %swap3A_632 = arith.index_cast %mul3A_629 : i32 to index
      %swap3A_633 = tpu.vector_load %arg6[%swap3A_631, %swap3A_632] {strides = array<i32>} : memref<16x768xf32, #tpu.memory_space<vmem>>, vector<1x16xf32>,
      %swap3A_634 = vector.shape_cast %swap3A_633 : vector<1x16xf32> to vector<16xf32>
      %swap3A_635 = vector.shape_cast %broadcast_in_dim3A_3 : vector<16xf32> to vector<1x16xf32>
      tpu.vector_store %arg6[%swap3A_631, %swap3A_632], %swap3A_635 {strides = array<i32>} : memref<16x768xf32, #tpu.memory_space<vmem>>, vector<1x16xf32>,
      %mul3A_636 = arith.constant 16 : i32
      %mul3A_637 = arith.muli %add3A_580, %mul3A_636 : i32
      %swap3A_638 = arith.constant 7 : i32
      %swap3A_639 = arith.index_cast %swap3A_638 : i32 to index
      %swap3A_640 = arith.index_cast %mul3A_637 : i32 to index
      %swap3A_641 = tpu.vector_load %arg6[%swap3A_639, %swap3A_640] {strides = array<i32>} : memref<16x768xf32, #tpu.memory_space<vmem>>, vector<1x16xf32>,
      %swap3A_642 = vector.shape_cast %swap3A_641 : vector<1x16xf32> to vector<16xf32>
      %swap3A_643 = vector.shape_cast %broadcast_in_dim3A_3 : vector<16xf32> to vector<1x16xf32>
      tpu.vector_store %arg6[%swap3A_639, %swap3A_640], %swap3A_643 {strides = array<i32>} : memref<16x768xf32, #tpu.memory_space<vmem>>, vector<1x16xf32>,
      %mul3A_644 = arith.constant 16 : i32
      %mul3A_645 = arith.muli %add3A_580, %mul3A_644 : i32
      %swap3A_646 = arith.constant 8 : i32
      %swap3A_647 = arith.index_cast %swap3A_646 : i32 to index
      %swap3A_648 = arith.index_cast %mul3A_645 : i32 to index
      %swap3A_649 = tpu.vector_load %arg6[%swap3A_647, %swap3A_648] {strides = array<i32>} : memref<16x768xf32, #tpu.memory_space<vmem>>, vector<1x16xf32>,
      %swap3A_650 = vector.shape_cast %swap3A_649 : vector<1x16xf32> to vector<16xf32>
      %swap3A_651 = vector.shape_cast %broadcast_in_dim3A_3 : vector<16xf32> to vector<1x16xf32>
      tpu.vector_store %arg6[%swap3A_647, %swap3A_648], %swap3A_651 {strides = array<i32>} : memref<16x768xf32, #tpu.memory_space<vmem>>, vector<1x16xf32>,
      %mul3A_652 = arith.constant 16 : i32
      %mul3A_653 = arith.muli %add3A_580, %mul3A_652 : i32
      %swap3A_654 = arith.constant 9 : i32
      %swap3A_655 = arith.index_cast %swap3A_654 : i32 to index
      %swap3A_656 = arith.index_cast %mul3A_653 : i32 to index
      %swap3A_657 = tpu.vector_load %arg6[%swap3A_655, %swap3A_656] {strides = array<i32>} : memref<16x768xf32, #tpu.memory_space<vmem>>, vector<1x16xf32>,
      %swap3A_658 = vector.shape_cast %swap3A_657 : vector<1x16xf32> to vector<16xf32>
      %swap3A_659 = vector.shape_cast %broadcast_in_dim3A_3 : vector<16xf32> to vector<1x16xf32>
      tpu.vector_store %arg6[%swap3A_655, %swap3A_656], %swap3A_659 {strides = array<i32>} : memref<16x768xf32, #tpu.memory_space<vmem>>, vector<1x16xf32>,
      %mul3A_660 = arith.constant 16 : i32
      %mul3A_661 = arith.muli %add3A_580, %mul3A_660 : i32
      %swap3A_662 = arith.constant 10 : i32
      %swap3A_663 = arith.index_cast %swap3A_662 : i32 to index
      %swap3A_664 = arith.index_cast %mul3A_661 : i32 to index
      %swap3A_665 = tpu.vector_load %arg6[%swap3A_663, %swap3A_664] {strides = array<i32>} : memref<16x768xf32, #tpu.memory_space<vmem>>, vector<1x16xf32>,
      %swap3A_666 = vector.shape_cast %swap3A_665 : vector<1x16xf32> to vector<16xf32>
      %swap3A_667 = vector.shape_cast %broadcast_in_dim3A_3 : vector<16xf32> to vector<1x16xf32>
      tpu.vector_store %arg6[%swap3A_663, %swap3A_664], %swap3A_667 {strides = array<i32>} : memref<16x768xf32, #tpu.memory_space<vmem>>, vector<1x16xf32>,
      %mul3A_668 = arith.constant 16 : i32
      %mul3A_669 = arith.muli %add3A_580, %mul3A_668 : i32
      %swap3A_670 = arith.constant 11 : i32
      %swap3A_671 = arith.index_cast %swap3A_670 : i32 to index
      %swap3A_672 = arith.index_cast %mul3A_669 : i32 to index
      %swap3A_673 = tpu.vector_load %arg6[%swap3A_671, %swap3A_672] {strides = array<i32>} : memref<16x768xf32, #tpu.memory_space<vmem>>, vector<1x16xf32>,
      %swap3A_674 = vector.shape_cast %swap3A_673 : vector<1x16xf32> to vector<16xf32>
      %swap3A_675 = vector.shape_cast %broadcast_in_dim3A_3 : vector<16xf32> to vector<1x16xf32>
      tpu.vector_store %arg6[%swap3A_671, %swap3A_672], %swap3A_675 {strides = array<i32>} : memref<16x768xf32, #tpu.memory_space<vmem>>, vector<1x16xf32>,
      %mul3A_676 = arith.constant 16 : i32
      %mul3A_677 = arith.muli %add3A_580, %mul3A_676 : i32
      %swap3A_678 = arith.constant 12 : i32
      %swap3A_679 = arith.index_cast %swap3A_678 : i32 to index
      %swap3A_680 = arith.index_cast %mul3A_677 : i32 to index
      %swap3A_681 = tpu.vector_load %arg6[%swap3A_679, %swap3A_680] {strides = array<i32>} : memref<16x768xf32, #tpu.memory_space<vmem>>, vector<1x16xf32>,
      %swap3A_682 = vector.shape_cast %swap3A_681 : vector<1x16xf32> to vector<16xf32>
      %swap3A_683 = vector.shape_cast %broadcast_in_dim3A_3 : vector<16xf32> to vector<1x16xf32>
      tpu.vector_store %arg6[%swap3A_679, %swap3A_680], %swap3A_683 {strides = array<i32>} : memref<16x768xf32, #tpu.memory_space<vmem>>, vector<1x16xf32>,
      %mul3A_684 = arith.constant 16 : i32
      %mul3A_685 = arith.muli %add3A_580, %mul3A_684 : i32
      %swap3A_686 = arith.constant 13 : i32
      %swap3A_687 = arith.index_cast %swap3A_686 : i32 to index
      %swap3A_688 = arith.index_cast %mul3A_685 : i32 to index
      %swap3A_689 = tpu.vector_load %arg6[%swap3A_687, %swap3A_688] {strides = array<i32>} : memref<16x768xf32, #tpu.memory_space<vmem>>, vector<1x16xf32>,
      %swap3A_690 = vector.shape_cast %swap3A_689 : vector<1x16xf32> to vector<16xf32>
      %swap3A_691 = vector.shape_cast %broadcast_in_dim3A_3 : vector<16xf32> to vector<1x16xf32>
      tpu.vector_store %arg6[%swap3A_687, %swap3A_688], %swap3A_691 {strides = array<i32>} : memref<16x768xf32, #tpu.memory_space<vmem>>, vector<1x16xf32>,
      %mul3A_692 = arith.constant 16 : i32
      %mul3A_693 = arith.muli %add3A_580, %mul3A_692 : i32
      %swap3A_694 = arith.constant 14 : i32
      %swap3A_695 = arith.index_cast %swap3A_694 : i32 to index
      %swap3A_696 = arith.index_cast %mul3A_693 : i32 to index
      %swap3A_697 = tpu.vector_load %arg6[%swap3A_695, %swap3A_696] {strides = array<i32>} : memref<16x768xf32, #tpu.memory_space<vmem>>, vector<1x16xf32>,
      %swap3A_698 = vector.shape_cast %swap3A_697 : vector<1x16xf32> to vector<16xf32>
      %swap3A_699 = vector.shape_cast %broadcast_in_dim3A_3 : vector<16xf32> to vector<1x16xf32>
      tpu.vector_store %arg6[%swap3A_695, %swap3A_696], %swap3A_699 {strides = array<i32>} : memref<16x768xf32, #tpu.memory_space<vmem>>, vector<1x16xf32>,
      %mul3A_700 = arith.constant 16 : i32
      %mul3A_701 = arith.muli %add3A_580, %mul3A_700 : i32
      %swap3A_702 = arith.constant 15 : i32
      %swap3A_703 = arith.index_cast %swap3A_702 : i32 to index
      %swap3A_704 = arith.index_cast %mul3A_701 : i32 to index
      %swap3A_705 = tpu.vector_load %arg6[%swap3A_703, %swap3A_704] {strides = array<i32>} : memref<16x768xf32, #tpu.memory_space<vmem>>, vector<1x16xf32>,
      %swap3A_706 = vector.shape_cast %swap3A_705 : vector<1x16xf32> to vector<16xf32>
      %swap3A_707 = vector.shape_cast %broadcast_in_dim3A_3 : vector<16xf32> to vector<1x16xf32>
      tpu.vector_store %arg6[%swap3A_703, %swap3A_704], %swap3A_707 {strides = array<i32>} : memref<16x768xf32, #tpu.memory_space<vmem>>, vector<1x16xf32>,
    }
    %scan3A_7 = arith.constant 48 : i32
    %scan3A_8 = arith.constant 0 : i32
    %scan3A_9 = arith.constant 0 : i32
    %scan3A_10 = arith.constant 66 : i32
    %scan3A_11 = arith.addi %scan3A_9, %scan3A_10 : i32
    %scan3A_12 = arith.constant 1 : i32
    scf.for %scan3A_576 = %scan3A_9 to %scan3A_11 step %scan3A_12  : i32 {
      %lt3A = arith.constant 64 : i32
      %lt3A_577 = arith.cmpi slt, %scan3A_576, %lt3A : i32
      %convert_element_type3A_578 = arith.extui %lt3A_577 : i1 to i32
      %cond3A_579 = arith.constant 0 : i32
      %cond3A_580 = arith.cmpi ne, %convert_element_type3A_578, %cond3A_579 : i32
      scf.if %cond3A_580 {
        %ge3A_821 = arith.constant 8 : i32
        %ge3A_822 = arith.cmpi sge, %scan3A_576, %ge3A_821 : i32
        %convert_element_type3A_823 = arith.extui %ge3A_822 : i1 to i32
        %cond3A_824 = arith.constant 0 : i32
        %cond3A_825 = arith.cmpi ne, %convert_element_type3A_823, %cond3A_824 : i32
        scf.if %cond3A_825 {
          %sub3A_882 = arith.constant 8 : i32
          %sub3A_883 = arith.subi %scan3A_576, %sub3A_882 : i32
          %and3A_884 = arith.constant 7 : i32
          %and3A_885 = arith.andi %sub3A_883, %and3A_884 : i32
          %eq3A_886 = arith.constant 0 : i32
          %eq3A_887 = arith.cmpi eq, %and3A_885, %eq3A_886 : i32
          %convert_element_type3A_888 = arith.extui %eq3A_887 : i1 to i32
          %cond3A_889 = arith.constant 0 : i32
          %cond3A_890 = arith.cmpi ne, %convert_element_type3A_888, %cond3A_889 : i32
          scf.if %cond3A_890 {
            %dma_wait3A = arith.constant 0 : i32
            %dma_wait3A_940 = tpu.memref_slice %arg3[%mul3A_2, %dma_wait3A] : memref<32768x768xf32, #tpu.memory_space<hbm>> -> memref<16x768xf32, #tpu.memory_space<hbm>>
            %dma_wait3A_941 = arith.constant 0 : i32
            %dma_wait3A_942 = tpu.memref_slice %arg3[%mul3A_2, %dma_wait3A_941] : memref<32768x768xf32, #tpu.memory_space<hbm>> -> memref<16x768xf32, #tpu.memory_space<hbm>>
            tpu.wait_dma2 semaphore(%arg16 : memref<!tpu.dma_semaphore, #tpu.memory_space<semaphore_mem>>) src(%arg7 : memref<16x768xf32, #tpu.memory_space<vmem>>) dst(%dma_wait3A_942 : memref<16x768xf32, #tpu.memory_space<hbm>>)
          } else {
          }
          %and3A_891 = arith.constant 7 : i32
          %and3A_892 = arith.andi %sub3A_883, %and3A_891 : i32
          %eq3A_893 = arith.constant 1 : i32
          %eq3A_894 = arith.cmpi eq, %and3A_892, %eq3A_893 : i32
          %convert_element_type3A_895 = arith.extui %eq3A_894 : i1 to i32
          %cond3A_896 = arith.constant 0 : i32
          %cond3A_897 = arith.cmpi ne, %convert_element_type3A_895, %cond3A_896 : i32
          scf.if %cond3A_897 {
            %dma_wait3A = arith.constant 0 : i32
            %dma_wait3A_940 = tpu.memref_slice %arg3[%mul3A_2, %dma_wait3A] : memref<32768x768xf32, #tpu.memory_space<hbm>> -> memref<16x768xf32, #tpu.memory_space<hbm>>
            %dma_wait3A_941 = arith.constant 0 : i32
            %dma_wait3A_942 = tpu.memref_slice %arg3[%mul3A_2, %dma_wait3A_941] : memref<32768x768xf32, #tpu.memory_space<hbm>> -> memref<16x768xf32, #tpu.memory_space<hbm>>
            tpu.wait_dma2 semaphore(%arg16 : memref<!tpu.dma_semaphore, #tpu.memory_space<semaphore_mem>>) src(%arg8 : memref<16x768xf32, #tpu.memory_space<vmem>>) dst(%dma_wait3A_942 : memref<16x768xf32, #tpu.memory_space<hbm>>)
          } else {
          }
          %and3A_898 = arith.constant 7 : i32
          %and3A_899 = arith.andi %sub3A_883, %and3A_898 : i32
          %eq3A_900 = arith.constant 2 : i32
          %eq3A_901 = arith.cmpi eq, %and3A_899, %eq3A_900 : i32
          %convert_element_type3A_902 = arith.extui %eq3A_901 : i1 to i32
          %cond3A_903 = arith.constant 0 : i32
          %cond3A_904 = arith.cmpi ne, %convert_element_type3A_902, %cond3A_903 : i32
          scf.if %cond3A_904 {
            %dma_wait3A = arith.constant 0 : i32
            %dma_wait3A_940 = tpu.memref_slice %arg3[%mul3A_2, %dma_wait3A] : memref<32768x768xf32, #tpu.memory_space<hbm>> -> memref<16x768xf32, #tpu.memory_space<hbm>>
            %dma_wait3A_941 = arith.constant 0 : i32
            %dma_wait3A_942 = tpu.memref_slice %arg3[%mul3A_2, %dma_wait3A_941] : memref<32768x768xf32, #tpu.memory_space<hbm>> -> memref<16x768xf32, #tpu.memory_space<hbm>>
            tpu.wait_dma2 semaphore(%arg16 : memref<!tpu.dma_semaphore, #tpu.memory_space<semaphore_mem>>) src(%arg9 : memref<16x768xf32, #tpu.memory_space<vmem>>) dst(%dma_wait3A_942 : memref<16x768xf32, #tpu.memory_space<hbm>>)
          } else {
          }
          %and3A_905 = arith.constant 7 : i32
          %and3A_906 = arith.andi %sub3A_883, %and3A_905 : i32
          %eq3A_907 = arith.constant 3 : i32
          %eq3A_908 = arith.cmpi eq, %and3A_906, %eq3A_907 : i32
          %convert_element_type3A_909 = arith.extui %eq3A_908 : i1 to i32
          %cond3A_910 = arith.constant 0 : i32
          %cond3A_911 = arith.cmpi ne, %convert_element_type3A_909, %cond3A_910 : i32
          scf.if %cond3A_911 {
            %dma_wait3A = arith.constant 0 : i32
            %dma_wait3A_940 = tpu.memref_slice %arg3[%mul3A_2, %dma_wait3A] : memref<32768x768xf32, #tpu.memory_space<hbm>> -> memref<16x768xf32, #tpu.memory_space<hbm>>
            %dma_wait3A_941 = arith.constant 0 : i32
            %dma_wait3A_942 = tpu.memref_slice %arg3[%mul3A_2, %dma_wait3A_941] : memref<32768x768xf32, #tpu.memory_space<hbm>> -> memref<16x768xf32, #tpu.memory_space<hbm>>
            tpu.wait_dma2 semaphore(%arg16 : memref<!tpu.dma_semaphore, #tpu.memory_space<semaphore_mem>>) src(%arg10 : memref<16x768xf32, #tpu.memory_space<vmem>>) dst(%dma_wait3A_942 : memref<16x768xf32, #tpu.memory_space<hbm>>)
          } else {
          }
          %and3A_912 = arith.constant 7 : i32
          %and3A_913 = arith.andi %sub3A_883, %and3A_912 : i32
          %eq3A_914 = arith.constant 4 : i32
          %eq3A_915 = arith.cmpi eq, %and3A_913, %eq3A_914 : i32
          %convert_element_type3A_916 = arith.extui %eq3A_915 : i1 to i32
          %cond3A_917 = arith.constant 0 : i32
          %cond3A_918 = arith.cmpi ne, %convert_element_type3A_916, %cond3A_917 : i32
          scf.if %cond3A_918 {
            %dma_wait3A = arith.constant 0 : i32
            %dma_wait3A_940 = tpu.memref_slice %arg3[%mul3A_2, %dma_wait3A] : memref<32768x768xf32, #tpu.memory_space<hbm>> -> memref<16x768xf32, #tpu.memory_space<hbm>>
            %dma_wait3A_941 = arith.constant 0 : i32
            %dma_wait3A_942 = tpu.memref_slice %arg3[%mul3A_2, %dma_wait3A_941] : memref<32768x768xf32, #tpu.memory_space<hbm>> -> memref<16x768xf32, #tpu.memory_space<hbm>>
            tpu.wait_dma2 semaphore(%arg16 : memref<!tpu.dma_semaphore, #tpu.memory_space<semaphore_mem>>) src(%arg11 : memref<16x768xf32, #tpu.memory_space<vmem>>) dst(%dma_wait3A_942 : memref<16x768xf32, #tpu.memory_space<hbm>>)
          } else {
          }
          %and3A_919 = arith.constant 7 : i32
          %and3A_920 = arith.andi %sub3A_883, %and3A_919 : i32
          %eq3A_921 = arith.constant 5 : i32
          %eq3A_922 = arith.cmpi eq, %and3A_920, %eq3A_921 : i32
          %convert_element_type3A_923 = arith.extui %eq3A_922 : i1 to i32
          %cond3A_924 = arith.constant 0 : i32
          %cond3A_925 = arith.cmpi ne, %convert_element_type3A_923, %cond3A_924 : i32
          scf.if %cond3A_925 {
            %dma_wait3A = arith.constant 0 : i32
            %dma_wait3A_940 = tpu.memref_slice %arg3[%mul3A_2, %dma_wait3A] : memref<32768x768xf32, #tpu.memory_space<hbm>> -> memref<16x768xf32, #tpu.memory_space<hbm>>
            %dma_wait3A_941 = arith.constant 0 : i32
            %dma_wait3A_942 = tpu.memref_slice %arg3[%mul3A_2, %dma_wait3A_941] : memref<32768x768xf32, #tpu.memory_space<hbm>> -> memref<16x768xf32, #tpu.memory_space<hbm>>
            tpu.wait_dma2 semaphore(%arg16 : memref<!tpu.dma_semaphore, #tpu.memory_space<semaphore_mem>>) src(%arg12 : memref<16x768xf32, #tpu.memory_space<vmem>>) dst(%dma_wait3A_942 : memref<16x768xf32, #tpu.memory_space<hbm>>)
          } else {
          }
          %and3A_926 = arith.constant 7 : i32
          %and3A_927 = arith.andi %sub3A_883, %and3A_926 : i32
          %eq3A_928 = arith.constant 6 : i32
          %eq3A_929 = arith.cmpi eq, %and3A_927, %eq3A_928 : i32
          %convert_element_type3A_930 = arith.extui %eq3A_929 : i1 to i32
          %cond3A_931 = arith.constant 0 : i32
          %cond3A_932 = arith.cmpi ne, %convert_element_type3A_930, %cond3A_931 : i32
          scf.if %cond3A_932 {
            %dma_wait3A = arith.constant 0 : i32
            %dma_wait3A_940 = tpu.memref_slice %arg3[%mul3A_2, %dma_wait3A] : memref<32768x768xf32, #tpu.memory_space<hbm>> -> memref<16x768xf32, #tpu.memory_space<hbm>>
            %dma_wait3A_941 = arith.constant 0 : i32
            %dma_wait3A_942 = tpu.memref_slice %arg3[%mul3A_2, %dma_wait3A_941] : memref<32768x768xf32, #tpu.memory_space<hbm>> -> memref<16x768xf32, #tpu.memory_space<hbm>>
            tpu.wait_dma2 semaphore(%arg16 : memref<!tpu.dma_semaphore, #tpu.memory_space<semaphore_mem>>) src(%arg13 : memref<16x768xf32, #tpu.memory_space<vmem>>) dst(%dma_wait3A_942 : memref<16x768xf32, #tpu.memory_space<hbm>>)
          } else {
          }
          %and3A_933 = arith.constant 7 : i32
          %and3A_934 = arith.andi %sub3A_883, %and3A_933 : i32
          %eq3A_935 = arith.constant 7 : i32
          %eq3A_936 = arith.cmpi eq, %and3A_934, %eq3A_935 : i32
          %convert_element_type3A_937 = arith.extui %eq3A_936 : i1 to i32
          %cond3A_938 = arith.constant 0 : i32
          %cond3A_939 = arith.cmpi ne, %convert_element_type3A_937, %cond3A_938 : i32
          scf.if %cond3A_939 {
            %dma_wait3A = arith.constant 0 : i32
            %dma_wait3A_940 = tpu.memref_slice %arg3[%mul3A_2, %dma_wait3A] : memref<32768x768xf32, #tpu.memory_space<hbm>> -> memref<16x768xf32, #tpu.memory_space<hbm>>
            %dma_wait3A_941 = arith.constant 0 : i32
            %dma_wait3A_942 = tpu.memref_slice %arg3[%mul3A_2, %dma_wait3A_941] : memref<32768x768xf32, #tpu.memory_space<hbm>> -> memref<16x768xf32, #tpu.memory_space<hbm>>
            tpu.wait_dma2 semaphore(%arg16 : memref<!tpu.dma_semaphore, #tpu.memory_space<semaphore_mem>>) src(%arg14 : memref<16x768xf32, #tpu.memory_space<vmem>>) dst(%dma_wait3A_942 : memref<16x768xf32, #tpu.memory_space<hbm>>)
          } else {
          }
        } else {
        }
        %and3A_826 = arith.constant 7 : i32
        %and3A_827 = arith.andi %scan3A_576, %and3A_826 : i32
        %eq3A_828 = arith.constant 0 : i32
        %eq3A_829 = arith.cmpi eq, %and3A_827, %eq3A_828 : i32
        %convert_element_type3A_830 = arith.extui %eq3A_829 : i1 to i32
        %cond3A_831 = arith.constant 0 : i32
        %cond3A_832 = arith.cmpi ne, %convert_element_type3A_830, %cond3A_831 : i32
        scf.if %cond3A_832 {
          %mul3A_882 = arith.constant 16 : i32
          %mul3A_883 = arith.muli %scan3A_576, %mul3A_882 : i32
          %add3A_884 = arith.addi %mul3A_2, %mul3A_883 : i32
          %dma_start3A = arith.constant 0 : i32
          %dma_start3A_885 = tpu.memref_slice %arg2[%add3A_884, %dma_start3A] : memref<32768x768xf32, #tpu.memory_space<hbm>> -> memref<16x768xf32, #tpu.memory_space<hbm>>
          %dma_start3A_886 = arith.constant 0 : i32
          %dma_start3A_887 = tpu.memref_slice %arg2[%add3A_884, %dma_start3A_886] : memref<32768x768xf32, #tpu.memory_space<hbm>> -> memref<16x768xf32, #tpu.memory_space<hbm>>
          tpu.enqueue_dma source(%dma_start3A_887 : memref<16x768xf32, #tpu.memory_space<hbm>>) target(%arg7 : memref<16x768xf32, #tpu.memory_space<vmem>>) target_semaphore(%arg15 : memref<!tpu.dma_semaphore, #tpu.memory_space<semaphore_mem>>)
        } else {
        }
        %and3A_833 = arith.constant 7 : i32
        %and3A_834 = arith.andi %scan3A_576, %and3A_833 : i32
        %eq3A_835 = arith.constant 1 : i32
        %eq3A_836 = arith.cmpi eq, %and3A_834, %eq3A_835 : i32
        %convert_element_type3A_837 = arith.extui %eq3A_836 : i1 to i32
        %cond3A_838 = arith.constant 0 : i32
        %cond3A_839 = arith.cmpi ne, %convert_element_type3A_837, %cond3A_838 : i32
        scf.if %cond3A_839 {
          %mul3A_882 = arith.constant 16 : i32
          %mul3A_883 = arith.muli %scan3A_576, %mul3A_882 : i32
          %add3A_884 = arith.addi %mul3A_2, %mul3A_883 : i32
          %dma_start3A = arith.constant 0 : i32
          %dma_start3A_885 = tpu.memref_slice %arg2[%add3A_884, %dma_start3A] : memref<32768x768xf32, #tpu.memory_space<hbm>> -> memref<16x768xf32, #tpu.memory_space<hbm>>
          %dma_start3A_886 = arith.constant 0 : i32
          %dma_start3A_887 = tpu.memref_slice %arg2[%add3A_884, %dma_start3A_886] : memref<32768x768xf32, #tpu.memory_space<hbm>> -> memref<16x768xf32, #tpu.memory_space<hbm>>
          tpu.enqueue_dma source(%dma_start3A_887 : memref<16x768xf32, #tpu.memory_space<hbm>>) target(%arg8 : memref<16x768xf32, #tpu.memory_space<vmem>>) target_semaphore(%arg15 : memref<!tpu.dma_semaphore, #tpu.memory_space<semaphore_mem>>)
        } else {
        }
        %and3A_840 = arith.constant 7 : i32
        %and3A_841 = arith.andi %scan3A_576, %and3A_840 : i32
        %eq3A_842 = arith.constant 2 : i32
        %eq3A_843 = arith.cmpi eq, %and3A_841, %eq3A_842 : i32
        %convert_element_type3A_844 = arith.extui %eq3A_843 : i1 to i32
        %cond3A_845 = arith.constant 0 : i32
        %cond3A_846 = arith.cmpi ne, %convert_element_type3A_844, %cond3A_845 : i32
        scf.if %cond3A_846 {
          %mul3A_882 = arith.constant 16 : i32
          %mul3A_883 = arith.muli %scan3A_576, %mul3A_882 : i32
          %add3A_884 = arith.addi %mul3A_2, %mul3A_883 : i32
          %dma_start3A = arith.constant 0 : i32
          %dma_start3A_885 = tpu.memref_slice %arg2[%add3A_884, %dma_start3A] : memref<32768x768xf32, #tpu.memory_space<hbm>> -> memref<16x768xf32, #tpu.memory_space<hbm>>
          %dma_start3A_886 = arith.constant 0 : i32
          %dma_start3A_887 = tpu.memref_slice %arg2[%add3A_884, %dma_start3A_886] : memref<32768x768xf32, #tpu.memory_space<hbm>> -> memref<16x768xf32, #tpu.memory_space<hbm>>
          tpu.enqueue_dma source(%dma_start3A_887 : memref<16x768xf32, #tpu.memory_space<hbm>>) target(%arg9 : memref<16x768xf32, #tpu.memory_space<vmem>>) target_semaphore(%arg15 : memref<!tpu.dma_semaphore, #tpu.memory_space<semaphore_mem>>)
        } else {
        }
        %and3A_847 = arith.constant 7 : i32
        %and3A_848 = arith.andi %scan3A_576, %and3A_847 : i32
        %eq3A_849 = arith.constant 3 : i32
        %eq3A_850 = arith.cmpi eq, %and3A_848, %eq3A_849 : i32
        %convert_element_type3A_851 = arith.extui %eq3A_850 : i1 to i32
        %cond3A_852 = arith.constant 0 : i32
        %cond3A_853 = arith.cmpi ne, %convert_element_type3A_851, %cond3A_852 : i32
        scf.if %cond3A_853 {
          %mul3A_882 = arith.constant 16 : i32
          %mul3A_883 = arith.muli %scan3A_576, %mul3A_882 : i32
          %add3A_884 = arith.addi %mul3A_2, %mul3A_883 : i32
          %dma_start3A = arith.constant 0 : i32
          %dma_start3A_885 = tpu.memref_slice %arg2[%add3A_884, %dma_start3A] : memref<32768x768xf32, #tpu.memory_space<hbm>> -> memref<16x768xf32, #tpu.memory_space<hbm>>
          %dma_start3A_886 = arith.constant 0 : i32
          %dma_start3A_887 = tpu.memref_slice %arg2[%add3A_884, %dma_start3A_886] : memref<32768x768xf32, #tpu.memory_space<hbm>> -> memref<16x768xf32, #tpu.memory_space<hbm>>
          tpu.enqueue_dma source(%dma_start3A_887 : memref<16x768xf32, #tpu.memory_space<hbm>>) target(%arg10 : memref<16x768xf32, #tpu.memory_space<vmem>>) target_semaphore(%arg15 : memref<!tpu.dma_semaphore, #tpu.memory_space<semaphore_mem>>)
        } else {
        }
        %and3A_854 = arith.constant 7 : i32
        %and3A_855 = arith.andi %scan3A_576, %and3A_854 : i32
        %eq3A_856 = arith.constant 4 : i32
        %eq3A_857 = arith.cmpi eq, %and3A_855, %eq3A_856 : i32
        %convert_element_type3A_858 = arith.extui %eq3A_857 : i1 to i32
        %cond3A_859 = arith.constant 0 : i32
        %cond3A_860 = arith.cmpi ne, %convert_element_type3A_858, %cond3A_859 : i32
        scf.if %cond3A_860 {
          %mul3A_882 = arith.constant 16 : i32
          %mul3A_883 = arith.muli %scan3A_576, %mul3A_882 : i32
          %add3A_884 = arith.addi %mul3A_2, %mul3A_883 : i32
          %dma_start3A = arith.constant 0 : i32
          %dma_start3A_885 = tpu.memref_slice %arg2[%add3A_884, %dma_start3A] : memref<32768x768xf32, #tpu.memory_space<hbm>> -> memref<16x768xf32, #tpu.memory_space<hbm>>
          %dma_start3A_886 = arith.constant 0 : i32
          %dma_start3A_887 = tpu.memref_slice %arg2[%add3A_884, %dma_start3A_886] : memref<32768x768xf32, #tpu.memory_space<hbm>> -> memref<16x768xf32, #tpu.memory_space<hbm>>
          tpu.enqueue_dma source(%dma_start3A_887 : memref<16x768xf32, #tpu.memory_space<hbm>>) target(%arg11 : memref<16x768xf32, #tpu.memory_space<vmem>>) target_semaphore(%arg15 : memref<!tpu.dma_semaphore, #tpu.memory_space<semaphore_mem>>)
        } else {
        }
        %and3A_861 = arith.constant 7 : i32
        %and3A_862 = arith.andi %scan3A_576, %and3A_861 : i32
        %eq3A_863 = arith.constant 5 : i32
        %eq3A_864 = arith.cmpi eq, %and3A_862, %eq3A_863 : i32
        %convert_element_type3A_865 = arith.extui %eq3A_864 : i1 to i32
        %cond3A_866 = arith.constant 0 : i32
        %cond3A_867 = arith.cmpi ne, %convert_element_type3A_865, %cond3A_866 : i32
        scf.if %cond3A_867 {
          %mul3A_882 = arith.constant 16 : i32
          %mul3A_883 = arith.muli %scan3A_576, %mul3A_882 : i32
          %add3A_884 = arith.addi %mul3A_2, %mul3A_883 : i32
          %dma_start3A = arith.constant 0 : i32
          %dma_start3A_885 = tpu.memref_slice %arg2[%add3A_884, %dma_start3A] : memref<32768x768xf32, #tpu.memory_space<hbm>> -> memref<16x768xf32, #tpu.memory_space<hbm>>
          %dma_start3A_886 = arith.constant 0 : i32
          %dma_start3A_887 = tpu.memref_slice %arg2[%add3A_884, %dma_start3A_886] : memref<32768x768xf32, #tpu.memory_space<hbm>> -> memref<16x768xf32, #tpu.memory_space<hbm>>
          tpu.enqueue_dma source(%dma_start3A_887 : memref<16x768xf32, #tpu.memory_space<hbm>>) target(%arg12 : memref<16x768xf32, #tpu.memory_space<vmem>>) target_semaphore(%arg15 : memref<!tpu.dma_semaphore, #tpu.memory_space<semaphore_mem>>)
        } else {
        }
        %and3A_868 = arith.constant 7 : i32
        %and3A_869 = arith.andi %scan3A_576, %and3A_868 : i32
        %eq3A_870 = arith.constant 6 : i32
        %eq3A_871 = arith.cmpi eq, %and3A_869, %eq3A_870 : i32
        %convert_element_type3A_872 = arith.extui %eq3A_871 : i1 to i32
        %cond3A_873 = arith.constant 0 : i32
        %cond3A_874 = arith.cmpi ne, %convert_element_type3A_872, %cond3A_873 : i32
        scf.if %cond3A_874 {
          %mul3A_882 = arith.constant 16 : i32
          %mul3A_883 = arith.muli %scan3A_576, %mul3A_882 : i32
          %add3A_884 = arith.addi %mul3A_2, %mul3A_883 : i32
          %dma_start3A = arith.constant 0 : i32
          %dma_start3A_885 = tpu.memref_slice %arg2[%add3A_884, %dma_start3A] : memref<32768x768xf32, #tpu.memory_space<hbm>> -> memref<16x768xf32, #tpu.memory_space<hbm>>
          %dma_start3A_886 = arith.constant 0 : i32
          %dma_start3A_887 = tpu.memref_slice %arg2[%add3A_884, %dma_start3A_886] : memref<32768x768xf32, #tpu.memory_space<hbm>> -> memref<16x768xf32, #tpu.memory_space<hbm>>
          tpu.enqueue_dma source(%dma_start3A_887 : memref<16x768xf32, #tpu.memory_space<hbm>>) target(%arg13 : memref<16x768xf32, #tpu.memory_space<vmem>>) target_semaphore(%arg15 : memref<!tpu.dma_semaphore, #tpu.memory_space<semaphore_mem>>)
        } else {
        }
        %and3A_875 = arith.constant 7 : i32
        %and3A_876 = arith.andi %scan3A_576, %and3A_875 : i32
        %eq3A_877 = arith.constant 7 : i32
        %eq3A_878 = arith.cmpi eq, %and3A_876, %eq3A_877 : i32
        %convert_element_type3A_879 = arith.extui %eq3A_878 : i1 to i32
        %cond3A_880 = arith.constant 0 : i32
        %cond3A_881 = arith.cmpi ne, %convert_element_type3A_879, %cond3A_880 : i32
        scf.if %cond3A_881 {
          %mul3A_882 = arith.constant 16 : i32
          %mul3A_883 = arith.muli %scan3A_576, %mul3A_882 : i32
          %add3A_884 = arith.addi %mul3A_2, %mul3A_883 : i32
          %dma_start3A = arith.constant 0 : i32
          %dma_start3A_885 = tpu.memref_slice %arg2[%add3A_884, %dma_start3A] : memref<32768x768xf32, #tpu.memory_space<hbm>> -> memref<16x768xf32, #tpu.memory_space<hbm>>
          %dma_start3A_886 = arith.constant 0 : i32
          %dma_start3A_887 = tpu.memref_slice %arg2[%add3A_884, %dma_start3A_886] : memref<32768x768xf32, #tpu.memory_space<hbm>> -> memref<16x768xf32, #tpu.memory_space<hbm>>
          tpu.enqueue_dma source(%dma_start3A_887 : memref<16x768xf32, #tpu.memory_space<hbm>>) target(%arg14 : memref<16x768xf32, #tpu.memory_space<vmem>>) target_semaphore(%arg15 : memref<!tpu.dma_semaphore, #tpu.memory_space<semaphore_mem>>)
        } else {
        }
      } else {
      }
      %and3A_581 = arith.constant 63 : i32
      %and3A_582 = arith.andi %scan3A_576, %and3A_581 : i32
      %mul3A_583 = arith.constant 16 : i32
      %mul3A_584 = arith.muli %and3A_582, %mul3A_583 : i32
      %add3A_585 = arith.addi %mul3A_2, %mul3A_584 : i32
      %add3A_586 = vector.broadcast %add3A_585 : i32 to vector<16xi32>
      %add3A_587 = arith.addi %add3A_586, %iota3A : vector<16xi32>
      %broadcast_in_dim3A_588 = arith.constant 928981903 : i32
      %broadcast_in_dim3A_589 = vector.broadcast %broadcast_in_dim3A_588 : i32 to vector<16xi32>
      %add3A_590 = arith.constant -841280227 : i32
      %add3A_591 = vector.broadcast %add3A_590 : i32 to vector<16xi32>
      %add3A_592 = arith.addi %add3A_587, %add3A_591 : vector<16xi32>
      %add3A_593 = arith.addi %broadcast_in_dim3A_589, %add3A_592 : vector<16xi32>
      %shift_left3A = arith.constant 13 : i32
      %shift_left3A_594 = vector.broadcast %shift_left3A : i32 to vector<16xi32>
      %shift_left3A_595 = arith.shli %add3A_592, %shift_left3A_594 : vector<16xi32>
      %shift_right_logical3A = arith.constant 19 : i32
      %shift_right_logical3A_596 = vector.broadcast %shift_right_logical3A : i32 to vector<16xi32>
      %shift_right_logical3A_597 = arith.shrui %add3A_592, %shift_right_logical3A_596 : vector<16xi32>
      %or3A = arith.ori %shift_left3A_595, %shift_right_logical3A_597 : vector<16xi32>
      %xor3A = arith.xori %add3A_593, %or3A : vector<16xi32>
      %add3A_598 = arith.addi %add3A_593, %xor3A : vector<16xi32>
      %shift_left3A_599 = arith.constant 15 : i32
      %shift_left3A_600 = vector.broadcast %shift_left3A_599 : i32 to vector<16xi32>
      %shift_left3A_601 = arith.shli %xor3A, %shift_left3A_600 : vector<16xi32>
      %shift_right_logical3A_602 = arith.constant 17 : i32
      %shift_right_logical3A_603 = vector.broadcast %shift_right_logical3A_602 : i32 to vector<16xi32>
      %shift_right_logical3A_604 = arith.shrui %xor3A, %shift_right_logical3A_603 : vector<16xi32>
      %or3A_605 = arith.ori %shift_left3A_601, %shift_right_logical3A_604 : vector<16xi32>
      %xor3A_606 = arith.xori %add3A_598, %or3A_605 : vector<16xi32>
      %add3A_607 = arith.addi %add3A_598, %xor3A_606 : vector<16xi32>
      %shift_left3A_608 = arith.constant 26 : i32
      %shift_left3A_609 = vector.broadcast %shift_left3A_608 : i32 to vector<16xi32>
      %shift_left3A_610 = arith.shli %xor3A_606, %shift_left3A_609 : vector<16xi32>
      %shift_right_logical3A_611 = arith.constant 6 : i32
      %shift_right_logical3A_612 = vector.broadcast %shift_right_logical3A_611 : i32 to vector<16xi32>
      %shift_right_logical3A_613 = arith.shrui %xor3A_606, %shift_right_logical3A_612 : vector<16xi32>
      %or3A_614 = arith.ori %shift_left3A_610, %shift_right_logical3A_613 : vector<16xi32>
      %xor3A_615 = arith.xori %add3A_607, %or3A_614 : vector<16xi32>
      %add3A_616 = arith.addi %add3A_607, %xor3A_615 : vector<16xi32>
      %shift_left3A_617 = arith.constant 6 : i32
      %shift_left3A_618 = vector.broadcast %shift_left3A_617 : i32 to vector<16xi32>
      %shift_left3A_619 = arith.shli %xor3A_615, %shift_left3A_618 : vector<16xi32>
      %shift_right_logical3A_620 = arith.constant 26 : i32
      %shift_right_logical3A_621 = vector.broadcast %shift_right_logical3A_620 : i32 to vector<16xi32>
      %shift_right_logical3A_622 = arith.shrui %xor3A_615, %shift_right_logical3A_621 : vector<16xi32>
      %or3A_623 = arith.ori %shift_left3A_619, %shift_right_logical3A_622 : vector<16xi32>
      %xor3A_624 = arith.xori %add3A_616, %or3A_623 : vector<16xi32>
      %add3A_625 = arith.constant -841280227 : i32
      %add3A_626 = vector.broadcast %add3A_625 : i32 to vector<16xi32>
      %add3A_627 = arith.addi %add3A_616, %add3A_626 : vector<16xi32>
      %add3A_628 = arith.constant -514511543 : i32
      %add3A_629 = vector.broadcast %add3A_628 : i32 to vector<16xi32>
      %add3A_630 = arith.addi %xor3A_624, %add3A_629 : vector<16xi32>
      %add3A_631 = arith.addi %add3A_627, %add3A_630 : vector<16xi32>
      %shift_left3A_632 = arith.constant 17 : i32
      %shift_left3A_633 = vector.broadcast %shift_left3A_632 : i32 to vector<16xi32>
      %shift_left3A_634 = arith.shli %add3A_630, %shift_left3A_633 : vector<16xi32>
      %shift_right_logical3A_635 = arith.constant 15 : i32
      %shift_right_logical3A_636 = vector.broadcast %shift_right_logical3A_635 : i32 to vector<16xi32>
      %shift_right_logical3A_637 = arith.shrui %add3A_630, %shift_right_logical3A_636 : vector<16xi32>
      %or3A_638 = arith.ori %shift_left3A_634, %shift_right_logical3A_637 : vector<16xi32>
      %xor3A_639 = arith.xori %add3A_631, %or3A_638 : vector<16xi32>
      %add3A_640 = arith.addi %add3A_631, %xor3A_639 : vector<16xi32>
      %shift_left3A_641 = arith.constant 29 : i32
      %shift_left3A_642 = vector.broadcast %shift_left3A_641 : i32 to vector<16xi32>
      %shift_left3A_643 = arith.shli %xor3A_639, %shift_left3A_642 : vector<16xi32>
      %shift_right_logical3A_644 = arith.constant 3 : i32
      %shift_right_logical3A_645 = vector.broadcast %shift_right_logical3A_644 : i32 to vector<16xi32>
      %shift_right_logical3A_646 = arith.shrui %xor3A_639, %shift_right_logical3A_645 : vector<16xi32>
      %or3A_647 = arith.ori %shift_left3A_643, %shift_right_logical3A_646 : vector<16xi32>
      %xor3A_648 = arith.xori %add3A_640, %or3A_647 : vector<16xi32>
      %add3A_649 = arith.addi %add3A_640, %xor3A_648 : vector<16xi32>
      %shift_left3A_650 = arith.constant 16 : i32
      %shift_left3A_651 = vector.broadcast %shift_left3A_650 : i32 to vector<16xi32>
      %shift_left3A_652 = arith.shli %xor3A_648, %shift_left3A_651 : vector<16xi32>
      %shift_right_logical3A_653 = arith.constant 16 : i32
      %shift_right_logical3A_654 = vector.broadcast %shift_right_logical3A_653 : i32 to vector<16xi32>
      %shift_right_logical3A_655 = arith.shrui %xor3A_648, %shift_right_logical3A_654 : vector<16xi32>
      %or3A_656 = arith.ori %shift_left3A_652, %shift_right_logical3A_655 : vector<16xi32>
      %xor3A_657 = arith.xori %add3A_649, %or3A_656 : vector<16xi32>
      %add3A_658 = arith.addi %add3A_649, %xor3A_657 : vector<16xi32>
      %shift_left3A_659 = arith.constant 24 : i32
      %shift_left3A_660 = vector.broadcast %shift_left3A_659 : i32 to vector<16xi32>
      %shift_left3A_661 = arith.shli %xor3A_657, %shift_left3A_660 : vector<16xi32>
      %shift_right_logical3A_662 = arith.constant 8 : i32
      %shift_right_logical3A_663 = vector.broadcast %shift_right_logical3A_662 : i32 to vector<16xi32>
      %shift_right_logical3A_664 = arith.shrui %xor3A_657, %shift_right_logical3A_663 : vector<16xi32>
      %or3A_665 = arith.ori %shift_left3A_661, %shift_right_logical3A_664 : vector<16xi32>
      %xor3A_666 = arith.xori %add3A_658, %or3A_665 : vector<16xi32>
      %add3A_667 = arith.constant -514511544 : i32
      %add3A_668 = vector.broadcast %add3A_667 : i32 to vector<16xi32>
      %add3A_669 = arith.addi %add3A_658, %add3A_668 : vector<16xi32>
      %add3A_670 = arith.constant 928981905 : i32
      %add3A_671 = vector.broadcast %add3A_670 : i32 to vector<16xi32>
      %add3A_672 = arith.addi %xor3A_666, %add3A_671 : vector<16xi32>
      %add3A_673 = arith.addi %add3A_669, %add3A_672 : vector<16xi32>
      %shift_left3A_674 = arith.constant 13 : i32
      %shift_left3A_675 = vector.broadcast %shift_left3A_674 : i32 to vector<16xi32>
      %shift_left3A_676 = arith.shli %add3A_672, %shift_left3A_675 : vector<16xi32>
      %shift_right_logical3A_677 = arith.constant 19 : i32
      %shift_right_logical3A_678 = vector.broadcast %shift_right_logical3A_677 : i32 to vector<16xi32>
      %shift_right_logical3A_679 = arith.shrui %add3A_672, %shift_right_logical3A_678 : vector<16xi32>
      %or3A_680 = arith.ori %shift_left3A_676, %shift_right_logical3A_679 : vector<16xi32>
      %xor3A_681 = arith.xori %add3A_673, %or3A_680 : vector<16xi32>
      %add3A_682 = arith.addi %add3A_673, %xor3A_681 : vector<16xi32>
      %shift_left3A_683 = arith.constant 15 : i32
      %shift_left3A_684 = vector.broadcast %shift_left3A_683 : i32 to vector<16xi32>
      %shift_left3A_685 = arith.shli %xor3A_681, %shift_left3A_684 : vector<16xi32>
      %shift_right_logical3A_686 = arith.constant 17 : i32
      %shift_right_logical3A_687 = vector.broadcast %shift_right_logical3A_686 : i32 to vector<16xi32>
      %shift_right_logical3A_688 = arith.shrui %xor3A_681, %shift_right_logical3A_687 : vector<16xi32>
      %or3A_689 = arith.ori %shift_left3A_685, %shift_right_logical3A_688 : vector<16xi32>
      %xor3A_690 = arith.xori %add3A_682, %or3A_689 : vector<16xi32>
      %add3A_691 = arith.addi %add3A_682, %xor3A_690 : vector<16xi32>
      %shift_left3A_692 = arith.constant 26 : i32
      %shift_left3A_693 = vector.broadcast %shift_left3A_692 : i32 to vector<16xi32>
      %shift_left3A_694 = arith.shli %xor3A_690, %shift_left3A_693 : vector<16xi32>
      %shift_right_logical3A_695 = arith.constant 6 : i32
      %shift_right_logical3A_696 = vector.broadcast %shift_right_logical3A_695 : i32 to vector<16xi32>
      %shift_right_logical3A_697 = arith.shrui %xor3A_690, %shift_right_logical3A_696 : vector<16xi32>
      %or3A_698 = arith.ori %shift_left3A_694, %shift_right_logical3A_697 : vector<16xi32>
      %xor3A_699 = arith.xori %add3A_691, %or3A_698 : vector<16xi32>
      %add3A_700 = arith.addi %add3A_691, %xor3A_699 : vector<16xi32>
      %shift_left3A_701 = arith.constant 6 : i32
      %shift_left3A_702 = vector.broadcast %shift_left3A_701 : i32 to vector<16xi32>
      %shift_left3A_703 = arith.shli %xor3A_699, %shift_left3A_702 : vector<16xi32>
      %shift_right_logical3A_704 = arith.constant 26 : i32
      %shift_right_logical3A_705 = vector.broadcast %shift_right_logical3A_704 : i32 to vector<16xi32>
      %shift_right_logical3A_706 = arith.shrui %xor3A_699, %shift_right_logical3A_705 : vector<16xi32>
      %or3A_707 = arith.ori %shift_left3A_703, %shift_right_logical3A_706 : vector<16xi32>
      %xor3A_708 = arith.xori %add3A_700, %or3A_707 : vector<16xi32>
      %add3A_709 = arith.constant 928981903 : i32
      %add3A_710 = vector.broadcast %add3A_709 : i32 to vector<16xi32>
      %add3A_711 = arith.addi %add3A_700, %add3A_710 : vector<16xi32>
      %add3A_712 = arith.constant -841280224 : i32
      %add3A_713 = vector.broadcast %add3A_712 : i32 to vector<16xi32>
      %add3A_714 = arith.addi %xor3A_708, %add3A_713 : vector<16xi32>
      %add3A_715 = arith.addi %add3A_711, %add3A_714 : vector<16xi32>
      %shift_left3A_716 = arith.constant 17 : i32
      %shift_left3A_717 = vector.broadcast %shift_left3A_716 : i32 to vector<16xi32>
      %shift_left3A_718 = arith.shli %add3A_714, %shift_left3A_717 : vector<16xi32>
      %shift_right_logical3A_719 = arith.constant 15 : i32
      %shift_right_logical3A_720 = vector.broadcast %shift_right_logical3A_719 : i32 to vector<16xi32>
      %shift_right_logical3A_721 = arith.shrui %add3A_714, %shift_right_logical3A_720 : vector<16xi32>
      %or3A_722 = arith.ori %shift_left3A_718, %shift_right_logical3A_721 : vector<16xi32>
      %xor3A_723 = arith.xori %add3A_715, %or3A_722 : vector<16xi32>
      %add3A_724 = arith.addi %add3A_715, %xor3A_723 : vector<16xi32>
      %shift_left3A_725 = arith.constant 29 : i32
      %shift_left3A_726 = vector.broadcast %shift_left3A_725 : i32 to vector<16xi32>
      %shift_left3A_727 = arith.shli %xor3A_723, %shift_left3A_726 : vector<16xi32>
      %shift_right_logical3A_728 = arith.constant 3 : i32
      %shift_right_logical3A_729 = vector.broadcast %shift_right_logical3A_728 : i32 to vector<16xi32>
      %shift_right_logical3A_730 = arith.shrui %xor3A_723, %shift_right_logical3A_729 : vector<16xi32>
      %or3A_731 = arith.ori %shift_left3A_727, %shift_right_logical3A_730 : vector<16xi32>
      %xor3A_732 = arith.xori %add3A_724, %or3A_731 : vector<16xi32>
      %add3A_733 = arith.addi %add3A_724, %xor3A_732 : vector<16xi32>
      %shift_left3A_734 = arith.constant 16 : i32
      %shift_left3A_735 = vector.broadcast %shift_left3A_734 : i32 to vector<16xi32>
      %shift_left3A_736 = arith.shli %xor3A_732, %shift_left3A_735 : vector<16xi32>
      %shift_right_logical3A_737 = arith.constant 16 : i32
      %shift_right_logical3A_738 = vector.broadcast %shift_right_logical3A_737 : i32 to vector<16xi32>
      %shift_right_logical3A_739 = arith.shrui %xor3A_732, %shift_right_logical3A_738 : vector<16xi32>
      %or3A_740 = arith.ori %shift_left3A_736, %shift_right_logical3A_739 : vector<16xi32>
      %xor3A_741 = arith.xori %add3A_733, %or3A_740 : vector<16xi32>
      %add3A_742 = arith.addi %add3A_733, %xor3A_741 : vector<16xi32>
      %shift_left3A_743 = arith.constant 24 : i32
      %shift_left3A_744 = vector.broadcast %shift_left3A_743 : i32 to vector<16xi32>
      %shift_left3A_745 = arith.shli %xor3A_741, %shift_left3A_744 : vector<16xi32>
      %shift_right_logical3A_746 = arith.constant 8 : i32
      %shift_right_logical3A_747 = vector.broadcast %shift_right_logical3A_746 : i32 to vector<16xi32>
      %shift_right_logical3A_748 = arith.shrui %xor3A_741, %shift_right_logical3A_747 : vector<16xi32>
      %or3A_749 = arith.ori %shift_left3A_745, %shift_right_logical3A_748 : vector<16xi32>
      %xor3A_750 = arith.xori %add3A_742, %or3A_749 : vector<16xi32>
      %add3A_751 = arith.constant -841280227 : i32
      %add3A_752 = vector.broadcast %add3A_751 : i32 to vector<16xi32>
      %add3A_753 = arith.addi %add3A_742, %add3A_752 : vector<16xi32>
      %add3A_754 = arith.constant -514511540 : i32
      %add3A_755 = vector.broadcast %add3A_754 : i32 to vector<16xi32>
      %add3A_756 = arith.addi %xor3A_750, %add3A_755 : vector<16xi32>
      %add3A_757 = arith.addi %add3A_753, %add3A_756 : vector<16xi32>
      %shift_left3A_758 = arith.constant 13 : i32
      %shift_left3A_759 = vector.broadcast %shift_left3A_758 : i32 to vector<16xi32>
      %shift_left3A_760 = arith.shli %add3A_756, %shift_left3A_759 : vector<16xi32>
      %shift_right_logical3A_761 = arith.constant 19 : i32
      %shift_right_logical3A_762 = vector.broadcast %shift_right_logical3A_761 : i32 to vector<16xi32>
      %shift_right_logical3A_763 = arith.shrui %add3A_756, %shift_right_logical3A_762 : vector<16xi32>
      %or3A_764 = arith.ori %shift_left3A_760, %shift_right_logical3A_763 : vector<16xi32>
      %xor3A_765 = arith.xori %add3A_757, %or3A_764 : vector<16xi32>
      %add3A_766 = arith.addi %add3A_757, %xor3A_765 : vector<16xi32>
      %shift_left3A_767 = arith.constant 15 : i32
      %shift_left3A_768 = vector.broadcast %shift_left3A_767 : i32 to vector<16xi32>
      %shift_left3A_769 = arith.shli %xor3A_765, %shift_left3A_768 : vector<16xi32>
      %shift_right_logical3A_770 = arith.constant 17 : i32
      %shift_right_logical3A_771 = vector.broadcast %shift_right_logical3A_770 : i32 to vector<16xi32>
      %shift_right_logical3A_772 = arith.shrui %xor3A_765, %shift_right_logical3A_771 : vector<16xi32>
      %or3A_773 = arith.ori %shift_left3A_769, %shift_right_logical3A_772 : vector<16xi32>
      %xor3A_774 = arith.xori %add3A_766, %or3A_773 : vector<16xi32>
      %add3A_775 = arith.addi %add3A_766, %xor3A_774 : vector<16xi32>
      %shift_left3A_776 = arith.constant 26 : i32
      %shift_left3A_777 = vector.broadcast %shift_left3A_776 : i32 to vector<16xi32>
      %shift_left3A_778 = arith.shli %xor3A_774, %shift_left3A_777 : vector<16xi32>
      %shift_right_logical3A_779 = arith.constant 6 : i32
      %shift_right_logical3A_780 = vector.broadcast %shift_right_logical3A_779 : i32 to vector<16xi32>
      %shift_right_logical3A_781 = arith.shrui %xor3A_774, %shift_right_logical3A_780 : vector<16xi32>
      %or3A_782 = arith.ori %shift_left3A_778, %shift_right_logical3A_781 : vector<16xi32>
      %xor3A_783 = arith.xori %add3A_775, %or3A_782 : vector<16xi32>
      %add3A_784 = arith.addi %add3A_775, %xor3A_783 : vector<16xi32>
      %shift_left3A_785 = arith.constant 6 : i32
      %shift_left3A_786 = vector.broadcast %shift_left3A_785 : i32 to vector<16xi32>
      %shift_left3A_787 = arith.shli %xor3A_783, %shift_left3A_786 : vector<16xi32>
      %shift_right_logical3A_788 = arith.constant 26 : i32
      %shift_right_logical3A_789 = vector.broadcast %shift_right_logical3A_788 : i32 to vector<16xi32>
      %shift_right_logical3A_790 = arith.shrui %xor3A_783, %shift_right_logical3A_789 : vector<16xi32>
      %or3A_791 = arith.ori %shift_left3A_787, %shift_right_logical3A_790 : vector<16xi32>
      %xor3A_792 = arith.xori %add3A_784, %or3A_791 : vector<16xi32>
      %add3A_793 = arith.constant -514511544 : i32
      %add3A_794 = vector.broadcast %add3A_793 : i32 to vector<16xi32>
      %add3A_795 = arith.addi %add3A_784, %add3A_794 : vector<16xi32>
      %add3A_796 = arith.constant 928981908 : i32
      %add3A_797 = vector.broadcast %add3A_796 : i32 to vector<16xi32>
      %add3A_798 = arith.addi %xor3A_792, %add3A_797 : vector<16xi32>
      %xor3A_799 = arith.xori %add3A_795, %add3A_798 : vector<16xi32>
      %shift_right_logical3A_800 = arith.constant 9 : i32
      %shift_right_logical3A_801 = vector.broadcast %shift_right_logical3A_800 : i32 to vector<16xi32>
      %shift_right_logical3A_802 = arith.shrui %xor3A_799, %shift_right_logical3A_801 : vector<16xi32>
      %sub3A_803 = arith.constant 838861 : i32
      %sub3A_804 = vector.broadcast %sub3A_803 : i32 to vector<16xi32>
      %sub3A_805 = arith.subi %shift_right_logical3A_802, %sub3A_804 : vector<16xi32>
      %shift_right_logical3A_806 = arith.constant 31 : i32
      %shift_right_logical3A_807 = vector.broadcast %shift_right_logical3A_806 : i32 to vector<16xi32>
      %shift_right_logical3A_808 = arith.shrui %sub3A_805, %shift_right_logical3A_807 : vector<16xi32>
      %convert_element_type3A_809 = arith.extui %lt3A_577 : i1 to i32
      %cond3A_810 = arith.constant 0 : i32
      %cond3A_811 = arith.cmpi ne, %convert_element_type3A_809, %cond3A_810 : i32
      scf.if %cond3A_811 {
        %and3A_821 = arith.constant 63 : i32
        %and3A_822 = arith.andi %and3A_582, %and3A_821 : i32
        %swap3A = arith.index_cast %and3A_822 : i32 to index
        %swap3A_823 = arith.constant 0 : index
        %swap3A_824 = tpu.vector_load %arg5[%swap3A, %swap3A_823] {strides = array<i32>} : memref<64x16xi32, #tpu.memory_space<vmem>>, vector<1x16xi32>,
        %swap3A_825 = vector.shape_cast %swap3A_824 : vector<1x16xi32> to vector<16xi32>
        %swap3A_826 = vector.shape_cast %shift_right_logical3A_808 : vector<16xi32> to vector<1x16xi32>
        tpu.vector_store %arg5[%swap3A, %swap3A_823], %swap3A_826 {strides = array<i32>} : memref<64x16xi32, #tpu.memory_space<vmem>>, vector<1x16xi32>,
      } else {
      }
      %ge3A = arith.constant 2 : i32
      %ge3A_812 = arith.cmpi sge, %scan3A_576, %ge3A : i32
      %sub3A_813 = arith.constant 2 : i32
      %sub3A_814 = arith.subi %scan3A_576, %sub3A_813 : i32
      %lt3A_815 = arith.constant 64 : i32
      %lt3A_816 = arith.cmpi slt, %sub3A_814, %lt3A_815 : i32
      %and3A_817 = arith.andi %ge3A_812, %lt3A_816 : i1
      %convert_element_type3A_818 = arith.extui %and3A_817 : i1 to i32
      %cond3A_819 = arith.constant 0 : i32
      %cond3A_820 = arith.cmpi ne, %convert_element_type3A_818, %cond3A_819 : i32
      scf.if %cond3A_820 {
        %sub3A_821 = arith.constant 2 : i32
        %sub3A_822 = arith.subi %scan3A_576, %sub3A_821 : i32
        %and3A_823 = arith.constant 7 : i32
        %and3A_824 = arith.andi %sub3A_822, %and3A_823 : i32
        %eq3A_825 = arith.constant 0 : i32
        %eq3A_826 = arith.cmpi eq, %and3A_824, %eq3A_825 : i32
        %convert_element_type3A_827 = arith.extui %eq3A_826 : i1 to i32
        %cond3A_828 = arith.constant 0 : i32
        %cond3A_829 = arith.cmpi ne, %convert_element_type3A_827, %cond3A_828 : i32
        scf.if %cond3A_829 {
          %dma_wait3A = arith.constant 0 : i32
          %dma_wait3A_937 = tpu.memref_slice %arg2[%mul3A_2, %dma_wait3A] : memref<32768x768xf32, #tpu.memory_space<hbm>> -> memref<16x768xf32, #tpu.memory_space<hbm>>
          %dma_wait3A_938 = arith.constant 0 : i32
          %dma_wait3A_939 = tpu.memref_slice %arg2[%mul3A_2, %dma_wait3A_938] : memref<32768x768xf32, #tpu.memory_space<hbm>> -> memref<16x768xf32, #tpu.memory_space<hbm>>
          tpu.wait_dma2 semaphore(%arg15 : memref<!tpu.dma_semaphore, #tpu.memory_space<semaphore_mem>>) src(%dma_wait3A_939 : memref<16x768xf32, #tpu.memory_space<hbm>>) dst(%arg7 : memref<16x768xf32, #tpu.memory_space<vmem>>)
        } else {
        }
        %and3A_830 = arith.constant 7 : i32
        %and3A_831 = arith.andi %sub3A_822, %and3A_830 : i32
        %eq3A_832 = arith.constant 1 : i32
        %eq3A_833 = arith.cmpi eq, %and3A_831, %eq3A_832 : i32
        %convert_element_type3A_834 = arith.extui %eq3A_833 : i1 to i32
        %cond3A_835 = arith.constant 0 : i32
        %cond3A_836 = arith.cmpi ne, %convert_element_type3A_834, %cond3A_835 : i32
        scf.if %cond3A_836 {
          %dma_wait3A = arith.constant 0 : i32
          %dma_wait3A_937 = tpu.memref_slice %arg2[%mul3A_2, %dma_wait3A] : memref<32768x768xf32, #tpu.memory_space<hbm>> -> memref<16x768xf32, #tpu.memory_space<hbm>>
          %dma_wait3A_938 = arith.constant 0 : i32
          %dma_wait3A_939 = tpu.memref_slice %arg2[%mul3A_2, %dma_wait3A_938] : memref<32768x768xf32, #tpu.memory_space<hbm>> -> memref<16x768xf32, #tpu.memory_space<hbm>>
          tpu.wait_dma2 semaphore(%arg15 : memref<!tpu.dma_semaphore, #tpu.memory_space<semaphore_mem>>) src(%dma_wait3A_939 : memref<16x768xf32, #tpu.memory_space<hbm>>) dst(%arg8 : memref<16x768xf32, #tpu.memory_space<vmem>>)
        } else {
        }
        %and3A_837 = arith.constant 7 : i32
        %and3A_838 = arith.andi %sub3A_822, %and3A_837 : i32
        %eq3A_839 = arith.constant 2 : i32
        %eq3A_840 = arith.cmpi eq, %and3A_838, %eq3A_839 : i32
        %convert_element_type3A_841 = arith.extui %eq3A_840 : i1 to i32
        %cond3A_842 = arith.constant 0 : i32
        %cond3A_843 = arith.cmpi ne, %convert_element_type3A_841, %cond3A_842 : i32
        scf.if %cond3A_843 {
          %dma_wait3A = arith.constant 0 : i32
          %dma_wait3A_937 = tpu.memref_slice %arg2[%mul3A_2, %dma_wait3A] : memref<32768x768xf32, #tpu.memory_space<hbm>> -> memref<16x768xf32, #tpu.memory_space<hbm>>
          %dma_wait3A_938 = arith.constant 0 : i32
          %dma_wait3A_939 = tpu.memref_slice %arg2[%mul3A_2, %dma_wait3A_938] : memref<32768x768xf32, #tpu.memory_space<hbm>> -> memref<16x768xf32, #tpu.memory_space<hbm>>
          tpu.wait_dma2 semaphore(%arg15 : memref<!tpu.dma_semaphore, #tpu.memory_space<semaphore_mem>>) src(%dma_wait3A_939 : memref<16x768xf32, #tpu.memory_space<hbm>>) dst(%arg9 : memref<16x768xf32, #tpu.memory_space<vmem>>)
        } else {
        }
        %and3A_844 = arith.constant 7 : i32
        %and3A_845 = arith.andi %sub3A_822, %and3A_844 : i32
        %eq3A_846 = arith.constant 3 : i32
        %eq3A_847 = arith.cmpi eq, %and3A_845, %eq3A_846 : i32
        %convert_element_type3A_848 = arith.extui %eq3A_847 : i1 to i32
        %cond3A_849 = arith.constant 0 : i32
        %cond3A_850 = arith.cmpi ne, %convert_element_type3A_848, %cond3A_849 : i32
        scf.if %cond3A_850 {
          %dma_wait3A = arith.constant 0 : i32
          %dma_wait3A_937 = tpu.memref_slice %arg2[%mul3A_2, %dma_wait3A] : memref<32768x768xf32, #tpu.memory_space<hbm>> -> memref<16x768xf32, #tpu.memory_space<hbm>>
          %dma_wait3A_938 = arith.constant 0 : i32
          %dma_wait3A_939 = tpu.memref_slice %arg2[%mul3A_2, %dma_wait3A_938] : memref<32768x768xf32, #tpu.memory_space<hbm>> -> memref<16x768xf32, #tpu.memory_space<hbm>>
          tpu.wait_dma2 semaphore(%arg15 : memref<!tpu.dma_semaphore, #tpu.memory_space<semaphore_mem>>) src(%dma_wait3A_939 : memref<16x768xf32, #tpu.memory_space<hbm>>) dst(%arg10 : memref<16x768xf32, #tpu.memory_space<vmem>>)
        } else {
        }
        %and3A_851 = arith.constant 7 : i32
        %and3A_852 = arith.andi %sub3A_822, %and3A_851 : i32
        %eq3A_853 = arith.constant 4 : i32
        %eq3A_854 = arith.cmpi eq, %and3A_852, %eq3A_853 : i32
        %convert_element_type3A_855 = arith.extui %eq3A_854 : i1 to i32
        %cond3A_856 = arith.constant 0 : i32
        %cond3A_857 = arith.cmpi ne, %convert_element_type3A_855, %cond3A_856 : i32
        scf.if %cond3A_857 {
          %dma_wait3A = arith.constant 0 : i32
          %dma_wait3A_937 = tpu.memref_slice %arg2[%mul3A_2, %dma_wait3A] : memref<32768x768xf32, #tpu.memory_space<hbm>> -> memref<16x768xf32, #tpu.memory_space<hbm>>
          %dma_wait3A_938 = arith.constant 0 : i32
          %dma_wait3A_939 = tpu.memref_slice %arg2[%mul3A_2, %dma_wait3A_938] : memref<32768x768xf32, #tpu.memory_space<hbm>> -> memref<16x768xf32, #tpu.memory_space<hbm>>
          tpu.wait_dma2 semaphore(%arg15 : memref<!tpu.dma_semaphore, #tpu.memory_space<semaphore_mem>>) src(%dma_wait3A_939 : memref<16x768xf32, #tpu.memory_space<hbm>>) dst(%arg11 : memref<16x768xf32, #tpu.memory_space<vmem>>)
        } else {
        }
        %and3A_858 = arith.constant 7 : i32
        %and3A_859 = arith.andi %sub3A_822, %and3A_858 : i32
        %eq3A_860 = arith.constant 5 : i32
        %eq3A_861 = arith.cmpi eq, %and3A_859, %eq3A_860 : i32
        %convert_element_type3A_862 = arith.extui %eq3A_861 : i1 to i32
        %cond3A_863 = arith.constant 0 : i32
        %cond3A_864 = arith.cmpi ne, %convert_element_type3A_862, %cond3A_863 : i32
        scf.if %cond3A_864 {
          %dma_wait3A = arith.constant 0 : i32
          %dma_wait3A_937 = tpu.memref_slice %arg2[%mul3A_2, %dma_wait3A] : memref<32768x768xf32, #tpu.memory_space<hbm>> -> memref<16x768xf32, #tpu.memory_space<hbm>>
          %dma_wait3A_938 = arith.constant 0 : i32
          %dma_wait3A_939 = tpu.memref_slice %arg2[%mul3A_2, %dma_wait3A_938] : memref<32768x768xf32, #tpu.memory_space<hbm>> -> memref<16x768xf32, #tpu.memory_space<hbm>>
          tpu.wait_dma2 semaphore(%arg15 : memref<!tpu.dma_semaphore, #tpu.memory_space<semaphore_mem>>) src(%dma_wait3A_939 : memref<16x768xf32, #tpu.memory_space<hbm>>) dst(%arg12 : memref<16x768xf32, #tpu.memory_space<vmem>>)
        } else {
        }
        %and3A_865 = arith.constant 7 : i32
        %and3A_866 = arith.andi %sub3A_822, %and3A_865 : i32
        %eq3A_867 = arith.constant 6 : i32
        %eq3A_868 = arith.cmpi eq, %and3A_866, %eq3A_867 : i32
        %convert_element_type3A_869 = arith.extui %eq3A_868 : i1 to i32
        %cond3A_870 = arith.constant 0 : i32
        %cond3A_871 = arith.cmpi ne, %convert_element_type3A_869, %cond3A_870 : i32
        scf.if %cond3A_871 {
          %dma_wait3A = arith.constant 0 : i32
          %dma_wait3A_937 = tpu.memref_slice %arg2[%mul3A_2, %dma_wait3A] : memref<32768x768xf32, #tpu.memory_space<hbm>> -> memref<16x768xf32, #tpu.memory_space<hbm>>
          %dma_wait3A_938 = arith.constant 0 : i32
          %dma_wait3A_939 = tpu.memref_slice %arg2[%mul3A_2, %dma_wait3A_938] : memref<32768x768xf32, #tpu.memory_space<hbm>> -> memref<16x768xf32, #tpu.memory_space<hbm>>
          tpu.wait_dma2 semaphore(%arg15 : memref<!tpu.dma_semaphore, #tpu.memory_space<semaphore_mem>>) src(%dma_wait3A_939 : memref<16x768xf32, #tpu.memory_space<hbm>>) dst(%arg13 : memref<16x768xf32, #tpu.memory_space<vmem>>)
        } else {
        }
        %and3A_872 = arith.constant 7 : i32
        %and3A_873 = arith.andi %sub3A_822, %and3A_872 : i32
        %eq3A_874 = arith.constant 7 : i32
        %eq3A_875 = arith.cmpi eq, %and3A_873, %eq3A_874 : i32
        %convert_element_type3A_876 = arith.extui %eq3A_875 : i1 to i32
        %cond3A_877 = arith.constant 0 : i32
        %cond3A_878 = arith.cmpi ne, %convert_element_type3A_876, %cond3A_877 : i32
        scf.if %cond3A_878 {
          %dma_wait3A = arith.constant 0 : i32
          %dma_wait3A_937 = tpu.memref_slice %arg2[%mul3A_2, %dma_wait3A] : memref<32768x768xf32, #tpu.memory_space<hbm>> -> memref<16x768xf32, #tpu.memory_space<hbm>>
          %dma_wait3A_938 = arith.constant 0 : i32
          %dma_wait3A_939 = tpu.memref_slice %arg2[%mul3A_2, %dma_wait3A_938] : memref<32768x768xf32, #tpu.memory_space<hbm>> -> memref<16x768xf32, #tpu.memory_space<hbm>>
          tpu.wait_dma2 semaphore(%arg15 : memref<!tpu.dma_semaphore, #tpu.memory_space<semaphore_mem>>) src(%dma_wait3A_939 : memref<16x768xf32, #tpu.memory_space<hbm>>) dst(%arg14 : memref<16x768xf32, #tpu.memory_space<vmem>>)
        } else {
        }
        %sub3A_879 = arith.constant 2 : i32
        %sub3A_880 = arith.subi %scan3A_576, %sub3A_879 : i32
        %and3A_881 = arith.constant 7 : i32
        %and3A_882 = arith.andi %sub3A_880, %and3A_881 : i32
        %eq3A_883 = arith.constant 0 : i32
        %eq3A_884 = arith.cmpi eq, %and3A_882, %eq3A_883 : i32
        %convert_element_type3A_885 = arith.extui %eq3A_884 : i1 to i32
        %cond3A_886 = arith.constant 0 : i32
        %cond3A_887 = arith.cmpi ne, %convert_element_type3A_885, %cond3A_886 : i32
        scf.if %cond3A_887 {
          %mul3A_937 = arith.constant 16 : i32
          %mul3A_938 = arith.muli %sub3A_880, %mul3A_937 : i32
          %add3A_939 = arith.addi %mul3A_2, %mul3A_938 : i32
          %dma_start3A = arith.constant 0 : i32
          %dma_start3A_940 = tpu.memref_slice %arg3[%add3A_939, %dma_start3A] : memref<32768x768xf32, #tpu.memory_space<hbm>> -> memref<16x768xf32, #tpu.memory_space<hbm>>
          %dma_start3A_941 = arith.constant 0 : i32
          %dma_start3A_942 = tpu.memref_slice %arg3[%add3A_939, %dma_start3A_941] : memref<32768x768xf32, #tpu.memory_space<hbm>> -> memref<16x768xf32, #tpu.memory_space<hbm>>
          tpu.enqueue_dma source(%arg7 : memref<16x768xf32, #tpu.memory_space<vmem>>) target(%dma_start3A_942 : memref<16x768xf32, #tpu.memory_space<hbm>>) target_semaphore(%arg16 : memref<!tpu.dma_semaphore, #tpu.memory_space<semaphore_mem>>)
        } else {
        }
        %and3A_888 = arith.constant 7 : i32
        %and3A_889 = arith.andi %sub3A_880, %and3A_888 : i32
        %eq3A_890 = arith.constant 1 : i32
        %eq3A_891 = arith.cmpi eq, %and3A_889, %eq3A_890 : i32
        %convert_element_type3A_892 = arith.extui %eq3A_891 : i1 to i32
        %cond3A_893 = arith.constant 0 : i32
        %cond3A_894 = arith.cmpi ne, %convert_element_type3A_892, %cond3A_893 : i32
        scf.if %cond3A_894 {
          %mul3A_937 = arith.constant 16 : i32
          %mul3A_938 = arith.muli %sub3A_880, %mul3A_937 : i32
          %add3A_939 = arith.addi %mul3A_2, %mul3A_938 : i32
          %dma_start3A = arith.constant 0 : i32
          %dma_start3A_940 = tpu.memref_slice %arg3[%add3A_939, %dma_start3A] : memref<32768x768xf32, #tpu.memory_space<hbm>> -> memref<16x768xf32, #tpu.memory_space<hbm>>
          %dma_start3A_941 = arith.constant 0 : i32
          %dma_start3A_942 = tpu.memref_slice %arg3[%add3A_939, %dma_start3A_941] : memref<32768x768xf32, #tpu.memory_space<hbm>> -> memref<16x768xf32, #tpu.memory_space<hbm>>
          tpu.enqueue_dma source(%arg8 : memref<16x768xf32, #tpu.memory_space<vmem>>) target(%dma_start3A_942 : memref<16x768xf32, #tpu.memory_space<hbm>>) target_semaphore(%arg16 : memref<!tpu.dma_semaphore, #tpu.memory_space<semaphore_mem>>)
        } else {
        }
        %and3A_895 = arith.constant 7 : i32
        %and3A_896 = arith.andi %sub3A_880, %and3A_895 : i32
        %eq3A_897 = arith.constant 2 : i32
        %eq3A_898 = arith.cmpi eq, %and3A_896, %eq3A_897 : i32
        %convert_element_type3A_899 = arith.extui %eq3A_898 : i1 to i32
        %cond3A_900 = arith.constant 0 : i32
        %cond3A_901 = arith.cmpi ne, %convert_element_type3A_899, %cond3A_900 : i32
        scf.if %cond3A_901 {
          %mul3A_937 = arith.constant 16 : i32
          %mul3A_938 = arith.muli %sub3A_880, %mul3A_937 : i32
          %add3A_939 = arith.addi %mul3A_2, %mul3A_938 : i32
          %dma_start3A = arith.constant 0 : i32
          %dma_start3A_940 = tpu.memref_slice %arg3[%add3A_939, %dma_start3A] : memref<32768x768xf32, #tpu.memory_space<hbm>> -> memref<16x768xf32, #tpu.memory_space<hbm>>
          %dma_start3A_941 = arith.constant 0 : i32
          %dma_start3A_942 = tpu.memref_slice %arg3[%add3A_939, %dma_start3A_941] : memref<32768x768xf32, #tpu.memory_space<hbm>> -> memref<16x768xf32, #tpu.memory_space<hbm>>
          tpu.enqueue_dma source(%arg9 : memref<16x768xf32, #tpu.memory_space<vmem>>) target(%dma_start3A_942 : memref<16x768xf32, #tpu.memory_space<hbm>>) target_semaphore(%arg16 : memref<!tpu.dma_semaphore, #tpu.memory_space<semaphore_mem>>)
        } else {
        }
        %and3A_902 = arith.constant 7 : i32
        %and3A_903 = arith.andi %sub3A_880, %and3A_902 : i32
        %eq3A_904 = arith.constant 3 : i32
        %eq3A_905 = arith.cmpi eq, %and3A_903, %eq3A_904 : i32
        %convert_element_type3A_906 = arith.extui %eq3A_905 : i1 to i32
        %cond3A_907 = arith.constant 0 : i32
        %cond3A_908 = arith.cmpi ne, %convert_element_type3A_906, %cond3A_907 : i32
        scf.if %cond3A_908 {
          %mul3A_937 = arith.constant 16 : i32
          %mul3A_938 = arith.muli %sub3A_880, %mul3A_937 : i32
          %add3A_939 = arith.addi %mul3A_2, %mul3A_938 : i32
          %dma_start3A = arith.constant 0 : i32
          %dma_start3A_940 = tpu.memref_slice %arg3[%add3A_939, %dma_start3A] : memref<32768x768xf32, #tpu.memory_space<hbm>> -> memref<16x768xf32, #tpu.memory_space<hbm>>
          %dma_start3A_941 = arith.constant 0 : i32
          %dma_start3A_942 = tpu.memref_slice %arg3[%add3A_939, %dma_start3A_941] : memref<32768x768xf32, #tpu.memory_space<hbm>> -> memref<16x768xf32, #tpu.memory_space<hbm>>
          tpu.enqueue_dma source(%arg10 : memref<16x768xf32, #tpu.memory_space<vmem>>) target(%dma_start3A_942 : memref<16x768xf32, #tpu.memory_space<hbm>>) target_semaphore(%arg16 : memref<!tpu.dma_semaphore, #tpu.memory_space<semaphore_mem>>)
        } else {
        }
        %and3A_909 = arith.constant 7 : i32
        %and3A_910 = arith.andi %sub3A_880, %and3A_909 : i32
        %eq3A_911 = arith.constant 4 : i32
        %eq3A_912 = arith.cmpi eq, %and3A_910, %eq3A_911 : i32
        %convert_element_type3A_913 = arith.extui %eq3A_912 : i1 to i32
        %cond3A_914 = arith.constant 0 : i32
        %cond3A_915 = arith.cmpi ne, %convert_element_type3A_913, %cond3A_914 : i32
        scf.if %cond3A_915 {
          %mul3A_937 = arith.constant 16 : i32
          %mul3A_938 = arith.muli %sub3A_880, %mul3A_937 : i32
          %add3A_939 = arith.addi %mul3A_2, %mul3A_938 : i32
          %dma_start3A = arith.constant 0 : i32
          %dma_start3A_940 = tpu.memref_slice %arg3[%add3A_939, %dma_start3A] : memref<32768x768xf32, #tpu.memory_space<hbm>> -> memref<16x768xf32, #tpu.memory_space<hbm>>
          %dma_start3A_941 = arith.constant 0 : i32
          %dma_start3A_942 = tpu.memref_slice %arg3[%add3A_939, %dma_start3A_941] : memref<32768x768xf32, #tpu.memory_space<hbm>> -> memref<16x768xf32, #tpu.memory_space<hbm>>
          tpu.enqueue_dma source(%arg11 : memref<16x768xf32, #tpu.memory_space<vmem>>) target(%dma_start3A_942 : memref<16x768xf32, #tpu.memory_space<hbm>>) target_semaphore(%arg16 : memref<!tpu.dma_semaphore, #tpu.memory_space<semaphore_mem>>)
        } else {
        }
        %and3A_916 = arith.constant 7 : i32
        %and3A_917 = arith.andi %sub3A_880, %and3A_916 : i32
        %eq3A_918 = arith.constant 5 : i32
        %eq3A_919 = arith.cmpi eq, %and3A_917, %eq3A_918 : i32
        %convert_element_type3A_920 = arith.extui %eq3A_919 : i1 to i32
        %cond3A_921 = arith.constant 0 : i32
        %cond3A_922 = arith.cmpi ne, %convert_element_type3A_920, %cond3A_921 : i32
        scf.if %cond3A_922 {
          %mul3A_937 = arith.constant 16 : i32
          %mul3A_938 = arith.muli %sub3A_880, %mul3A_937 : i32
          %add3A_939 = arith.addi %mul3A_2, %mul3A_938 : i32
          %dma_start3A = arith.constant 0 : i32
          %dma_start3A_940 = tpu.memref_slice %arg3[%add3A_939, %dma_start3A] : memref<32768x768xf32, #tpu.memory_space<hbm>> -> memref<16x768xf32, #tpu.memory_space<hbm>>
          %dma_start3A_941 = arith.constant 0 : i32
          %dma_start3A_942 = tpu.memref_slice %arg3[%add3A_939, %dma_start3A_941] : memref<32768x768xf32, #tpu.memory_space<hbm>> -> memref<16x768xf32, #tpu.memory_space<hbm>>
          tpu.enqueue_dma source(%arg12 : memref<16x768xf32, #tpu.memory_space<vmem>>) target(%dma_start3A_942 : memref<16x768xf32, #tpu.memory_space<hbm>>) target_semaphore(%arg16 : memref<!tpu.dma_semaphore, #tpu.memory_space<semaphore_mem>>)
        } else {
        }
        %and3A_923 = arith.constant 7 : i32
        %and3A_924 = arith.andi %sub3A_880, %and3A_923 : i32
        %eq3A_925 = arith.constant 6 : i32
        %eq3A_926 = arith.cmpi eq, %and3A_924, %eq3A_925 : i32
        %convert_element_type3A_927 = arith.extui %eq3A_926 : i1 to i32
        %cond3A_928 = arith.constant 0 : i32
        %cond3A_929 = arith.cmpi ne, %convert_element_type3A_927, %cond3A_928 : i32
        scf.if %cond3A_929 {
          %mul3A_937 = arith.constant 16 : i32
          %mul3A_938 = arith.muli %sub3A_880, %mul3A_937 : i32
          %add3A_939 = arith.addi %mul3A_2, %mul3A_938 : i32
          %dma_start3A = arith.constant 0 : i32
          %dma_start3A_940 = tpu.memref_slice %arg3[%add3A_939, %dma_start3A] : memref<32768x768xf32, #tpu.memory_space<hbm>> -> memref<16x768xf32, #tpu.memory_space<hbm>>
          %dma_start3A_941 = arith.constant 0 : i32
          %dma_start3A_942 = tpu.memref_slice %arg3[%add3A_939, %dma_start3A_941] : memref<32768x768xf32, #tpu.memory_space<hbm>> -> memref<16x768xf32, #tpu.memory_space<hbm>>
          tpu.enqueue_dma source(%arg13 : memref<16x768xf32, #tpu.memory_space<vmem>>) target(%dma_start3A_942 : memref<16x768xf32, #tpu.memory_space<hbm>>) target_semaphore(%arg16 : memref<!tpu.dma_semaphore, #tpu.memory_space<semaphore_mem>>)
        } else {
        }
        %and3A_930 = arith.constant 7 : i32
        %and3A_931 = arith.andi %sub3A_880, %and3A_930 : i32
        %eq3A_932 = arith.constant 7 : i32
        %eq3A_933 = arith.cmpi eq, %and3A_931, %eq3A_932 : i32
        %convert_element_type3A_934 = arith.extui %eq3A_933 : i1 to i32
        %cond3A_935 = arith.constant 0 : i32
        %cond3A_936 = arith.cmpi ne, %convert_element_type3A_934, %cond3A_935 : i32
        scf.if %cond3A_936 {
          %mul3A_937 = arith.constant 16 : i32
          %mul3A_938 = arith.muli %sub3A_880, %mul3A_937 : i32
          %add3A_939 = arith.addi %mul3A_2, %mul3A_938 : i32
          %dma_start3A = arith.constant 0 : i32
          %dma_start3A_940 = tpu.memref_slice %arg3[%add3A_939, %dma_start3A] : memref<32768x768xf32, #tpu.memory_space<hbm>> -> memref<16x768xf32, #tpu.memory_space<hbm>>
          %dma_start3A_941 = arith.constant 0 : i32
          %dma_start3A_942 = tpu.memref_slice %arg3[%add3A_939, %dma_start3A_941] : memref<32768x768xf32, #tpu.memory_space<hbm>> -> memref<16x768xf32, #tpu.memory_space<hbm>>
          tpu.enqueue_dma source(%arg14 : memref<16x768xf32, #tpu.memory_space<vmem>>) target(%dma_start3A_942 : memref<16x768xf32, #tpu.memory_space<hbm>>) target_semaphore(%arg16 : memref<!tpu.dma_semaphore, #tpu.memory_space<semaphore_mem>>)
        } else {
        }
      } else {
      }
    }
    %scan3A_13 = arith.constant 66 : i32
    %and3A = arith.constant 56 : i32
    %and3A_14 = arith.constant 7 : i32
    %and3A_15 = arith.andi %and3A, %and3A_14 : i32
    %eq3A = arith.constant 0 : i32
    %eq3A_16 = arith.cmpi eq, %and3A_15, %eq3A : i32
    %convert_element_type3A = arith.extui %eq3A_16 : i1 to i32
    %cond3A = arith.constant 0 : i32
    %cond3A_17 = arith.cmpi ne, %convert_element_type3A, %cond3A : i32
    scf.if %cond3A_17 {
      %dma_wait3A = arith.constant 0 : i32
      %dma_wait3A_576 = tpu.memref_slice %arg3[%mul3A_2, %dma_wait3A] : memref<32768x768xf32, #tpu.memory_space<hbm>> -> memref<16x768xf32, #tpu.memory_space<hbm>>
      %dma_wait3A_577 = arith.constant 0 : i32
      %dma_wait3A_578 = tpu.memref_slice %arg3[%mul3A_2, %dma_wait3A_577] : memref<32768x768xf32, #tpu.memory_space<hbm>> -> memref<16x768xf32, #tpu.memory_space<hbm>>
      tpu.wait_dma2 semaphore(%arg16 : memref<!tpu.dma_semaphore, #tpu.memory_space<semaphore_mem>>) src(%arg7 : memref<16x768xf32, #tpu.memory_space<vmem>>) dst(%dma_wait3A_578 : memref<16x768xf32, #tpu.memory_space<hbm>>)
    } else {
    }
    %and3A_18 = arith.constant 56 : i32
    %and3A_19 = arith.constant 7 : i32
    %and3A_20 = arith.andi %and3A_18, %and3A_19 : i32
    %eq3A_21 = arith.constant 1 : i32
    %eq3A_22 = arith.cmpi eq, %and3A_20, %eq3A_21 : i32
    %convert_element_type3A_23 = arith.extui %eq3A_22 : i1 to i32
    %cond3A_24 = arith.constant 0 : i32
    %cond3A_25 = arith.cmpi ne, %convert_element_type3A_23, %cond3A_24 : i32
    scf.if %cond3A_25 {
      %dma_wait3A = arith.constant 0 : i32
      %dma_wait3A_576 = tpu.memref_slice %arg3[%mul3A_2, %dma_wait3A] : memref<32768x768xf32, #tpu.memory_space<hbm>> -> memref<16x768xf32, #tpu.memory_space<hbm>>
      %dma_wait3A_577 = arith.constant 0 : i32
      %dma_wait3A_578 = tpu.memref_slice %arg3[%mul3A_2, %dma_wait3A_577] : memref<32768x768xf32, #tpu.memory_space<hbm>> -> memref<16x768xf32, #tpu.memory_space<hbm>>
      tpu.wait_dma2 semaphore(%arg16 : memref<!tpu.dma_semaphore, #tpu.memory_space<semaphore_mem>>) src(%arg8 : memref<16x768xf32, #tpu.memory_space<vmem>>) dst(%dma_wait3A_578 : memref<16x768xf32, #tpu.memory_space<hbm>>)
    } else {
    }
    %and3A_26 = arith.constant 56 : i32
    %and3A_27 = arith.constant 7 : i32
    %and3A_28 = arith.andi %and3A_26, %and3A_27 : i32
    %eq3A_29 = arith.constant 2 : i32
    %eq3A_30 = arith.cmpi eq, %and3A_28, %eq3A_29 : i32
    %convert_element_type3A_31 = arith.extui %eq3A_30 : i1 to i32
    %cond3A_32 = arith.constant 0 : i32
    %cond3A_33 = arith.cmpi ne, %convert_element_type3A_31, %cond3A_32 : i32
    scf.if %cond3A_33 {
      %dma_wait3A = arith.constant 0 : i32
      %dma_wait3A_576 = tpu.memref_slice %arg3[%mul3A_2, %dma_wait3A] : memref<32768x768xf32, #tpu.memory_space<hbm>> -> memref<16x768xf32, #tpu.memory_space<hbm>>
      %dma_wait3A_577 = arith.constant 0 : i32
      %dma_wait3A_578 = tpu.memref_slice %arg3[%mul3A_2, %dma_wait3A_577] : memref<32768x768xf32, #tpu.memory_space<hbm>> -> memref<16x768xf32, #tpu.memory_space<hbm>>
      tpu.wait_dma2 semaphore(%arg16 : memref<!tpu.dma_semaphore, #tpu.memory_space<semaphore_mem>>) src(%arg9 : memref<16x768xf32, #tpu.memory_space<vmem>>) dst(%dma_wait3A_578 : memref<16x768xf32, #tpu.memory_space<hbm>>)
    } else {
    }
    %and3A_34 = arith.constant 56 : i32
    %and3A_35 = arith.constant 7 : i32
    %and3A_36 = arith.andi %and3A_34, %and3A_35 : i32
    %eq3A_37 = arith.constant 3 : i32
    %eq3A_38 = arith.cmpi eq, %and3A_36, %eq3A_37 : i32
    %convert_element_type3A_39 = arith.extui %eq3A_38 : i1 to i32
    %cond3A_40 = arith.constant 0 : i32
    %cond3A_41 = arith.cmpi ne, %convert_element_type3A_39, %cond3A_40 : i32
    scf.if %cond3A_41 {
      %dma_wait3A = arith.constant 0 : i32
      %dma_wait3A_576 = tpu.memref_slice %arg3[%mul3A_2, %dma_wait3A] : memref<32768x768xf32, #tpu.memory_space<hbm>> -> memref<16x768xf32, #tpu.memory_space<hbm>>
      %dma_wait3A_577 = arith.constant 0 : i32
      %dma_wait3A_578 = tpu.memref_slice %arg3[%mul3A_2, %dma_wait3A_577] : memref<32768x768xf32, #tpu.memory_space<hbm>> -> memref<16x768xf32, #tpu.memory_space<hbm>>
      tpu.wait_dma2 semaphore(%arg16 : memref<!tpu.dma_semaphore, #tpu.memory_space<semaphore_mem>>) src(%arg10 : memref<16x768xf32, #tpu.memory_space<vmem>>) dst(%dma_wait3A_578 : memref<16x768xf32, #tpu.memory_space<hbm>>)
    } else {
    }
    %and3A_42 = arith.constant 56 : i32
    %and3A_43 = arith.constant 7 : i32
    %and3A_44 = arith.andi %and3A_42, %and3A_43 : i32
    %eq3A_45 = arith.constant 4 : i32
    %eq3A_46 = arith.cmpi eq, %and3A_44, %eq3A_45 : i32
    %convert_element_type3A_47 = arith.extui %eq3A_46 : i1 to i32
    %cond3A_48 = arith.constant 0 : i32
    %cond3A_49 = arith.cmpi ne, %convert_element_type3A_47, %cond3A_48 : i32
    scf.if %cond3A_49 {
      %dma_wait3A = arith.constant 0 : i32
      %dma_wait3A_576 = tpu.memref_slice %arg3[%mul3A_2, %dma_wait3A] : memref<32768x768xf32, #tpu.memory_space<hbm>> -> memref<16x768xf32, #tpu.memory_space<hbm>>
      %dma_wait3A_577 = arith.constant 0 : i32
      %dma_wait3A_578 = tpu.memref_slice %arg3[%mul3A_2, %dma_wait3A_577] : memref<32768x768xf32, #tpu.memory_space<hbm>> -> memref<16x768xf32, #tpu.memory_space<hbm>>
      tpu.wait_dma2 semaphore(%arg16 : memref<!tpu.dma_semaphore, #tpu.memory_space<semaphore_mem>>) src(%arg11 : memref<16x768xf32, #tpu.memory_space<vmem>>) dst(%dma_wait3A_578 : memref<16x768xf32, #tpu.memory_space<hbm>>)
    } else {
    }
    %and3A_50 = arith.constant 56 : i32
    %and3A_51 = arith.constant 7 : i32
    %and3A_52 = arith.andi %and3A_50, %and3A_51 : i32
    %eq3A_53 = arith.constant 5 : i32
    %eq3A_54 = arith.cmpi eq, %and3A_52, %eq3A_53 : i32
    %convert_element_type3A_55 = arith.extui %eq3A_54 : i1 to i32
    %cond3A_56 = arith.constant 0 : i32
    %cond3A_57 = arith.cmpi ne, %convert_element_type3A_55, %cond3A_56 : i32
    scf.if %cond3A_57 {
      %dma_wait3A = arith.constant 0 : i32
      %dma_wait3A_576 = tpu.memref_slice %arg3[%mul3A_2, %dma_wait3A] : memref<32768x768xf32, #tpu.memory_space<hbm>> -> memref<16x768xf32, #tpu.memory_space<hbm>>
      %dma_wait3A_577 = arith.constant 0 : i32
      %dma_wait3A_578 = tpu.memref_slice %arg3[%mul3A_2, %dma_wait3A_577] : memref<32768x768xf32, #tpu.memory_space<hbm>> -> memref<16x768xf32, #tpu.memory_space<hbm>>
      tpu.wait_dma2 semaphore(%arg16 : memref<!tpu.dma_semaphore, #tpu.memory_space<semaphore_mem>>) src(%arg12 : memref<16x768xf32, #tpu.memory_space<vmem>>) dst(%dma_wait3A_578 : memref<16x768xf32, #tpu.memory_space<hbm>>)
    } else {
    }
    %and3A_58 = arith.constant 56 : i32
    %and3A_59 = arith.constant 7 : i32
    %and3A_60 = arith.andi %and3A_58, %and3A_59 : i32
    %eq3A_61 = arith.constant 6 : i32
    %eq3A_62 = arith.cmpi eq, %and3A_60, %eq3A_61 : i32
    %convert_element_type3A_63 = arith.extui %eq3A_62 : i1 to i32
    %cond3A_64 = arith.constant 0 : i32
    %cond3A_65 = arith.cmpi ne, %convert_element_type3A_63, %cond3A_64 : i32
    scf.if %cond3A_65 {
      %dma_wait3A = arith.constant 0 : i32
      %dma_wait3A_576 = tpu.memref_slice %arg3[%mul3A_2, %dma_wait3A] : memref<32768x768xf32, #tpu.memory_space<hbm>> -> memref<16x768xf32, #tpu.memory_space<hbm>>
      %dma_wait3A_577 = arith.constant 0 : i32
      %dma_wait3A_578 = tpu.memref_slice %arg3[%mul3A_2, %dma_wait3A_577] : memref<32768x768xf32, #tpu.memory_space<hbm>> -> memref<16x768xf32, #tpu.memory_space<hbm>>
      tpu.wait_dma2 semaphore(%arg16 : memref<!tpu.dma_semaphore, #tpu.memory_space<semaphore_mem>>) src(%arg13 : memref<16x768xf32, #tpu.memory_space<vmem>>) dst(%dma_wait3A_578 : memref<16x768xf32, #tpu.memory_space<hbm>>)
    } else {
    }
    %and3A_66 = arith.constant 56 : i32
    %and3A_67 = arith.constant 7 : i32
    %and3A_68 = arith.andi %and3A_66, %and3A_67 : i32
    %eq3A_69 = arith.constant 7 : i32
    %eq3A_70 = arith.cmpi eq, %and3A_68, %eq3A_69 : i32
    %convert_element_type3A_71 = arith.extui %eq3A_70 : i1 to i32
    %cond3A_72 = arith.constant 0 : i32
    %cond3A_73 = arith.cmpi ne, %convert_element_type3A_71, %cond3A_72 : i32
    scf.if %cond3A_73 {
      %dma_wait3A = arith.constant 0 : i32
      %dma_wait3A_576 = tpu.memref_slice %arg3[%mul3A_2, %dma_wait3A] : memref<32768x768xf32, #tpu.memory_space<hbm>> -> memref<16x768xf32, #tpu.memory_space<hbm>>
      %dma_wait3A_577 = arith.constant 0 : i32
      %dma_wait3A_578 = tpu.memref_slice %arg3[%mul3A_2, %dma_wait3A_577] : memref<32768x768xf32, #tpu.memory_space<hbm>> -> memref<16x768xf32, #tpu.memory_space<hbm>>
      tpu.wait_dma2 semaphore(%arg16 : memref<!tpu.dma_semaphore, #tpu.memory_space<semaphore_mem>>) src(%arg14 : memref<16x768xf32, #tpu.memory_space<vmem>>) dst(%dma_wait3A_578 : memref<16x768xf32, #tpu.memory_space<hbm>>)
    } else {
    }
    %and3A_74 = arith.constant 57 : i32
    %and3A_75 = arith.constant 7 : i32
    %and3A_76 = arith.andi %and3A_74, %and3A_75 : i32
    %eq3A_77 = arith.constant 0 : i32
    %eq3A_78 = arith.cmpi eq, %and3A_76, %eq3A_77 : i32
    %convert_element_type3A_79 = arith.extui %eq3A_78 : i1 to i32
    %cond3A_80 = arith.constant 0 : i32
    %cond3A_81 = arith.cmpi ne, %convert_element_type3A_79, %cond3A_80 : i32
    scf.if %cond3A_81 {
      %dma_wait3A = arith.constant 0 : i32
      %dma_wait3A_576 = tpu.memref_slice %arg3[%mul3A_2, %dma_wait3A] : memref<32768x768xf32, #tpu.memory_space<hbm>> -> memref<16x768xf32, #tpu.memory_space<hbm>>
      %dma_wait3A_577 = arith.constant 0 : i32
      %dma_wait3A_578 = tpu.memref_slice %arg3[%mul3A_2, %dma_wait3A_577] : memref<32768x768xf32, #tpu.memory_space<hbm>> -> memref<16x768xf32, #tpu.memory_space<hbm>>
      tpu.wait_dma2 semaphore(%arg16 : memref<!tpu.dma_semaphore, #tpu.memory_space<semaphore_mem>>) src(%arg7 : memref<16x768xf32, #tpu.memory_space<vmem>>) dst(%dma_wait3A_578 : memref<16x768xf32, #tpu.memory_space<hbm>>)
    } else {
    }
    %and3A_82 = arith.constant 57 : i32
    %and3A_83 = arith.constant 7 : i32
    %and3A_84 = arith.andi %and3A_82, %and3A_83 : i32
    %eq3A_85 = arith.constant 1 : i32
    %eq3A_86 = arith.cmpi eq, %and3A_84, %eq3A_85 : i32
    %convert_element_type3A_87 = arith.extui %eq3A_86 : i1 to i32
    %cond3A_88 = arith.constant 0 : i32
    %cond3A_89 = arith.cmpi ne, %convert_element_type3A_87, %cond3A_88 : i32
    scf.if %cond3A_89 {
      %dma_wait3A = arith.constant 0 : i32
      %dma_wait3A_576 = tpu.memref_slice %arg3[%mul3A_2, %dma_wait3A] : memref<32768x768xf32, #tpu.memory_space<hbm>> -> memref<16x768xf32, #tpu.memory_space<hbm>>
      %dma_wait3A_577 = arith.constant 0 : i32
      %dma_wait3A_578 = tpu.memref_slice %arg3[%mul3A_2, %dma_wait3A_577] : memref<32768x768xf32, #tpu.memory_space<hbm>> -> memref<16x768xf32, #tpu.memory_space<hbm>>
      tpu.wait_dma2 semaphore(%arg16 : memref<!tpu.dma_semaphore, #tpu.memory_space<semaphore_mem>>) src(%arg8 : memref<16x768xf32, #tpu.memory_space<vmem>>) dst(%dma_wait3A_578 : memref<16x768xf32, #tpu.memory_space<hbm>>)
    } else {
    }
    %and3A_90 = arith.constant 57 : i32
    %and3A_91 = arith.constant 7 : i32
    %and3A_92 = arith.andi %and3A_90, %and3A_91 : i32
    %eq3A_93 = arith.constant 2 : i32
    %eq3A_94 = arith.cmpi eq, %and3A_92, %eq3A_93 : i32
    %convert_element_type3A_95 = arith.extui %eq3A_94 : i1 to i32
    %cond3A_96 = arith.constant 0 : i32
    %cond3A_97 = arith.cmpi ne, %convert_element_type3A_95, %cond3A_96 : i32
    scf.if %cond3A_97 {
      %dma_wait3A = arith.constant 0 : i32
      %dma_wait3A_576 = tpu.memref_slice %arg3[%mul3A_2, %dma_wait3A] : memref<32768x768xf32, #tpu.memory_space<hbm>> -> memref<16x768xf32, #tpu.memory_space<hbm>>
      %dma_wait3A_577 = arith.constant 0 : i32
      %dma_wait3A_578 = tpu.memref_slice %arg3[%mul3A_2, %dma_wait3A_577] : memref<32768x768xf32, #tpu.memory_space<hbm>> -> memref<16x768xf32, #tpu.memory_space<hbm>>
      tpu.wait_dma2 semaphore(%arg16 : memref<!tpu.dma_semaphore, #tpu.memory_space<semaphore_mem>>) src(%arg9 : memref<16x768xf32, #tpu.memory_space<vmem>>) dst(%dma_wait3A_578 : memref<16x768xf32, #tpu.memory_space<hbm>>)
    } else {
    }
    %and3A_98 = arith.constant 57 : i32
    %and3A_99 = arith.constant 7 : i32
    %and3A_100 = arith.andi %and3A_98, %and3A_99 : i32
    %eq3A_101 = arith.constant 3 : i32
    %eq3A_102 = arith.cmpi eq, %and3A_100, %eq3A_101 : i32
    %convert_element_type3A_103 = arith.extui %eq3A_102 : i1 to i32
    %cond3A_104 = arith.constant 0 : i32
    %cond3A_105 = arith.cmpi ne, %convert_element_type3A_103, %cond3A_104 : i32
    scf.if %cond3A_105 {
      %dma_wait3A = arith.constant 0 : i32
      %dma_wait3A_576 = tpu.memref_slice %arg3[%mul3A_2, %dma_wait3A] : memref<32768x768xf32, #tpu.memory_space<hbm>> -> memref<16x768xf32, #tpu.memory_space<hbm>>
      %dma_wait3A_577 = arith.constant 0 : i32
      %dma_wait3A_578 = tpu.memref_slice %arg3[%mul3A_2, %dma_wait3A_577] : memref<32768x768xf32, #tpu.memory_space<hbm>> -> memref<16x768xf32, #tpu.memory_space<hbm>>
      tpu.wait_dma2 semaphore(%arg16 : memref<!tpu.dma_semaphore, #tpu.memory_space<semaphore_mem>>) src(%arg10 : memref<16x768xf32, #tpu.memory_space<vmem>>) dst(%dma_wait3A_578 : memref<16x768xf32, #tpu.memory_space<hbm>>)
    } else {
    }
    %and3A_106 = arith.constant 57 : i32
    %and3A_107 = arith.constant 7 : i32
    %and3A_108 = arith.andi %and3A_106, %and3A_107 : i32
    %eq3A_109 = arith.constant 4 : i32
    %eq3A_110 = arith.cmpi eq, %and3A_108, %eq3A_109 : i32
    %convert_element_type3A_111 = arith.extui %eq3A_110 : i1 to i32
    %cond3A_112 = arith.constant 0 : i32
    %cond3A_113 = arith.cmpi ne, %convert_element_type3A_111, %cond3A_112 : i32
    scf.if %cond3A_113 {
      %dma_wait3A = arith.constant 0 : i32
      %dma_wait3A_576 = tpu.memref_slice %arg3[%mul3A_2, %dma_wait3A] : memref<32768x768xf32, #tpu.memory_space<hbm>> -> memref<16x768xf32, #tpu.memory_space<hbm>>
      %dma_wait3A_577 = arith.constant 0 : i32
      %dma_wait3A_578 = tpu.memref_slice %arg3[%mul3A_2, %dma_wait3A_577] : memref<32768x768xf32, #tpu.memory_space<hbm>> -> memref<16x768xf32, #tpu.memory_space<hbm>>
      tpu.wait_dma2 semaphore(%arg16 : memref<!tpu.dma_semaphore, #tpu.memory_space<semaphore_mem>>) src(%arg11 : memref<16x768xf32, #tpu.memory_space<vmem>>) dst(%dma_wait3A_578 : memref<16x768xf32, #tpu.memory_space<hbm>>)
    } else {
    }
    %and3A_114 = arith.constant 57 : i32
    %and3A_115 = arith.constant 7 : i32
    %and3A_116 = arith.andi %and3A_114, %and3A_115 : i32
    %eq3A_117 = arith.constant 5 : i32
    %eq3A_118 = arith.cmpi eq, %and3A_116, %eq3A_117 : i32
    %convert_element_type3A_119 = arith.extui %eq3A_118 : i1 to i32
    %cond3A_120 = arith.constant 0 : i32
    %cond3A_121 = arith.cmpi ne, %convert_element_type3A_119, %cond3A_120 : i32
    scf.if %cond3A_121 {
      %dma_wait3A = arith.constant 0 : i32
      %dma_wait3A_576 = tpu.memref_slice %arg3[%mul3A_2, %dma_wait3A] : memref<32768x768xf32, #tpu.memory_space<hbm>> -> memref<16x768xf32, #tpu.memory_space<hbm>>
      %dma_wait3A_577 = arith.constant 0 : i32
      %dma_wait3A_578 = tpu.memref_slice %arg3[%mul3A_2, %dma_wait3A_577] : memref<32768x768xf32, #tpu.memory_space<hbm>> -> memref<16x768xf32, #tpu.memory_space<hbm>>
      tpu.wait_dma2 semaphore(%arg16 : memref<!tpu.dma_semaphore, #tpu.memory_space<semaphore_mem>>) src(%arg12 : memref<16x768xf32, #tpu.memory_space<vmem>>) dst(%dma_wait3A_578 : memref<16x768xf32, #tpu.memory_space<hbm>>)
    } else {
    }
    %and3A_122 = arith.constant 57 : i32
    %and3A_123 = arith.constant 7 : i32
    %and3A_124 = arith.andi %and3A_122, %and3A_123 : i32
    %eq3A_125 = arith.constant 6 : i32
    %eq3A_126 = arith.cmpi eq, %and3A_124, %eq3A_125 : i32
    %convert_element_type3A_127 = arith.extui %eq3A_126 : i1 to i32
    %cond3A_128 = arith.constant 0 : i32
    %cond3A_129 = arith.cmpi ne, %convert_element_type3A_127, %cond3A_128 : i32
    scf.if %cond3A_129 {
      %dma_wait3A = arith.constant 0 : i32
      %dma_wait3A_576 = tpu.memref_slice %arg3[%mul3A_2, %dma_wait3A] : memref<32768x768xf32, #tpu.memory_space<hbm>> -> memref<16x768xf32, #tpu.memory_space<hbm>>
      %dma_wait3A_577 = arith.constant 0 : i32
      %dma_wait3A_578 = tpu.memref_slice %arg3[%mul3A_2, %dma_wait3A_577] : memref<32768x768xf32, #tpu.memory_space<hbm>> -> memref<16x768xf32, #tpu.memory_space<hbm>>
      tpu.wait_dma2 semaphore(%arg16 : memref<!tpu.dma_semaphore, #tpu.memory_space<semaphore_mem>>) src(%arg13 : memref<16x768xf32, #tpu.memory_space<vmem>>) dst(%dma_wait3A_578 : memref<16x768xf32, #tpu.memory_space<hbm>>)
    } else {
    }
    %and3A_130 = arith.constant 57 : i32
    %and3A_131 = arith.constant 7 : i32
    %and3A_132 = arith.andi %and3A_130, %and3A_131 : i32
    %eq3A_133 = arith.constant 7 : i32
    %eq3A_134 = arith.cmpi eq, %and3A_132, %eq3A_133 : i32
    %convert_element_type3A_135 = arith.extui %eq3A_134 : i1 to i32
    %cond3A_136 = arith.constant 0 : i32
    %cond3A_137 = arith.cmpi ne, %convert_element_type3A_135, %cond3A_136 : i32
    scf.if %cond3A_137 {
      %dma_wait3A = arith.constant 0 : i32
      %dma_wait3A_576 = tpu.memref_slice %arg3[%mul3A_2, %dma_wait3A] : memref<32768x768xf32, #tpu.memory_space<hbm>> -> memref<16x768xf32, #tpu.memory_space<hbm>>
      %dma_wait3A_577 = arith.constant 0 : i32
      %dma_wait3A_578 = tpu.memref_slice %arg3[%mul3A_2, %dma_wait3A_577] : memref<32768x768xf32, #tpu.memory_space<hbm>> -> memref<16x768xf32, #tpu.memory_space<hbm>>
      tpu.wait_dma2 semaphore(%arg16 : memref<!tpu.dma_semaphore, #tpu.memory_space<semaphore_mem>>) src(%arg14 : memref<16x768xf32, #tpu.memory_space<vmem>>) dst(%dma_wait3A_578 : memref<16x768xf32, #tpu.memory_space<hbm>>)
    } else {
    }
    %and3A_138 = arith.constant 58 : i32
    %and3A_139 = arith.constant 7 : i32
    %and3A_140 = arith.andi %and3A_138, %and3A_139 : i32
    %eq3A_141 = arith.constant 0 : i32
    %eq3A_142 = arith.cmpi eq, %and3A_140, %eq3A_141 : i32
    %convert_element_type3A_143 = arith.extui %eq3A_142 : i1 to i32
    %cond3A_144 = arith.constant 0 : i32
    %cond3A_145 = arith.cmpi ne, %convert_element_type3A_143, %cond3A_144 : i32
    scf.if %cond3A_145 {
      %dma_wait3A = arith.constant 0 : i32
      %dma_wait3A_576 = tpu.memref_slice %arg3[%mul3A_2, %dma_wait3A] : memref<32768x768xf32, #tpu.memory_space<hbm>> -> memref<16x768xf32, #tpu.memory_space<hbm>>
      %dma_wait3A_577 = arith.constant 0 : i32
      %dma_wait3A_578 = tpu.memref_slice %arg3[%mul3A_2, %dma_wait3A_577] : memref<32768x768xf32, #tpu.memory_space<hbm>> -> memref<16x768xf32, #tpu.memory_space<hbm>>
      tpu.wait_dma2 semaphore(%arg16 : memref<!tpu.dma_semaphore, #tpu.memory_space<semaphore_mem>>) src(%arg7 : memref<16x768xf32, #tpu.memory_space<vmem>>) dst(%dma_wait3A_578 : memref<16x768xf32, #tpu.memory_space<hbm>>)
    } else {
    }
    %and3A_146 = arith.constant 58 : i32
    %and3A_147 = arith.constant 7 : i32
    %and3A_148 = arith.andi %and3A_146, %and3A_147 : i32
    %eq3A_149 = arith.constant 1 : i32
    %eq3A_150 = arith.cmpi eq, %and3A_148, %eq3A_149 : i32
    %convert_element_type3A_151 = arith.extui %eq3A_150 : i1 to i32
    %cond3A_152 = arith.constant 0 : i32
    %cond3A_153 = arith.cmpi ne, %convert_element_type3A_151, %cond3A_152 : i32
    scf.if %cond3A_153 {
      %dma_wait3A = arith.constant 0 : i32
      %dma_wait3A_576 = tpu.memref_slice %arg3[%mul3A_2, %dma_wait3A] : memref<32768x768xf32, #tpu.memory_space<hbm>> -> memref<16x768xf32, #tpu.memory_space<hbm>>
      %dma_wait3A_577 = arith.constant 0 : i32
      %dma_wait3A_578 = tpu.memref_slice %arg3[%mul3A_2, %dma_wait3A_577] : memref<32768x768xf32, #tpu.memory_space<hbm>> -> memref<16x768xf32, #tpu.memory_space<hbm>>
      tpu.wait_dma2 semaphore(%arg16 : memref<!tpu.dma_semaphore, #tpu.memory_space<semaphore_mem>>) src(%arg8 : memref<16x768xf32, #tpu.memory_space<vmem>>) dst(%dma_wait3A_578 : memref<16x768xf32, #tpu.memory_space<hbm>>)
    } else {
    }
    %and3A_154 = arith.constant 58 : i32
    %and3A_155 = arith.constant 7 : i32
    %and3A_156 = arith.andi %and3A_154, %and3A_155 : i32
    %eq3A_157 = arith.constant 2 : i32
    %eq3A_158 = arith.cmpi eq, %and3A_156, %eq3A_157 : i32
    %convert_element_type3A_159 = arith.extui %eq3A_158 : i1 to i32
    %cond3A_160 = arith.constant 0 : i32
    %cond3A_161 = arith.cmpi ne, %convert_element_type3A_159, %cond3A_160 : i32
    scf.if %cond3A_161 {
      %dma_wait3A = arith.constant 0 : i32
      %dma_wait3A_576 = tpu.memref_slice %arg3[%mul3A_2, %dma_wait3A] : memref<32768x768xf32, #tpu.memory_space<hbm>> -> memref<16x768xf32, #tpu.memory_space<hbm>>
      %dma_wait3A_577 = arith.constant 0 : i32
      %dma_wait3A_578 = tpu.memref_slice %arg3[%mul3A_2, %dma_wait3A_577] : memref<32768x768xf32, #tpu.memory_space<hbm>> -> memref<16x768xf32, #tpu.memory_space<hbm>>
      tpu.wait_dma2 semaphore(%arg16 : memref<!tpu.dma_semaphore, #tpu.memory_space<semaphore_mem>>) src(%arg9 : memref<16x768xf32, #tpu.memory_space<vmem>>) dst(%dma_wait3A_578 : memref<16x768xf32, #tpu.memory_space<hbm>>)
    } else {
    }
    %and3A_162 = arith.constant 58 : i32
    %and3A_163 = arith.constant 7 : i32
    %and3A_164 = arith.andi %and3A_162, %and3A_163 : i32
    %eq3A_165 = arith.constant 3 : i32
    %eq3A_166 = arith.cmpi eq, %and3A_164, %eq3A_165 : i32
    %convert_element_type3A_167 = arith.extui %eq3A_166 : i1 to i32
    %cond3A_168 = arith.constant 0 : i32
    %cond3A_169 = arith.cmpi ne, %convert_element_type3A_167, %cond3A_168 : i32
    scf.if %cond3A_169 {
      %dma_wait3A = arith.constant 0 : i32
      %dma_wait3A_576 = tpu.memref_slice %arg3[%mul3A_2, %dma_wait3A] : memref<32768x768xf32, #tpu.memory_space<hbm>> -> memref<16x768xf32, #tpu.memory_space<hbm>>
      %dma_wait3A_577 = arith.constant 0 : i32
      %dma_wait3A_578 = tpu.memref_slice %arg3[%mul3A_2, %dma_wait3A_577] : memref<32768x768xf32, #tpu.memory_space<hbm>> -> memref<16x768xf32, #tpu.memory_space<hbm>>
      tpu.wait_dma2 semaphore(%arg16 : memref<!tpu.dma_semaphore, #tpu.memory_space<semaphore_mem>>) src(%arg10 : memref<16x768xf32, #tpu.memory_space<vmem>>) dst(%dma_wait3A_578 : memref<16x768xf32, #tpu.memory_space<hbm>>)
    } else {
    }
    %and3A_170 = arith.constant 58 : i32
    %and3A_171 = arith.constant 7 : i32
    %and3A_172 = arith.andi %and3A_170, %and3A_171 : i32
    %eq3A_173 = arith.constant 4 : i32
    %eq3A_174 = arith.cmpi eq, %and3A_172, %eq3A_173 : i32
    %convert_element_type3A_175 = arith.extui %eq3A_174 : i1 to i32
    %cond3A_176 = arith.constant 0 : i32
    %cond3A_177 = arith.cmpi ne, %convert_element_type3A_175, %cond3A_176 : i32
    scf.if %cond3A_177 {
      %dma_wait3A = arith.constant 0 : i32
      %dma_wait3A_576 = tpu.memref_slice %arg3[%mul3A_2, %dma_wait3A] : memref<32768x768xf32, #tpu.memory_space<hbm>> -> memref<16x768xf32, #tpu.memory_space<hbm>>
      %dma_wait3A_577 = arith.constant 0 : i32
      %dma_wait3A_578 = tpu.memref_slice %arg3[%mul3A_2, %dma_wait3A_577] : memref<32768x768xf32, #tpu.memory_space<hbm>> -> memref<16x768xf32, #tpu.memory_space<hbm>>
      tpu.wait_dma2 semaphore(%arg16 : memref<!tpu.dma_semaphore, #tpu.memory_space<semaphore_mem>>) src(%arg11 : memref<16x768xf32, #tpu.memory_space<vmem>>) dst(%dma_wait3A_578 : memref<16x768xf32, #tpu.memory_space<hbm>>)
    } else {
    }
    %and3A_178 = arith.constant 58 : i32
    %and3A_179 = arith.constant 7 : i32
    %and3A_180 = arith.andi %and3A_178, %and3A_179 : i32
    %eq3A_181 = arith.constant 5 : i32
    %eq3A_182 = arith.cmpi eq, %and3A_180, %eq3A_181 : i32
    %convert_element_type3A_183 = arith.extui %eq3A_182 : i1 to i32
    %cond3A_184 = arith.constant 0 : i32
    %cond3A_185 = arith.cmpi ne, %convert_element_type3A_183, %cond3A_184 : i32
    scf.if %cond3A_185 {
      %dma_wait3A = arith.constant 0 : i32
      %dma_wait3A_576 = tpu.memref_slice %arg3[%mul3A_2, %dma_wait3A] : memref<32768x768xf32, #tpu.memory_space<hbm>> -> memref<16x768xf32, #tpu.memory_space<hbm>>
      %dma_wait3A_577 = arith.constant 0 : i32
      %dma_wait3A_578 = tpu.memref_slice %arg3[%mul3A_2, %dma_wait3A_577] : memref<32768x768xf32, #tpu.memory_space<hbm>> -> memref<16x768xf32, #tpu.memory_space<hbm>>
      tpu.wait_dma2 semaphore(%arg16 : memref<!tpu.dma_semaphore, #tpu.memory_space<semaphore_mem>>) src(%arg12 : memref<16x768xf32, #tpu.memory_space<vmem>>) dst(%dma_wait3A_578 : memref<16x768xf32, #tpu.memory_space<hbm>>)
    } else {
    }
    %and3A_186 = arith.constant 58 : i32
    %and3A_187 = arith.constant 7 : i32
    %and3A_188 = arith.andi %and3A_186, %and3A_187 : i32
    %eq3A_189 = arith.constant 6 : i32
    %eq3A_190 = arith.cmpi eq, %and3A_188, %eq3A_189 : i32
    %convert_element_type3A_191 = arith.extui %eq3A_190 : i1 to i32
    %cond3A_192 = arith.constant 0 : i32
    %cond3A_193 = arith.cmpi ne, %convert_element_type3A_191, %cond3A_192 : i32
    scf.if %cond3A_193 {
      %dma_wait3A = arith.constant 0 : i32
      %dma_wait3A_576 = tpu.memref_slice %arg3[%mul3A_2, %dma_wait3A] : memref<32768x768xf32, #tpu.memory_space<hbm>> -> memref<16x768xf32, #tpu.memory_space<hbm>>
      %dma_wait3A_577 = arith.constant 0 : i32
      %dma_wait3A_578 = tpu.memref_slice %arg3[%mul3A_2, %dma_wait3A_577] : memref<32768x768xf32, #tpu.memory_space<hbm>> -> memref<16x768xf32, #tpu.memory_space<hbm>>
      tpu.wait_dma2 semaphore(%arg16 : memref<!tpu.dma_semaphore, #tpu.memory_space<semaphore_mem>>) src(%arg13 : memref<16x768xf32, #tpu.memory_space<vmem>>) dst(%dma_wait3A_578 : memref<16x768xf32, #tpu.memory_space<hbm>>)
    } else {
    }
    %and3A_194 = arith.constant 58 : i32
    %and3A_195 = arith.constant 7 : i32
    %and3A_196 = arith.andi %and3A_194, %and3A_195 : i32
    %eq3A_197 = arith.constant 7 : i32
    %eq3A_198 = arith.cmpi eq, %and3A_196, %eq3A_197 : i32
    %convert_element_type3A_199 = arith.extui %eq3A_198 : i1 to i32
    %cond3A_200 = arith.constant 0 : i32
    %cond3A_201 = arith.cmpi ne, %convert_element_type3A_199, %cond3A_200 : i32
    scf.if %cond3A_201 {
      %dma_wait3A = arith.constant 0 : i32
      %dma_wait3A_576 = tpu.memref_slice %arg3[%mul3A_2, %dma_wait3A] : memref<32768x768xf32, #tpu.memory_space<hbm>> -> memref<16x768xf32, #tpu.memory_space<hbm>>
      %dma_wait3A_577 = arith.constant 0 : i32
      %dma_wait3A_578 = tpu.memref_slice %arg3[%mul3A_2, %dma_wait3A_577] : memref<32768x768xf32, #tpu.memory_space<hbm>> -> memref<16x768xf32, #tpu.memory_space<hbm>>
      tpu.wait_dma2 semaphore(%arg16 : memref<!tpu.dma_semaphore, #tpu.memory_space<semaphore_mem>>) src(%arg14 : memref<16x768xf32, #tpu.memory_space<vmem>>) dst(%dma_wait3A_578 : memref<16x768xf32, #tpu.memory_space<hbm>>)
    } else {
    }
    %and3A_202 = arith.constant 59 : i32
    %and3A_203 = arith.constant 7 : i32
    %and3A_204 = arith.andi %and3A_202, %and3A_203 : i32
    %eq3A_205 = arith.constant 0 : i32
    %eq3A_206 = arith.cmpi eq, %and3A_204, %eq3A_205 : i32
    %convert_element_type3A_207 = arith.extui %eq3A_206 : i1 to i32
    %cond3A_208 = arith.constant 0 : i32
    %cond3A_209 = arith.cmpi ne, %convert_element_type3A_207, %cond3A_208 : i32
    scf.if %cond3A_209 {
      %dma_wait3A = arith.constant 0 : i32
      %dma_wait3A_576 = tpu.memref_slice %arg3[%mul3A_2, %dma_wait3A] : memref<32768x768xf32, #tpu.memory_space<hbm>> -> memref<16x768xf32, #tpu.memory_space<hbm>>
      %dma_wait3A_577 = arith.constant 0 : i32
      %dma_wait3A_578 = tpu.memref_slice %arg3[%mul3A_2, %dma_wait3A_577] : memref<32768x768xf32, #tpu.memory_space<hbm>> -> memref<16x768xf32, #tpu.memory_space<hbm>>
      tpu.wait_dma2 semaphore(%arg16 : memref<!tpu.dma_semaphore, #tpu.memory_space<semaphore_mem>>) src(%arg7 : memref<16x768xf32, #tpu.memory_space<vmem>>) dst(%dma_wait3A_578 : memref<16x768xf32, #tpu.memory_space<hbm>>)
    } else {
    }
    %and3A_210 = arith.constant 59 : i32
    %and3A_211 = arith.constant 7 : i32
    %and3A_212 = arith.andi %and3A_210, %and3A_211 : i32
    %eq3A_213 = arith.constant 1 : i32
    %eq3A_214 = arith.cmpi eq, %and3A_212, %eq3A_213 : i32
    %convert_element_type3A_215 = arith.extui %eq3A_214 : i1 to i32
    %cond3A_216 = arith.constant 0 : i32
    %cond3A_217 = arith.cmpi ne, %convert_element_type3A_215, %cond3A_216 : i32
    scf.if %cond3A_217 {
      %dma_wait3A = arith.constant 0 : i32
      %dma_wait3A_576 = tpu.memref_slice %arg3[%mul3A_2, %dma_wait3A] : memref<32768x768xf32, #tpu.memory_space<hbm>> -> memref<16x768xf32, #tpu.memory_space<hbm>>
      %dma_wait3A_577 = arith.constant 0 : i32
      %dma_wait3A_578 = tpu.memref_slice %arg3[%mul3A_2, %dma_wait3A_577] : memref<32768x768xf32, #tpu.memory_space<hbm>> -> memref<16x768xf32, #tpu.memory_space<hbm>>
      tpu.wait_dma2 semaphore(%arg16 : memref<!tpu.dma_semaphore, #tpu.memory_space<semaphore_mem>>) src(%arg8 : memref<16x768xf32, #tpu.memory_space<vmem>>) dst(%dma_wait3A_578 : memref<16x768xf32, #tpu.memory_space<hbm>>)
    } else {
    }
    %and3A_218 = arith.constant 59 : i32
    %and3A_219 = arith.constant 7 : i32
    %and3A_220 = arith.andi %and3A_218, %and3A_219 : i32
    %eq3A_221 = arith.constant 2 : i32
    %eq3A_222 = arith.cmpi eq, %and3A_220, %eq3A_221 : i32
    %convert_element_type3A_223 = arith.extui %eq3A_222 : i1 to i32
    %cond3A_224 = arith.constant 0 : i32
    %cond3A_225 = arith.cmpi ne, %convert_element_type3A_223, %cond3A_224 : i32
    scf.if %cond3A_225 {
      %dma_wait3A = arith.constant 0 : i32
      %dma_wait3A_576 = tpu.memref_slice %arg3[%mul3A_2, %dma_wait3A] : memref<32768x768xf32, #tpu.memory_space<hbm>> -> memref<16x768xf32, #tpu.memory_space<hbm>>
      %dma_wait3A_577 = arith.constant 0 : i32
      %dma_wait3A_578 = tpu.memref_slice %arg3[%mul3A_2, %dma_wait3A_577] : memref<32768x768xf32, #tpu.memory_space<hbm>> -> memref<16x768xf32, #tpu.memory_space<hbm>>
      tpu.wait_dma2 semaphore(%arg16 : memref<!tpu.dma_semaphore, #tpu.memory_space<semaphore_mem>>) src(%arg9 : memref<16x768xf32, #tpu.memory_space<vmem>>) dst(%dma_wait3A_578 : memref<16x768xf32, #tpu.memory_space<hbm>>)
    } else {
    }
    %and3A_226 = arith.constant 59 : i32
    %and3A_227 = arith.constant 7 : i32
    %and3A_228 = arith.andi %and3A_226, %and3A_227 : i32
    %eq3A_229 = arith.constant 3 : i32
    %eq3A_230 = arith.cmpi eq, %and3A_228, %eq3A_229 : i32
    %convert_element_type3A_231 = arith.extui %eq3A_230 : i1 to i32
    %cond3A_232 = arith.constant 0 : i32
    %cond3A_233 = arith.cmpi ne, %convert_element_type3A_231, %cond3A_232 : i32
    scf.if %cond3A_233 {
      %dma_wait3A = arith.constant 0 : i32
      %dma_wait3A_576 = tpu.memref_slice %arg3[%mul3A_2, %dma_wait3A] : memref<32768x768xf32, #tpu.memory_space<hbm>> -> memref<16x768xf32, #tpu.memory_space<hbm>>
      %dma_wait3A_577 = arith.constant 0 : i32
      %dma_wait3A_578 = tpu.memref_slice %arg3[%mul3A_2, %dma_wait3A_577] : memref<32768x768xf32, #tpu.memory_space<hbm>> -> memref<16x768xf32, #tpu.memory_space<hbm>>
      tpu.wait_dma2 semaphore(%arg16 : memref<!tpu.dma_semaphore, #tpu.memory_space<semaphore_mem>>) src(%arg10 : memref<16x768xf32, #tpu.memory_space<vmem>>) dst(%dma_wait3A_578 : memref<16x768xf32, #tpu.memory_space<hbm>>)
    } else {
    }
    %and3A_234 = arith.constant 59 : i32
    %and3A_235 = arith.constant 7 : i32
    %and3A_236 = arith.andi %and3A_234, %and3A_235 : i32
    %eq3A_237 = arith.constant 4 : i32
    %eq3A_238 = arith.cmpi eq, %and3A_236, %eq3A_237 : i32
    %convert_element_type3A_239 = arith.extui %eq3A_238 : i1 to i32
    %cond3A_240 = arith.constant 0 : i32
    %cond3A_241 = arith.cmpi ne, %convert_element_type3A_239, %cond3A_240 : i32
    scf.if %cond3A_241 {
      %dma_wait3A = arith.constant 0 : i32
      %dma_wait3A_576 = tpu.memref_slice %arg3[%mul3A_2, %dma_wait3A] : memref<32768x768xf32, #tpu.memory_space<hbm>> -> memref<16x768xf32, #tpu.memory_space<hbm>>
      %dma_wait3A_577 = arith.constant 0 : i32
      %dma_wait3A_578 = tpu.memref_slice %arg3[%mul3A_2, %dma_wait3A_577] : memref<32768x768xf32, #tpu.memory_space<hbm>> -> memref<16x768xf32, #tpu.memory_space<hbm>>
      tpu.wait_dma2 semaphore(%arg16 : memref<!tpu.dma_semaphore, #tpu.memory_space<semaphore_mem>>) src(%arg11 : memref<16x768xf32, #tpu.memory_space<vmem>>) dst(%dma_wait3A_578 : memref<16x768xf32, #tpu.memory_space<hbm>>)
    } else {
    }
    %and3A_242 = arith.constant 59 : i32
    %and3A_243 = arith.constant 7 : i32
    %and3A_244 = arith.andi %and3A_242, %and3A_243 : i32
    %eq3A_245 = arith.constant 5 : i32
    %eq3A_246 = arith.cmpi eq, %and3A_244, %eq3A_245 : i32
    %convert_element_type3A_247 = arith.extui %eq3A_246 : i1 to i32
    %cond3A_248 = arith.constant 0 : i32
    %cond3A_249 = arith.cmpi ne, %convert_element_type3A_247, %cond3A_248 : i32
    scf.if %cond3A_249 {
      %dma_wait3A = arith.constant 0 : i32
      %dma_wait3A_576 = tpu.memref_slice %arg3[%mul3A_2, %dma_wait3A] : memref<32768x768xf32, #tpu.memory_space<hbm>> -> memref<16x768xf32, #tpu.memory_space<hbm>>
      %dma_wait3A_577 = arith.constant 0 : i32
      %dma_wait3A_578 = tpu.memref_slice %arg3[%mul3A_2, %dma_wait3A_577] : memref<32768x768xf32, #tpu.memory_space<hbm>> -> memref<16x768xf32, #tpu.memory_space<hbm>>
      tpu.wait_dma2 semaphore(%arg16 : memref<!tpu.dma_semaphore, #tpu.memory_space<semaphore_mem>>) src(%arg12 : memref<16x768xf32, #tpu.memory_space<vmem>>) dst(%dma_wait3A_578 : memref<16x768xf32, #tpu.memory_space<hbm>>)
    } else {
    }
    %and3A_250 = arith.constant 59 : i32
    %and3A_251 = arith.constant 7 : i32
    %and3A_252 = arith.andi %and3A_250, %and3A_251 : i32
    %eq3A_253 = arith.constant 6 : i32
    %eq3A_254 = arith.cmpi eq, %and3A_252, %eq3A_253 : i32
    %convert_element_type3A_255 = arith.extui %eq3A_254 : i1 to i32
    %cond3A_256 = arith.constant 0 : i32
    %cond3A_257 = arith.cmpi ne, %convert_element_type3A_255, %cond3A_256 : i32
    scf.if %cond3A_257 {
      %dma_wait3A = arith.constant 0 : i32
      %dma_wait3A_576 = tpu.memref_slice %arg3[%mul3A_2, %dma_wait3A] : memref<32768x768xf32, #tpu.memory_space<hbm>> -> memref<16x768xf32, #tpu.memory_space<hbm>>
      %dma_wait3A_577 = arith.constant 0 : i32
      %dma_wait3A_578 = tpu.memref_slice %arg3[%mul3A_2, %dma_wait3A_577] : memref<32768x768xf32, #tpu.memory_space<hbm>> -> memref<16x768xf32, #tpu.memory_space<hbm>>
      tpu.wait_dma2 semaphore(%arg16 : memref<!tpu.dma_semaphore, #tpu.memory_space<semaphore_mem>>) src(%arg13 : memref<16x768xf32, #tpu.memory_space<vmem>>) dst(%dma_wait3A_578 : memref<16x768xf32, #tpu.memory_space<hbm>>)
    } else {
    }
    %and3A_258 = arith.constant 59 : i32
    %and3A_259 = arith.constant 7 : i32
    %and3A_260 = arith.andi %and3A_258, %and3A_259 : i32
    %eq3A_261 = arith.constant 7 : i32
    %eq3A_262 = arith.cmpi eq, %and3A_260, %eq3A_261 : i32
    %convert_element_type3A_263 = arith.extui %eq3A_262 : i1 to i32
    %cond3A_264 = arith.constant 0 : i32
    %cond3A_265 = arith.cmpi ne, %convert_element_type3A_263, %cond3A_264 : i32
    scf.if %cond3A_265 {
      %dma_wait3A = arith.constant 0 : i32
      %dma_wait3A_576 = tpu.memref_slice %arg3[%mul3A_2, %dma_wait3A] : memref<32768x768xf32, #tpu.memory_space<hbm>> -> memref<16x768xf32, #tpu.memory_space<hbm>>
      %dma_wait3A_577 = arith.constant 0 : i32
      %dma_wait3A_578 = tpu.memref_slice %arg3[%mul3A_2, %dma_wait3A_577] : memref<32768x768xf32, #tpu.memory_space<hbm>> -> memref<16x768xf32, #tpu.memory_space<hbm>>
      tpu.wait_dma2 semaphore(%arg16 : memref<!tpu.dma_semaphore, #tpu.memory_space<semaphore_mem>>) src(%arg14 : memref<16x768xf32, #tpu.memory_space<vmem>>) dst(%dma_wait3A_578 : memref<16x768xf32, #tpu.memory_space<hbm>>)
    } else {
    }
    %and3A_266 = arith.constant 60 : i32
    %and3A_267 = arith.constant 7 : i32
    %and3A_268 = arith.andi %and3A_266, %and3A_267 : i32
    %eq3A_269 = arith.constant 0 : i32
    %eq3A_270 = arith.cmpi eq, %and3A_268, %eq3A_269 : i32
    %convert_element_type3A_271 = arith.extui %eq3A_270 : i1 to i32
    %cond3A_272 = arith.constant 0 : i32
    %cond3A_273 = arith.cmpi ne, %convert_element_type3A_271, %cond3A_272 : i32
    scf.if %cond3A_273 {
      %dma_wait3A = arith.constant 0 : i32
      %dma_wait3A_576 = tpu.memref_slice %arg3[%mul3A_2, %dma_wait3A] : memref<32768x768xf32, #tpu.memory_space<hbm>> -> memref<16x768xf32, #tpu.memory_space<hbm>>
      %dma_wait3A_577 = arith.constant 0 : i32
      %dma_wait3A_578 = tpu.memref_slice %arg3[%mul3A_2, %dma_wait3A_577] : memref<32768x768xf32, #tpu.memory_space<hbm>> -> memref<16x768xf32, #tpu.memory_space<hbm>>
      tpu.wait_dma2 semaphore(%arg16 : memref<!tpu.dma_semaphore, #tpu.memory_space<semaphore_mem>>) src(%arg7 : memref<16x768xf32, #tpu.memory_space<vmem>>) dst(%dma_wait3A_578 : memref<16x768xf32, #tpu.memory_space<hbm>>)
    } else {
    }
    %and3A_274 = arith.constant 60 : i32
    %and3A_275 = arith.constant 7 : i32
    %and3A_276 = arith.andi %and3A_274, %and3A_275 : i32
    %eq3A_277 = arith.constant 1 : i32
    %eq3A_278 = arith.cmpi eq, %and3A_276, %eq3A_277 : i32
    %convert_element_type3A_279 = arith.extui %eq3A_278 : i1 to i32
    %cond3A_280 = arith.constant 0 : i32
    %cond3A_281 = arith.cmpi ne, %convert_element_type3A_279, %cond3A_280 : i32
    scf.if %cond3A_281 {
      %dma_wait3A = arith.constant 0 : i32
      %dma_wait3A_576 = tpu.memref_slice %arg3[%mul3A_2, %dma_wait3A] : memref<32768x768xf32, #tpu.memory_space<hbm>> -> memref<16x768xf32, #tpu.memory_space<hbm>>
      %dma_wait3A_577 = arith.constant 0 : i32
      %dma_wait3A_578 = tpu.memref_slice %arg3[%mul3A_2, %dma_wait3A_577] : memref<32768x768xf32, #tpu.memory_space<hbm>> -> memref<16x768xf32, #tpu.memory_space<hbm>>
      tpu.wait_dma2 semaphore(%arg16 : memref<!tpu.dma_semaphore, #tpu.memory_space<semaphore_mem>>) src(%arg8 : memref<16x768xf32, #tpu.memory_space<vmem>>) dst(%dma_wait3A_578 : memref<16x768xf32, #tpu.memory_space<hbm>>)
    } else {
    }
    %and3A_282 = arith.constant 60 : i32
    %and3A_283 = arith.constant 7 : i32
    %and3A_284 = arith.andi %and3A_282, %and3A_283 : i32
    %eq3A_285 = arith.constant 2 : i32
    %eq3A_286 = arith.cmpi eq, %and3A_284, %eq3A_285 : i32
    %convert_element_type3A_287 = arith.extui %eq3A_286 : i1 to i32
    %cond3A_288 = arith.constant 0 : i32
    %cond3A_289 = arith.cmpi ne, %convert_element_type3A_287, %cond3A_288 : i32
    scf.if %cond3A_289 {
      %dma_wait3A = arith.constant 0 : i32
      %dma_wait3A_576 = tpu.memref_slice %arg3[%mul3A_2, %dma_wait3A] : memref<32768x768xf32, #tpu.memory_space<hbm>> -> memref<16x768xf32, #tpu.memory_space<hbm>>
      %dma_wait3A_577 = arith.constant 0 : i32
      %dma_wait3A_578 = tpu.memref_slice %arg3[%mul3A_2, %dma_wait3A_577] : memref<32768x768xf32, #tpu.memory_space<hbm>> -> memref<16x768xf32, #tpu.memory_space<hbm>>
      tpu.wait_dma2 semaphore(%arg16 : memref<!tpu.dma_semaphore, #tpu.memory_space<semaphore_mem>>) src(%arg9 : memref<16x768xf32, #tpu.memory_space<vmem>>) dst(%dma_wait3A_578 : memref<16x768xf32, #tpu.memory_space<hbm>>)
    } else {
    }
    %and3A_290 = arith.constant 60 : i32
    %and3A_291 = arith.constant 7 : i32
    %and3A_292 = arith.andi %and3A_290, %and3A_291 : i32
    %eq3A_293 = arith.constant 3 : i32
    %eq3A_294 = arith.cmpi eq, %and3A_292, %eq3A_293 : i32
    %convert_element_type3A_295 = arith.extui %eq3A_294 : i1 to i32
    %cond3A_296 = arith.constant 0 : i32
    %cond3A_297 = arith.cmpi ne, %convert_element_type3A_295, %cond3A_296 : i32
    scf.if %cond3A_297 {
      %dma_wait3A = arith.constant 0 : i32
      %dma_wait3A_576 = tpu.memref_slice %arg3[%mul3A_2, %dma_wait3A] : memref<32768x768xf32, #tpu.memory_space<hbm>> -> memref<16x768xf32, #tpu.memory_space<hbm>>
      %dma_wait3A_577 = arith.constant 0 : i32
      %dma_wait3A_578 = tpu.memref_slice %arg3[%mul3A_2, %dma_wait3A_577] : memref<32768x768xf32, #tpu.memory_space<hbm>> -> memref<16x768xf32, #tpu.memory_space<hbm>>
      tpu.wait_dma2 semaphore(%arg16 : memref<!tpu.dma_semaphore, #tpu.memory_space<semaphore_mem>>) src(%arg10 : memref<16x768xf32, #tpu.memory_space<vmem>>) dst(%dma_wait3A_578 : memref<16x768xf32, #tpu.memory_space<hbm>>)
    } else {
    }
    %and3A_298 = arith.constant 60 : i32
    %and3A_299 = arith.constant 7 : i32
    %and3A_300 = arith.andi %and3A_298, %and3A_299 : i32
    %eq3A_301 = arith.constant 4 : i32
    %eq3A_302 = arith.cmpi eq, %and3A_300, %eq3A_301 : i32
    %convert_element_type3A_303 = arith.extui %eq3A_302 : i1 to i32
    %cond3A_304 = arith.constant 0 : i32
    %cond3A_305 = arith.cmpi ne, %convert_element_type3A_303, %cond3A_304 : i32
    scf.if %cond3A_305 {
      %dma_wait3A = arith.constant 0 : i32
      %dma_wait3A_576 = tpu.memref_slice %arg3[%mul3A_2, %dma_wait3A] : memref<32768x768xf32, #tpu.memory_space<hbm>> -> memref<16x768xf32, #tpu.memory_space<hbm>>
      %dma_wait3A_577 = arith.constant 0 : i32
      %dma_wait3A_578 = tpu.memref_slice %arg3[%mul3A_2, %dma_wait3A_577] : memref<32768x768xf32, #tpu.memory_space<hbm>> -> memref<16x768xf32, #tpu.memory_space<hbm>>
      tpu.wait_dma2 semaphore(%arg16 : memref<!tpu.dma_semaphore, #tpu.memory_space<semaphore_mem>>) src(%arg11 : memref<16x768xf32, #tpu.memory_space<vmem>>) dst(%dma_wait3A_578 : memref<16x768xf32, #tpu.memory_space<hbm>>)
    } else {
    }
    %and3A_306 = arith.constant 60 : i32
    %and3A_307 = arith.constant 7 : i32
    %and3A_308 = arith.andi %and3A_306, %and3A_307 : i32
    %eq3A_309 = arith.constant 5 : i32
    %eq3A_310 = arith.cmpi eq, %and3A_308, %eq3A_309 : i32
    %convert_element_type3A_311 = arith.extui %eq3A_310 : i1 to i32
    %cond3A_312 = arith.constant 0 : i32
    %cond3A_313 = arith.cmpi ne, %convert_element_type3A_311, %cond3A_312 : i32
    scf.if %cond3A_313 {
      %dma_wait3A = arith.constant 0 : i32
      %dma_wait3A_576 = tpu.memref_slice %arg3[%mul3A_2, %dma_wait3A] : memref<32768x768xf32, #tpu.memory_space<hbm>> -> memref<16x768xf32, #tpu.memory_space<hbm>>
      %dma_wait3A_577 = arith.constant 0 : i32
      %dma_wait3A_578 = tpu.memref_slice %arg3[%mul3A_2, %dma_wait3A_577] : memref<32768x768xf32, #tpu.memory_space<hbm>> -> memref<16x768xf32, #tpu.memory_space<hbm>>
      tpu.wait_dma2 semaphore(%arg16 : memref<!tpu.dma_semaphore, #tpu.memory_space<semaphore_mem>>) src(%arg12 : memref<16x768xf32, #tpu.memory_space<vmem>>) dst(%dma_wait3A_578 : memref<16x768xf32, #tpu.memory_space<hbm>>)
    } else {
    }
    %and3A_314 = arith.constant 60 : i32
    %and3A_315 = arith.constant 7 : i32
    %and3A_316 = arith.andi %and3A_314, %and3A_315 : i32
    %eq3A_317 = arith.constant 6 : i32
    %eq3A_318 = arith.cmpi eq, %and3A_316, %eq3A_317 : i32
    %convert_element_type3A_319 = arith.extui %eq3A_318 : i1 to i32
    %cond3A_320 = arith.constant 0 : i32
    %cond3A_321 = arith.cmpi ne, %convert_element_type3A_319, %cond3A_320 : i32
    scf.if %cond3A_321 {
      %dma_wait3A = arith.constant 0 : i32
      %dma_wait3A_576 = tpu.memref_slice %arg3[%mul3A_2, %dma_wait3A] : memref<32768x768xf32, #tpu.memory_space<hbm>> -> memref<16x768xf32, #tpu.memory_space<hbm>>
      %dma_wait3A_577 = arith.constant 0 : i32
      %dma_wait3A_578 = tpu.memref_slice %arg3[%mul3A_2, %dma_wait3A_577] : memref<32768x768xf32, #tpu.memory_space<hbm>> -> memref<16x768xf32, #tpu.memory_space<hbm>>
      tpu.wait_dma2 semaphore(%arg16 : memref<!tpu.dma_semaphore, #tpu.memory_space<semaphore_mem>>) src(%arg13 : memref<16x768xf32, #tpu.memory_space<vmem>>) dst(%dma_wait3A_578 : memref<16x768xf32, #tpu.memory_space<hbm>>)
    } else {
    }
    %and3A_322 = arith.constant 60 : i32
    %and3A_323 = arith.constant 7 : i32
    %and3A_324 = arith.andi %and3A_322, %and3A_323 : i32
    %eq3A_325 = arith.constant 7 : i32
    %eq3A_326 = arith.cmpi eq, %and3A_324, %eq3A_325 : i32
    %convert_element_type3A_327 = arith.extui %eq3A_326 : i1 to i32
    %cond3A_328 = arith.constant 0 : i32
    %cond3A_329 = arith.cmpi ne, %convert_element_type3A_327, %cond3A_328 : i32
    scf.if %cond3A_329 {
      %dma_wait3A = arith.constant 0 : i32
      %dma_wait3A_576 = tpu.memref_slice %arg3[%mul3A_2, %dma_wait3A] : memref<32768x768xf32, #tpu.memory_space<hbm>> -> memref<16x768xf32, #tpu.memory_space<hbm>>
      %dma_wait3A_577 = arith.constant 0 : i32
      %dma_wait3A_578 = tpu.memref_slice %arg3[%mul3A_2, %dma_wait3A_577] : memref<32768x768xf32, #tpu.memory_space<hbm>> -> memref<16x768xf32, #tpu.memory_space<hbm>>
      tpu.wait_dma2 semaphore(%arg16 : memref<!tpu.dma_semaphore, #tpu.memory_space<semaphore_mem>>) src(%arg14 : memref<16x768xf32, #tpu.memory_space<vmem>>) dst(%dma_wait3A_578 : memref<16x768xf32, #tpu.memory_space<hbm>>)
    } else {
    }
    %and3A_330 = arith.constant 61 : i32
    %and3A_331 = arith.constant 7 : i32
    %and3A_332 = arith.andi %and3A_330, %and3A_331 : i32
    %eq3A_333 = arith.constant 0 : i32
    %eq3A_334 = arith.cmpi eq, %and3A_332, %eq3A_333 : i32
    %convert_element_type3A_335 = arith.extui %eq3A_334 : i1 to i32
    %cond3A_336 = arith.constant 0 : i32
    %cond3A_337 = arith.cmpi ne, %convert_element_type3A_335, %cond3A_336 : i32
    scf.if %cond3A_337 {
      %dma_wait3A = arith.constant 0 : i32
      %dma_wait3A_576 = tpu.memref_slice %arg3[%mul3A_2, %dma_wait3A] : memref<32768x768xf32, #tpu.memory_space<hbm>> -> memref<16x768xf32, #tpu.memory_space<hbm>>
      %dma_wait3A_577 = arith.constant 0 : i32
      %dma_wait3A_578 = tpu.memref_slice %arg3[%mul3A_2, %dma_wait3A_577] : memref<32768x768xf32, #tpu.memory_space<hbm>> -> memref<16x768xf32, #tpu.memory_space<hbm>>
      tpu.wait_dma2 semaphore(%arg16 : memref<!tpu.dma_semaphore, #tpu.memory_space<semaphore_mem>>) src(%arg7 : memref<16x768xf32, #tpu.memory_space<vmem>>) dst(%dma_wait3A_578 : memref<16x768xf32, #tpu.memory_space<hbm>>)
    } else {
    }
    %and3A_338 = arith.constant 61 : i32
    %and3A_339 = arith.constant 7 : i32
    %and3A_340 = arith.andi %and3A_338, %and3A_339 : i32
    %eq3A_341 = arith.constant 1 : i32
    %eq3A_342 = arith.cmpi eq, %and3A_340, %eq3A_341 : i32
    %convert_element_type3A_343 = arith.extui %eq3A_342 : i1 to i32
    %cond3A_344 = arith.constant 0 : i32
    %cond3A_345 = arith.cmpi ne, %convert_element_type3A_343, %cond3A_344 : i32
    scf.if %cond3A_345 {
      %dma_wait3A = arith.constant 0 : i32
      %dma_wait3A_576 = tpu.memref_slice %arg3[%mul3A_2, %dma_wait3A] : memref<32768x768xf32, #tpu.memory_space<hbm>> -> memref<16x768xf32, #tpu.memory_space<hbm>>
      %dma_wait3A_577 = arith.constant 0 : i32
      %dma_wait3A_578 = tpu.memref_slice %arg3[%mul3A_2, %dma_wait3A_577] : memref<32768x768xf32, #tpu.memory_space<hbm>> -> memref<16x768xf32, #tpu.memory_space<hbm>>
      tpu.wait_dma2 semaphore(%arg16 : memref<!tpu.dma_semaphore, #tpu.memory_space<semaphore_mem>>) src(%arg8 : memref<16x768xf32, #tpu.memory_space<vmem>>) dst(%dma_wait3A_578 : memref<16x768xf32, #tpu.memory_space<hbm>>)
    } else {
    }
    %and3A_346 = arith.constant 61 : i32
    %and3A_347 = arith.constant 7 : i32
    %and3A_348 = arith.andi %and3A_346, %and3A_347 : i32
    %eq3A_349 = arith.constant 2 : i32
    %eq3A_350 = arith.cmpi eq, %and3A_348, %eq3A_349 : i32
    %convert_element_type3A_351 = arith.extui %eq3A_350 : i1 to i32
    %cond3A_352 = arith.constant 0 : i32
    %cond3A_353 = arith.cmpi ne, %convert_element_type3A_351, %cond3A_352 : i32
    scf.if %cond3A_353 {
      %dma_wait3A = arith.constant 0 : i32
      %dma_wait3A_576 = tpu.memref_slice %arg3[%mul3A_2, %dma_wait3A] : memref<32768x768xf32, #tpu.memory_space<hbm>> -> memref<16x768xf32, #tpu.memory_space<hbm>>
      %dma_wait3A_577 = arith.constant 0 : i32
      %dma_wait3A_578 = tpu.memref_slice %arg3[%mul3A_2, %dma_wait3A_577] : memref<32768x768xf32, #tpu.memory_space<hbm>> -> memref<16x768xf32, #tpu.memory_space<hbm>>
      tpu.wait_dma2 semaphore(%arg16 : memref<!tpu.dma_semaphore, #tpu.memory_space<semaphore_mem>>) src(%arg9 : memref<16x768xf32, #tpu.memory_space<vmem>>) dst(%dma_wait3A_578 : memref<16x768xf32, #tpu.memory_space<hbm>>)
    } else {
    }
    %and3A_354 = arith.constant 61 : i32
    %and3A_355 = arith.constant 7 : i32
    %and3A_356 = arith.andi %and3A_354, %and3A_355 : i32
    %eq3A_357 = arith.constant 3 : i32
    %eq3A_358 = arith.cmpi eq, %and3A_356, %eq3A_357 : i32
    %convert_element_type3A_359 = arith.extui %eq3A_358 : i1 to i32
    %cond3A_360 = arith.constant 0 : i32
    %cond3A_361 = arith.cmpi ne, %convert_element_type3A_359, %cond3A_360 : i32
    scf.if %cond3A_361 {
      %dma_wait3A = arith.constant 0 : i32
      %dma_wait3A_576 = tpu.memref_slice %arg3[%mul3A_2, %dma_wait3A] : memref<32768x768xf32, #tpu.memory_space<hbm>> -> memref<16x768xf32, #tpu.memory_space<hbm>>
      %dma_wait3A_577 = arith.constant 0 : i32
      %dma_wait3A_578 = tpu.memref_slice %arg3[%mul3A_2, %dma_wait3A_577] : memref<32768x768xf32, #tpu.memory_space<hbm>> -> memref<16x768xf32, #tpu.memory_space<hbm>>
      tpu.wait_dma2 semaphore(%arg16 : memref<!tpu.dma_semaphore, #tpu.memory_space<semaphore_mem>>) src(%arg10 : memref<16x768xf32, #tpu.memory_space<vmem>>) dst(%dma_wait3A_578 : memref<16x768xf32, #tpu.memory_space<hbm>>)
    } else {
    }
    %and3A_362 = arith.constant 61 : i32
    %and3A_363 = arith.constant 7 : i32
    %and3A_364 = arith.andi %and3A_362, %and3A_363 : i32
    %eq3A_365 = arith.constant 4 : i32
    %eq3A_366 = arith.cmpi eq, %and3A_364, %eq3A_365 : i32
    %convert_element_type3A_367 = arith.extui %eq3A_366 : i1 to i32
    %cond3A_368 = arith.constant 0 : i32
    %cond3A_369 = arith.cmpi ne, %convert_element_type3A_367, %cond3A_368 : i32
    scf.if %cond3A_369 {
      %dma_wait3A = arith.constant 0 : i32
      %dma_wait3A_576 = tpu.memref_slice %arg3[%mul3A_2, %dma_wait3A] : memref<32768x768xf32, #tpu.memory_space<hbm>> -> memref<16x768xf32, #tpu.memory_space<hbm>>
      %dma_wait3A_577 = arith.constant 0 : i32
      %dma_wait3A_578 = tpu.memref_slice %arg3[%mul3A_2, %dma_wait3A_577] : memref<32768x768xf32, #tpu.memory_space<hbm>> -> memref<16x768xf32, #tpu.memory_space<hbm>>
      tpu.wait_dma2 semaphore(%arg16 : memref<!tpu.dma_semaphore, #tpu.memory_space<semaphore_mem>>) src(%arg11 : memref<16x768xf32, #tpu.memory_space<vmem>>) dst(%dma_wait3A_578 : memref<16x768xf32, #tpu.memory_space<hbm>>)
    } else {
    }
    %and3A_370 = arith.constant 61 : i32
    %and3A_371 = arith.constant 7 : i32
    %and3A_372 = arith.andi %and3A_370, %and3A_371 : i32
    %eq3A_373 = arith.constant 5 : i32
    %eq3A_374 = arith.cmpi eq, %and3A_372, %eq3A_373 : i32
    %convert_element_type3A_375 = arith.extui %eq3A_374 : i1 to i32
    %cond3A_376 = arith.constant 0 : i32
    %cond3A_377 = arith.cmpi ne, %convert_element_type3A_375, %cond3A_376 : i32
    scf.if %cond3A_377 {
      %dma_wait3A = arith.constant 0 : i32
      %dma_wait3A_576 = tpu.memref_slice %arg3[%mul3A_2, %dma_wait3A] : memref<32768x768xf32, #tpu.memory_space<hbm>> -> memref<16x768xf32, #tpu.memory_space<hbm>>
      %dma_wait3A_577 = arith.constant 0 : i32
      %dma_wait3A_578 = tpu.memref_slice %arg3[%mul3A_2, %dma_wait3A_577] : memref<32768x768xf32, #tpu.memory_space<hbm>> -> memref<16x768xf32, #tpu.memory_space<hbm>>
      tpu.wait_dma2 semaphore(%arg16 : memref<!tpu.dma_semaphore, #tpu.memory_space<semaphore_mem>>) src(%arg12 : memref<16x768xf32, #tpu.memory_space<vmem>>) dst(%dma_wait3A_578 : memref<16x768xf32, #tpu.memory_space<hbm>>)
    } else {
    }
    %and3A_378 = arith.constant 61 : i32
    %and3A_379 = arith.constant 7 : i32
    %and3A_380 = arith.andi %and3A_378, %and3A_379 : i32
    %eq3A_381 = arith.constant 6 : i32
    %eq3A_382 = arith.cmpi eq, %and3A_380, %eq3A_381 : i32
    %convert_element_type3A_383 = arith.extui %eq3A_382 : i1 to i32
    %cond3A_384 = arith.constant 0 : i32
    %cond3A_385 = arith.cmpi ne, %convert_element_type3A_383, %cond3A_384 : i32
    scf.if %cond3A_385 {
      %dma_wait3A = arith.constant 0 : i32
      %dma_wait3A_576 = tpu.memref_slice %arg3[%mul3A_2, %dma_wait3A] : memref<32768x768xf32, #tpu.memory_space<hbm>> -> memref<16x768xf32, #tpu.memory_space<hbm>>
      %dma_wait3A_577 = arith.constant 0 : i32
      %dma_wait3A_578 = tpu.memref_slice %arg3[%mul3A_2, %dma_wait3A_577] : memref<32768x768xf32, #tpu.memory_space<hbm>> -> memref<16x768xf32, #tpu.memory_space<hbm>>
      tpu.wait_dma2 semaphore(%arg16 : memref<!tpu.dma_semaphore, #tpu.memory_space<semaphore_mem>>) src(%arg13 : memref<16x768xf32, #tpu.memory_space<vmem>>) dst(%dma_wait3A_578 : memref<16x768xf32, #tpu.memory_space<hbm>>)
    } else {
    }
    %and3A_386 = arith.constant 61 : i32
    %and3A_387 = arith.constant 7 : i32
    %and3A_388 = arith.andi %and3A_386, %and3A_387 : i32
    %eq3A_389 = arith.constant 7 : i32
    %eq3A_390 = arith.cmpi eq, %and3A_388, %eq3A_389 : i32
    %convert_element_type3A_391 = arith.extui %eq3A_390 : i1 to i32
    %cond3A_392 = arith.constant 0 : i32
    %cond3A_393 = arith.cmpi ne, %convert_element_type3A_391, %cond3A_392 : i32
    scf.if %cond3A_393 {
      %dma_wait3A = arith.constant 0 : i32
      %dma_wait3A_576 = tpu.memref_slice %arg3[%mul3A_2, %dma_wait3A] : memref<32768x768xf32, #tpu.memory_space<hbm>> -> memref<16x768xf32, #tpu.memory_space<hbm>>
      %dma_wait3A_577 = arith.constant 0 : i32
      %dma_wait3A_578 = tpu.memref_slice %arg3[%mul3A_2, %dma_wait3A_577] : memref<32768x768xf32, #tpu.memory_space<hbm>> -> memref<16x768xf32, #tpu.memory_space<hbm>>
      tpu.wait_dma2 semaphore(%arg16 : memref<!tpu.dma_semaphore, #tpu.memory_space<semaphore_mem>>) src(%arg14 : memref<16x768xf32, #tpu.memory_space<vmem>>) dst(%dma_wait3A_578 : memref<16x768xf32, #tpu.memory_space<hbm>>)
    } else {
    }
    %and3A_394 = arith.constant 62 : i32
    %and3A_395 = arith.constant 7 : i32
    %and3A_396 = arith.andi %and3A_394, %and3A_395 : i32
    %eq3A_397 = arith.constant 0 : i32
    %eq3A_398 = arith.cmpi eq, %and3A_396, %eq3A_397 : i32
    %convert_element_type3A_399 = arith.extui %eq3A_398 : i1 to i32
    %cond3A_400 = arith.constant 0 : i32
    %cond3A_401 = arith.cmpi ne, %convert_element_type3A_399, %cond3A_400 : i32
    scf.if %cond3A_401 {
      %dma_wait3A = arith.constant 0 : i32
      %dma_wait3A_576 = tpu.memref_slice %arg3[%mul3A_2, %dma_wait3A] : memref<32768x768xf32, #tpu.memory_space<hbm>> -> memref<16x768xf32, #tpu.memory_space<hbm>>
      %dma_wait3A_577 = arith.constant 0 : i32
      %dma_wait3A_578 = tpu.memref_slice %arg3[%mul3A_2, %dma_wait3A_577] : memref<32768x768xf32, #tpu.memory_space<hbm>> -> memref<16x768xf32, #tpu.memory_space<hbm>>
      tpu.wait_dma2 semaphore(%arg16 : memref<!tpu.dma_semaphore, #tpu.memory_space<semaphore_mem>>) src(%arg7 : memref<16x768xf32, #tpu.memory_space<vmem>>) dst(%dma_wait3A_578 : memref<16x768xf32, #tpu.memory_space<hbm>>)
    } else {
    }
    %and3A_402 = arith.constant 62 : i32
    %and3A_403 = arith.constant 7 : i32
    %and3A_404 = arith.andi %and3A_402, %and3A_403 : i32
    %eq3A_405 = arith.constant 1 : i32
    %eq3A_406 = arith.cmpi eq, %and3A_404, %eq3A_405 : i32
    %convert_element_type3A_407 = arith.extui %eq3A_406 : i1 to i32
    %cond3A_408 = arith.constant 0 : i32
    %cond3A_409 = arith.cmpi ne, %convert_element_type3A_407, %cond3A_408 : i32
    scf.if %cond3A_409 {
      %dma_wait3A = arith.constant 0 : i32
      %dma_wait3A_576 = tpu.memref_slice %arg3[%mul3A_2, %dma_wait3A] : memref<32768x768xf32, #tpu.memory_space<hbm>> -> memref<16x768xf32, #tpu.memory_space<hbm>>
      %dma_wait3A_577 = arith.constant 0 : i32
      %dma_wait3A_578 = tpu.memref_slice %arg3[%mul3A_2, %dma_wait3A_577] : memref<32768x768xf32, #tpu.memory_space<hbm>> -> memref<16x768xf32, #tpu.memory_space<hbm>>
      tpu.wait_dma2 semaphore(%arg16 : memref<!tpu.dma_semaphore, #tpu.memory_space<semaphore_mem>>) src(%arg8 : memref<16x768xf32, #tpu.memory_space<vmem>>) dst(%dma_wait3A_578 : memref<16x768xf32, #tpu.memory_space<hbm>>)
    } else {
    }
    %and3A_410 = arith.constant 62 : i32
    %and3A_411 = arith.constant 7 : i32
    %and3A_412 = arith.andi %and3A_410, %and3A_411 : i32
    %eq3A_413 = arith.constant 2 : i32
    %eq3A_414 = arith.cmpi eq, %and3A_412, %eq3A_413 : i32
    %convert_element_type3A_415 = arith.extui %eq3A_414 : i1 to i32
    %cond3A_416 = arith.constant 0 : i32
    %cond3A_417 = arith.cmpi ne, %convert_element_type3A_415, %cond3A_416 : i32
    scf.if %cond3A_417 {
      %dma_wait3A = arith.constant 0 : i32
      %dma_wait3A_576 = tpu.memref_slice %arg3[%mul3A_2, %dma_wait3A] : memref<32768x768xf32, #tpu.memory_space<hbm>> -> memref<16x768xf32, #tpu.memory_space<hbm>>
      %dma_wait3A_577 = arith.constant 0 : i32
      %dma_wait3A_578 = tpu.memref_slice %arg3[%mul3A_2, %dma_wait3A_577] : memref<32768x768xf32, #tpu.memory_space<hbm>> -> memref<16x768xf32, #tpu.memory_space<hbm>>
      tpu.wait_dma2 semaphore(%arg16 : memref<!tpu.dma_semaphore, #tpu.memory_space<semaphore_mem>>) src(%arg9 : memref<16x768xf32, #tpu.memory_space<vmem>>) dst(%dma_wait3A_578 : memref<16x768xf32, #tpu.memory_space<hbm>>)
    } else {
    }
    %and3A_418 = arith.constant 62 : i32
    %and3A_419 = arith.constant 7 : i32
    %and3A_420 = arith.andi %and3A_418, %and3A_419 : i32
    %eq3A_421 = arith.constant 3 : i32
    %eq3A_422 = arith.cmpi eq, %and3A_420, %eq3A_421 : i32
    %convert_element_type3A_423 = arith.extui %eq3A_422 : i1 to i32
    %cond3A_424 = arith.constant 0 : i32
    %cond3A_425 = arith.cmpi ne, %convert_element_type3A_423, %cond3A_424 : i32
    scf.if %cond3A_425 {
      %dma_wait3A = arith.constant 0 : i32
      %dma_wait3A_576 = tpu.memref_slice %arg3[%mul3A_2, %dma_wait3A] : memref<32768x768xf32, #tpu.memory_space<hbm>> -> memref<16x768xf32, #tpu.memory_space<hbm>>
      %dma_wait3A_577 = arith.constant 0 : i32
      %dma_wait3A_578 = tpu.memref_slice %arg3[%mul3A_2, %dma_wait3A_577] : memref<32768x768xf32, #tpu.memory_space<hbm>> -> memref<16x768xf32, #tpu.memory_space<hbm>>
      tpu.wait_dma2 semaphore(%arg16 : memref<!tpu.dma_semaphore, #tpu.memory_space<semaphore_mem>>) src(%arg10 : memref<16x768xf32, #tpu.memory_space<vmem>>) dst(%dma_wait3A_578 : memref<16x768xf32, #tpu.memory_space<hbm>>)
    } else {
    }
    %and3A_426 = arith.constant 62 : i32
    %and3A_427 = arith.constant 7 : i32
    %and3A_428 = arith.andi %and3A_426, %and3A_427 : i32
    %eq3A_429 = arith.constant 4 : i32
    %eq3A_430 = arith.cmpi eq, %and3A_428, %eq3A_429 : i32
    %convert_element_type3A_431 = arith.extui %eq3A_430 : i1 to i32
    %cond3A_432 = arith.constant 0 : i32
    %cond3A_433 = arith.cmpi ne, %convert_element_type3A_431, %cond3A_432 : i32
    scf.if %cond3A_433 {
      %dma_wait3A = arith.constant 0 : i32
      %dma_wait3A_576 = tpu.memref_slice %arg3[%mul3A_2, %dma_wait3A] : memref<32768x768xf32, #tpu.memory_space<hbm>> -> memref<16x768xf32, #tpu.memory_space<hbm>>
      %dma_wait3A_577 = arith.constant 0 : i32
      %dma_wait3A_578 = tpu.memref_slice %arg3[%mul3A_2, %dma_wait3A_577] : memref<32768x768xf32, #tpu.memory_space<hbm>> -> memref<16x768xf32, #tpu.memory_space<hbm>>
      tpu.wait_dma2 semaphore(%arg16 : memref<!tpu.dma_semaphore, #tpu.memory_space<semaphore_mem>>) src(%arg11 : memref<16x768xf32, #tpu.memory_space<vmem>>) dst(%dma_wait3A_578 : memref<16x768xf32, #tpu.memory_space<hbm>>)
    } else {
    }
    %and3A_434 = arith.constant 62 : i32
    %and3A_435 = arith.constant 7 : i32
    %and3A_436 = arith.andi %and3A_434, %and3A_435 : i32
    %eq3A_437 = arith.constant 5 : i32
    %eq3A_438 = arith.cmpi eq, %and3A_436, %eq3A_437 : i32
    %convert_element_type3A_439 = arith.extui %eq3A_438 : i1 to i32
    %cond3A_440 = arith.constant 0 : i32
    %cond3A_441 = arith.cmpi ne, %convert_element_type3A_439, %cond3A_440 : i32
    scf.if %cond3A_441 {
      %dma_wait3A = arith.constant 0 : i32
      %dma_wait3A_576 = tpu.memref_slice %arg3[%mul3A_2, %dma_wait3A] : memref<32768x768xf32, #tpu.memory_space<hbm>> -> memref<16x768xf32, #tpu.memory_space<hbm>>
      %dma_wait3A_577 = arith.constant 0 : i32
      %dma_wait3A_578 = tpu.memref_slice %arg3[%mul3A_2, %dma_wait3A_577] : memref<32768x768xf32, #tpu.memory_space<hbm>> -> memref<16x768xf32, #tpu.memory_space<hbm>>
      tpu.wait_dma2 semaphore(%arg16 : memref<!tpu.dma_semaphore, #tpu.memory_space<semaphore_mem>>) src(%arg12 : memref<16x768xf32, #tpu.memory_space<vmem>>) dst(%dma_wait3A_578 : memref<16x768xf32, #tpu.memory_space<hbm>>)
    } else {
    }
    %and3A_442 = arith.constant 62 : i32
    %and3A_443 = arith.constant 7 : i32
    %and3A_444 = arith.andi %and3A_442, %and3A_443 : i32
    %eq3A_445 = arith.constant 6 : i32
    %eq3A_446 = arith.cmpi eq, %and3A_444, %eq3A_445 : i32
    %convert_element_type3A_447 = arith.extui %eq3A_446 : i1 to i32
    %cond3A_448 = arith.constant 0 : i32
    %cond3A_449 = arith.cmpi ne, %convert_element_type3A_447, %cond3A_448 : i32
    scf.if %cond3A_449 {
      %dma_wait3A = arith.constant 0 : i32
      %dma_wait3A_576 = tpu.memref_slice %arg3[%mul3A_2, %dma_wait3A] : memref<32768x768xf32, #tpu.memory_space<hbm>> -> memref<16x768xf32, #tpu.memory_space<hbm>>
      %dma_wait3A_577 = arith.constant 0 : i32
      %dma_wait3A_578 = tpu.memref_slice %arg3[%mul3A_2, %dma_wait3A_577] : memref<32768x768xf32, #tpu.memory_space<hbm>> -> memref<16x768xf32, #tpu.memory_space<hbm>>
      tpu.wait_dma2 semaphore(%arg16 : memref<!tpu.dma_semaphore, #tpu.memory_space<semaphore_mem>>) src(%arg13 : memref<16x768xf32, #tpu.memory_space<vmem>>) dst(%dma_wait3A_578 : memref<16x768xf32, #tpu.memory_space<hbm>>)
    } else {
    }
    %and3A_450 = arith.constant 62 : i32
    %and3A_451 = arith.constant 7 : i32
    %and3A_452 = arith.andi %and3A_450, %and3A_451 : i32
    %eq3A_453 = arith.constant 7 : i32
    %eq3A_454 = arith.cmpi eq, %and3A_452, %eq3A_453 : i32
    %convert_element_type3A_455 = arith.extui %eq3A_454 : i1 to i32
    %cond3A_456 = arith.constant 0 : i32
    %cond3A_457 = arith.cmpi ne, %convert_element_type3A_455, %cond3A_456 : i32
    scf.if %cond3A_457 {
      %dma_wait3A = arith.constant 0 : i32
      %dma_wait3A_576 = tpu.memref_slice %arg3[%mul3A_2, %dma_wait3A] : memref<32768x768xf32, #tpu.memory_space<hbm>> -> memref<16x768xf32, #tpu.memory_space<hbm>>
      %dma_wait3A_577 = arith.constant 0 : i32
      %dma_wait3A_578 = tpu.memref_slice %arg3[%mul3A_2, %dma_wait3A_577] : memref<32768x768xf32, #tpu.memory_space<hbm>> -> memref<16x768xf32, #tpu.memory_space<hbm>>
      tpu.wait_dma2 semaphore(%arg16 : memref<!tpu.dma_semaphore, #tpu.memory_space<semaphore_mem>>) src(%arg14 : memref<16x768xf32, #tpu.memory_space<vmem>>) dst(%dma_wait3A_578 : memref<16x768xf32, #tpu.memory_space<hbm>>)
    } else {
    }
    %and3A_458 = arith.constant 63 : i32
    %and3A_459 = arith.constant 7 : i32
    %and3A_460 = arith.andi %and3A_458, %and3A_459 : i32
    %eq3A_461 = arith.constant 0 : i32
    %eq3A_462 = arith.cmpi eq, %and3A_460, %eq3A_461 : i32
    %convert_element_type3A_463 = arith.extui %eq3A_462 : i1 to i32
    %cond3A_464 = arith.constant 0 : i32
    %cond3A_465 = arith.cmpi ne, %convert_element_type3A_463, %cond3A_464 : i32
    scf.if %cond3A_465 {
      %dma_wait3A = arith.constant 0 : i32
      %dma_wait3A_576 = tpu.memref_slice %arg3[%mul3A_2, %dma_wait3A] : memref<32768x768xf32, #tpu.memory_space<hbm>> -> memref<16x768xf32, #tpu.memory_space<hbm>>
      %dma_wait3A_577 = arith.constant 0 : i32
      %dma_wait3A_578 = tpu.memref_slice %arg3[%mul3A_2, %dma_wait3A_577] : memref<32768x768xf32, #tpu.memory_space<hbm>> -> memref<16x768xf32, #tpu.memory_space<hbm>>
      tpu.wait_dma2 semaphore(%arg16 : memref<!tpu.dma_semaphore, #tpu.memory_space<semaphore_mem>>) src(%arg7 : memref<16x768xf32, #tpu.memory_space<vmem>>) dst(%dma_wait3A_578 : memref<16x768xf32, #tpu.memory_space<hbm>>)
    } else {
    }
    %and3A_466 = arith.constant 63 : i32
    %and3A_467 = arith.constant 7 : i32
    %and3A_468 = arith.andi %and3A_466, %and3A_467 : i32
    %eq3A_469 = arith.constant 1 : i32
    %eq3A_470 = arith.cmpi eq, %and3A_468, %eq3A_469 : i32
    %convert_element_type3A_471 = arith.extui %eq3A_470 : i1 to i32
    %cond3A_472 = arith.constant 0 : i32
    %cond3A_473 = arith.cmpi ne, %convert_element_type3A_471, %cond3A_472 : i32
    scf.if %cond3A_473 {
      %dma_wait3A = arith.constant 0 : i32
      %dma_wait3A_576 = tpu.memref_slice %arg3[%mul3A_2, %dma_wait3A] : memref<32768x768xf32, #tpu.memory_space<hbm>> -> memref<16x768xf32, #tpu.memory_space<hbm>>
      %dma_wait3A_577 = arith.constant 0 : i32
      %dma_wait3A_578 = tpu.memref_slice %arg3[%mul3A_2, %dma_wait3A_577] : memref<32768x768xf32, #tpu.memory_space<hbm>> -> memref<16x768xf32, #tpu.memory_space<hbm>>
      tpu.wait_dma2 semaphore(%arg16 : memref<!tpu.dma_semaphore, #tpu.memory_space<semaphore_mem>>) src(%arg8 : memref<16x768xf32, #tpu.memory_space<vmem>>) dst(%dma_wait3A_578 : memref<16x768xf32, #tpu.memory_space<hbm>>)
    } else {
    }
    %and3A_474 = arith.constant 63 : i32
    %and3A_475 = arith.constant 7 : i32
    %and3A_476 = arith.andi %and3A_474, %and3A_475 : i32
    %eq3A_477 = arith.constant 2 : i32
    %eq3A_478 = arith.cmpi eq, %and3A_476, %eq3A_477 : i32
    %convert_element_type3A_479 = arith.extui %eq3A_478 : i1 to i32
    %cond3A_480 = arith.constant 0 : i32
    %cond3A_481 = arith.cmpi ne, %convert_element_type3A_479, %cond3A_480 : i32
    scf.if %cond3A_481 {
      %dma_wait3A = arith.constant 0 : i32
      %dma_wait3A_576 = tpu.memref_slice %arg3[%mul3A_2, %dma_wait3A] : memref<32768x768xf32, #tpu.memory_space<hbm>> -> memref<16x768xf32, #tpu.memory_space<hbm>>
      %dma_wait3A_577 = arith.constant 0 : i32
      %dma_wait3A_578 = tpu.memref_slice %arg3[%mul3A_2, %dma_wait3A_577] : memref<32768x768xf32, #tpu.memory_space<hbm>> -> memref<16x768xf32, #tpu.memory_space<hbm>>
      tpu.wait_dma2 semaphore(%arg16 : memref<!tpu.dma_semaphore, #tpu.memory_space<semaphore_mem>>) src(%arg9 : memref<16x768xf32, #tpu.memory_space<vmem>>) dst(%dma_wait3A_578 : memref<16x768xf32, #tpu.memory_space<hbm>>)
    } else {
    }
    %and3A_482 = arith.constant 63 : i32
    %and3A_483 = arith.constant 7 : i32
    %and3A_484 = arith.andi %and3A_482, %and3A_483 : i32
    %eq3A_485 = arith.constant 3 : i32
    %eq3A_486 = arith.cmpi eq, %and3A_484, %eq3A_485 : i32
    %convert_element_type3A_487 = arith.extui %eq3A_486 : i1 to i32
    %cond3A_488 = arith.constant 0 : i32
    %cond3A_489 = arith.cmpi ne, %convert_element_type3A_487, %cond3A_488 : i32
    scf.if %cond3A_489 {
      %dma_wait3A = arith.constant 0 : i32
      %dma_wait3A_576 = tpu.memref_slice %arg3[%mul3A_2, %dma_wait3A] : memref<32768x768xf32, #tpu.memory_space<hbm>> -> memref<16x768xf32, #tpu.memory_space<hbm>>
      %dma_wait3A_577 = arith.constant 0 : i32
      %dma_wait3A_578 = tpu.memref_slice %arg3[%mul3A_2, %dma_wait3A_577] : memref<32768x768xf32, #tpu.memory_space<hbm>> -> memref<16x768xf32, #tpu.memory_space<hbm>>
      tpu.wait_dma2 semaphore(%arg16 : memref<!tpu.dma_semaphore, #tpu.memory_space<semaphore_mem>>) src(%arg10 : memref<16x768xf32, #tpu.memory_space<vmem>>) dst(%dma_wait3A_578 : memref<16x768xf32, #tpu.memory_space<hbm>>)
    } else {
    }
    %and3A_490 = arith.constant 63 : i32
    %and3A_491 = arith.constant 7 : i32
    %and3A_492 = arith.andi %and3A_490, %and3A_491 : i32
    %eq3A_493 = arith.constant 4 : i32
    %eq3A_494 = arith.cmpi eq, %and3A_492, %eq3A_493 : i32
    %convert_element_type3A_495 = arith.extui %eq3A_494 : i1 to i32
    %cond3A_496 = arith.constant 0 : i32
    %cond3A_497 = arith.cmpi ne, %convert_element_type3A_495, %cond3A_496 : i32
    scf.if %cond3A_497 {
      %dma_wait3A = arith.constant 0 : i32
      %dma_wait3A_576 = tpu.memref_slice %arg3[%mul3A_2, %dma_wait3A] : memref<32768x768xf32, #tpu.memory_space<hbm>> -> memref<16x768xf32, #tpu.memory_space<hbm>>
      %dma_wait3A_577 = arith.constant 0 : i32
      %dma_wait3A_578 = tpu.memref_slice %arg3[%mul3A_2, %dma_wait3A_577] : memref<32768x768xf32, #tpu.memory_space<hbm>> -> memref<16x768xf32, #tpu.memory_space<hbm>>
      tpu.wait_dma2 semaphore(%arg16 : memref<!tpu.dma_semaphore, #tpu.memory_space<semaphore_mem>>) src(%arg11 : memref<16x768xf32, #tpu.memory_space<vmem>>) dst(%dma_wait3A_578 : memref<16x768xf32, #tpu.memory_space<hbm>>)
    } else {
    }
    %and3A_498 = arith.constant 63 : i32
    %and3A_499 = arith.constant 7 : i32
    %and3A_500 = arith.andi %and3A_498, %and3A_499 : i32
    %eq3A_501 = arith.constant 5 : i32
    %eq3A_502 = arith.cmpi eq, %and3A_500, %eq3A_501 : i32
    %convert_element_type3A_503 = arith.extui %eq3A_502 : i1 to i32
    %cond3A_504 = arith.constant 0 : i32
    %cond3A_505 = arith.cmpi ne, %convert_element_type3A_503, %cond3A_504 : i32
    scf.if %cond3A_505 {
      %dma_wait3A = arith.constant 0 : i32
      %dma_wait3A_576 = tpu.memref_slice %arg3[%mul3A_2, %dma_wait3A] : memref<32768x768xf32, #tpu.memory_space<hbm>> -> memref<16x768xf32, #tpu.memory_space<hbm>>
      %dma_wait3A_577 = arith.constant 0 : i32
      %dma_wait3A_578 = tpu.memref_slice %arg3[%mul3A_2, %dma_wait3A_577] : memref<32768x768xf32, #tpu.memory_space<hbm>> -> memref<16x768xf32, #tpu.memory_space<hbm>>
      tpu.wait_dma2 semaphore(%arg16 : memref<!tpu.dma_semaphore, #tpu.memory_space<semaphore_mem>>) src(%arg12 : memref<16x768xf32, #tpu.memory_space<vmem>>) dst(%dma_wait3A_578 : memref<16x768xf32, #tpu.memory_space<hbm>>)
    } else {
    }
    %and3A_506 = arith.constant 63 : i32
    %and3A_507 = arith.constant 7 : i32
    %and3A_508 = arith.andi %and3A_506, %and3A_507 : i32
    %eq3A_509 = arith.constant 6 : i32
    %eq3A_510 = arith.cmpi eq, %and3A_508, %eq3A_509 : i32
    %convert_element_type3A_511 = arith.extui %eq3A_510 : i1 to i32
    %cond3A_512 = arith.constant 0 : i32
    %cond3A_513 = arith.cmpi ne, %convert_element_type3A_511, %cond3A_512 : i32
    scf.if %cond3A_513 {
      %dma_wait3A = arith.constant 0 : i32
      %dma_wait3A_576 = tpu.memref_slice %arg3[%mul3A_2, %dma_wait3A] : memref<32768x768xf32, #tpu.memory_space<hbm>> -> memref<16x768xf32, #tpu.memory_space<hbm>>
      %dma_wait3A_577 = arith.constant 0 : i32
      %dma_wait3A_578 = tpu.memref_slice %arg3[%mul3A_2, %dma_wait3A_577] : memref<32768x768xf32, #tpu.memory_space<hbm>> -> memref<16x768xf32, #tpu.memory_space<hbm>>
      tpu.wait_dma2 semaphore(%arg16 : memref<!tpu.dma_semaphore, #tpu.memory_space<semaphore_mem>>) src(%arg13 : memref<16x768xf32, #tpu.memory_space<vmem>>) dst(%dma_wait3A_578 : memref<16x768xf32, #tpu.memory_space<hbm>>)
    } else {
    }
    %and3A_514 = arith.constant 63 : i32
    %and3A_515 = arith.constant 7 : i32
    %and3A_516 = arith.andi %and3A_514, %and3A_515 : i32
    %eq3A_517 = arith.constant 7 : i32
    %eq3A_518 = arith.cmpi eq, %and3A_516, %eq3A_517 : i32
    %convert_element_type3A_519 = arith.extui %eq3A_518 : i1 to i32
    %cond3A_520 = arith.constant 0 : i32
    %cond3A_521 = arith.cmpi ne, %convert_element_type3A_519, %cond3A_520 : i32
    scf.if %cond3A_521 {
      %dma_wait3A = arith.constant 0 : i32
      %dma_wait3A_576 = tpu.memref_slice %arg3[%mul3A_2, %dma_wait3A] : memref<32768x768xf32, #tpu.memory_space<hbm>> -> memref<16x768xf32, #tpu.memory_space<hbm>>
      %dma_wait3A_577 = arith.constant 0 : i32
      %dma_wait3A_578 = tpu.memref_slice %arg3[%mul3A_2, %dma_wait3A_577] : memref<32768x768xf32, #tpu.memory_space<hbm>> -> memref<16x768xf32, #tpu.memory_space<hbm>>
      tpu.wait_dma2 semaphore(%arg16 : memref<!tpu.dma_semaphore, #tpu.memory_space<semaphore_mem>>) src(%arg14 : memref<16x768xf32, #tpu.memory_space<vmem>>) dst(%dma_wait3A_578 : memref<16x768xf32, #tpu.memory_space<hbm>>)
    } else {
    }
    %broadcast_in_dim3A_522 = arith.constant 0 : i32
    %broadcast_in_dim3A_523 = vector.broadcast %broadcast_in_dim3A_522 : i32 to vector<16xi32>
    %scan3A_524 = arith.constant 0 : i32
    %scan3A_525 = arith.constant 0 : i32
    %scan3A_526 = arith.constant 0 : i32
    %scan3A_527 = arith.constant 64 : i32
    %scan3A_528 = arith.addi %scan3A_526, %scan3A_527 : i32
    %scan3A_529 = arith.constant 1 : i32
    %scan3A_530:3 = scf.for %scan3A_576 = %scan3A_526 to %scan3A_528 step %scan3A_529 iter_args(%scan3A_577 = %scan3A_524, %scan3A_578 = %scan3A_525, %scan3A_579 = %broadcast_in_dim3A_523) -> (i32, i32, vector<16xi32>)  : i32 {
      %get3A = arith.index_cast %scan3A_576 : i32 to index
      %get3A_580 = arith.constant 0 : index
      %get3A_581 = tpu.vector_load %arg5[%get3A, %get3A_580] {strides = array<i32>} : memref<64x16xi32, #tpu.memory_space<vmem>>, vector<1x16xi32>,
      %get3A_582 = vector.shape_cast %get3A_581 : vector<1x16xi32> to vector<16xi32>
      %slice3A = vector.extract_strided_slice %get3A_582 {offsets = [0], sizes = [1], strides = [1]} : vector<16xi32> to vector<1xi32>
      %squeeze3A = vector.extract %slice3A[0] : i32 from vector<1xi32>
      %mul3A_583 = arith.constant 16 : i32
      %mul3A_584 = arith.muli %scan3A_576, %mul3A_583 : i32
      %add3A_585 = arith.addi %mul3A_2, %mul3A_584 : i32
      %add3A_586 = arith.constant 0 : i32
      %add3A_587 = arith.addi %add3A_585, %add3A_586 : i32
      %and3A_588 = arith.constant 15 : i32
      %and3A_589 = arith.andi %scan3A_577, %and3A_588 : i32
      %xor3A = vector.broadcast %and3A_589 : i32 to vector<16xi32>
      %xor3A_590 = arith.xori %iota3A, %xor3A : vector<16xi32>
      %sub3A_591 = arith.constant 0 : i32
      %sub3A_592 = vector.broadcast %sub3A_591 : i32 to vector<16xi32>
      %sub3A_593 = arith.subi %sub3A_592, %xor3A_590 : vector<16xi32>
      %or3A = arith.ori %xor3A_590, %sub3A_593 : vector<16xi32>
      %shift_right_logical3A = arith.constant 31 : i32
      %shift_right_logical3A_594 = vector.broadcast %shift_right_logical3A : i32 to vector<16xi32>
      %shift_right_logical3A_595 = arith.shrui %or3A, %shift_right_logical3A_594 : vector<16xi32>
      %sub3A_596 = arith.constant 1 : i32
      %sub3A_597 = vector.broadcast %sub3A_596 : i32 to vector<16xi32>
      %sub3A_598 = arith.subi %sub3A_597, %shift_right_logical3A_595 : vector<16xi32>
      %mul3A_599 = vector.broadcast %squeeze3A : i32 to vector<16xi32>
      %mul3A_600 = arith.muli %sub3A_598, %mul3A_599 : vector<16xi32>
      %sub3A_601 = vector.broadcast %add3A_587 : i32 to vector<16xi32>
      %sub3A_602 = arith.subi %sub3A_601, %scan3A_579 : vector<16xi32>
      %mul3A_603 = arith.muli %mul3A_600, %sub3A_602 : vector<16xi32>
      %add3A_604 = arith.addi %scan3A_579, %mul3A_603 : vector<16xi32>
      %sub3A_605 = arith.subi %add3A_587, %scan3A_578 : i32
      %mul3A_606 = arith.muli %squeeze3A, %sub3A_605 : i32
      %add3A_607 = arith.addi %scan3A_578, %mul3A_606 : i32
      %add3A_608 = arith.addi %scan3A_577, %squeeze3A : i32
      %gt3A = arith.constant 0 : i32
      %gt3A_609 = arith.cmpi sgt, %squeeze3A, %gt3A : i32
      %and3A_610 = arith.constant 15 : i32
      %and3A_611 = arith.andi %add3A_608, %and3A_610 : i32
      %eq3A_612 = arith.constant 0 : i32
      %eq3A_613 = arith.cmpi eq, %and3A_611, %eq3A_612 : i32
      %and3A_614 = arith.andi %gt3A_609, %eq3A_613 : i1
      %convert_element_type3A_615 = arith.extui %and3A_614 : i1 to i32
      %cond3A_616 = arith.constant 0 : i32
      %cond3A_617 = arith.cmpi ne, %convert_element_type3A_615, %cond3A_616 : i32
      scf.if %cond3A_617 {
        %shift_right_arithmetic3A_1233 = arith.constant 4 : i32
        %shift_right_arithmetic3A_1234 = arith.shrsi %add3A_608, %shift_right_arithmetic3A_1233 : i32
        %sub3A_1235 = arith.constant 1 : i32
        %sub3A_1236 = arith.subi %shift_right_arithmetic3A_1234, %sub3A_1235 : i32
        %swap3A = arith.index_cast %sub3A_1236 : i32 to index
        %swap3A_1237 = arith.constant 0 : index
        %swap3A_1238 = tpu.vector_load %arg4[%swap3A, %swap3A_1237] {strides = array<i32>} : memref<64x16xi32, #tpu.memory_space<vmem>>, vector<1x16xi32>,
        %swap3A_1239 = vector.shape_cast %swap3A_1238 : vector<1x16xi32> to vector<16xi32>
        %swap3A_1240 = vector.shape_cast %add3A_604 : vector<16xi32> to vector<1x16xi32>
        tpu.vector_store %arg4[%swap3A, %swap3A_1237], %swap3A_1240 {strides = array<i32>} : memref<64x16xi32, #tpu.memory_space<vmem>>, vector<1x16xi32>,
      } else {
      }
      %slice3A_618 = vector.extract_strided_slice %get3A_582 {offsets = [1], sizes = [1], strides = [1]} : vector<16xi32> to vector<1xi32>
      %squeeze3A_619 = vector.extract %slice3A_618[0] : i32 from vector<1xi32>
      %mul3A_620 = arith.constant 16 : i32
      %mul3A_621 = arith.muli %scan3A_576, %mul3A_620 : i32
      %add3A_622 = arith.addi %mul3A_2, %mul3A_621 : i32
      %add3A_623 = arith.constant 1 : i32
      %add3A_624 = arith.addi %add3A_622, %add3A_623 : i32
      %and3A_625 = arith.constant 15 : i32
      %and3A_626 = arith.andi %add3A_608, %and3A_625 : i32
      %xor3A_627 = vector.broadcast %and3A_626 : i32 to vector<16xi32>
      %xor3A_628 = arith.xori %iota3A, %xor3A_627 : vector<16xi32>
      %sub3A_629 = arith.constant 0 : i32
      %sub3A_630 = vector.broadcast %sub3A_629 : i32 to vector<16xi32>
      %sub3A_631 = arith.subi %sub3A_630, %xor3A_628 : vector<16xi32>
      %or3A_632 = arith.ori %xor3A_628, %sub3A_631 : vector<16xi32>
      %shift_right_logical3A_633 = arith.constant 31 : i32
      %shift_right_logical3A_634 = vector.broadcast %shift_right_logical3A_633 : i32 to vector<16xi32>
      %shift_right_logical3A_635 = arith.shrui %or3A_632, %shift_right_logical3A_634 : vector<16xi32>
      %sub3A_636 = arith.constant 1 : i32
      %sub3A_637 = vector.broadcast %sub3A_636 : i32 to vector<16xi32>
      %sub3A_638 = arith.subi %sub3A_637, %shift_right_logical3A_635 : vector<16xi32>
      %mul3A_639 = vector.broadcast %squeeze3A_619 : i32 to vector<16xi32>
      %mul3A_640 = arith.muli %sub3A_638, %mul3A_639 : vector<16xi32>
      %sub3A_641 = vector.broadcast %add3A_624 : i32 to vector<16xi32>
      %sub3A_642 = arith.subi %sub3A_641, %add3A_604 : vector<16xi32>
      %mul3A_643 = arith.muli %mul3A_640, %sub3A_642 : vector<16xi32>
      %add3A_644 = arith.addi %add3A_604, %mul3A_643 : vector<16xi32>
      %sub3A_645 = arith.subi %add3A_624, %add3A_607 : i32
      %mul3A_646 = arith.muli %squeeze3A_619, %sub3A_645 : i32
      %add3A_647 = arith.addi %add3A_607, %mul3A_646 : i32
      %add3A_648 = arith.addi %add3A_608, %squeeze3A_619 : i32
      %gt3A_649 = arith.constant 0 : i32
      %gt3A_650 = arith.cmpi sgt, %squeeze3A_619, %gt3A_649 : i32
      %and3A_651 = arith.constant 15 : i32
      %and3A_652 = arith.andi %add3A_648, %and3A_651 : i32
      %eq3A_653 = arith.constant 0 : i32
      %eq3A_654 = arith.cmpi eq, %and3A_652, %eq3A_653 : i32
      %and3A_655 = arith.andi %gt3A_650, %eq3A_654 : i1
      %convert_element_type3A_656 = arith.extui %and3A_655 : i1 to i32
      %cond3A_657 = arith.constant 0 : i32
      %cond3A_658 = arith.cmpi ne, %convert_element_type3A_656, %cond3A_657 : i32
      scf.if %cond3A_658 {
        %shift_right_arithmetic3A_1233 = arith.constant 4 : i32
        %shift_right_arithmetic3A_1234 = arith.shrsi %add3A_648, %shift_right_arithmetic3A_1233 : i32
        %sub3A_1235 = arith.constant 1 : i32
        %sub3A_1236 = arith.subi %shift_right_arithmetic3A_1234, %sub3A_1235 : i32
        %swap3A = arith.index_cast %sub3A_1236 : i32 to index
        %swap3A_1237 = arith.constant 0 : index
        %swap3A_1238 = tpu.vector_load %arg4[%swap3A, %swap3A_1237] {strides = array<i32>} : memref<64x16xi32, #tpu.memory_space<vmem>>, vector<1x16xi32>,
        %swap3A_1239 = vector.shape_cast %swap3A_1238 : vector<1x16xi32> to vector<16xi32>
        %swap3A_1240 = vector.shape_cast %add3A_644 : vector<16xi32> to vector<1x16xi32>
        tpu.vector_store %arg4[%swap3A, %swap3A_1237], %swap3A_1240 {strides = array<i32>} : memref<64x16xi32, #tpu.memory_space<vmem>>, vector<1x16xi32>,
      } else {
      }
      %slice3A_659 = vector.extract_strided_slice %get3A_582 {offsets = [2], sizes = [1], strides = [1]} : vector<16xi32> to vector<1xi32>
      %squeeze3A_660 = vector.extract %slice3A_659[0] : i32 from vector<1xi32>
      %mul3A_661 = arith.constant 16 : i32
      %mul3A_662 = arith.muli %scan3A_576, %mul3A_661 : i32
      %add3A_663 = arith.addi %mul3A_2, %mul3A_662 : i32
      %add3A_664 = arith.constant 2 : i32
      %add3A_665 = arith.addi %add3A_663, %add3A_664 : i32
      %and3A_666 = arith.constant 15 : i32
      %and3A_667 = arith.andi %add3A_648, %and3A_666 : i32
      %xor3A_668 = vector.broadcast %and3A_667 : i32 to vector<16xi32>
      %xor3A_669 = arith.xori %iota3A, %xor3A_668 : vector<16xi32>
      %sub3A_670 = arith.constant 0 : i32
      %sub3A_671 = vector.broadcast %sub3A_670 : i32 to vector<16xi32>
      %sub3A_672 = arith.subi %sub3A_671, %xor3A_669 : vector<16xi32>
      %or3A_673 = arith.ori %xor3A_669, %sub3A_672 : vector<16xi32>
      %shift_right_logical3A_674 = arith.constant 31 : i32
      %shift_right_logical3A_675 = vector.broadcast %shift_right_logical3A_674 : i32 to vector<16xi32>
      %shift_right_logical3A_676 = arith.shrui %or3A_673, %shift_right_logical3A_675 : vector<16xi32>
      %sub3A_677 = arith.constant 1 : i32
      %sub3A_678 = vector.broadcast %sub3A_677 : i32 to vector<16xi32>
      %sub3A_679 = arith.subi %sub3A_678, %shift_right_logical3A_676 : vector<16xi32>
      %mul3A_680 = vector.broadcast %squeeze3A_660 : i32 to vector<16xi32>
      %mul3A_681 = arith.muli %sub3A_679, %mul3A_680 : vector<16xi32>
      %sub3A_682 = vector.broadcast %add3A_665 : i32 to vector<16xi32>
      %sub3A_683 = arith.subi %sub3A_682, %add3A_644 : vector<16xi32>
      %mul3A_684 = arith.muli %mul3A_681, %sub3A_683 : vector<16xi32>
      %add3A_685 = arith.addi %add3A_644, %mul3A_684 : vector<16xi32>
      %sub3A_686 = arith.subi %add3A_665, %add3A_647 : i32
      %mul3A_687 = arith.muli %squeeze3A_660, %sub3A_686 : i32
      %add3A_688 = arith.addi %add3A_647, %mul3A_687 : i32
      %add3A_689 = arith.addi %add3A_648, %squeeze3A_660 : i32
      %gt3A_690 = arith.constant 0 : i32
      %gt3A_691 = arith.cmpi sgt, %squeeze3A_660, %gt3A_690 : i32
      %and3A_692 = arith.constant 15 : i32
      %and3A_693 = arith.andi %add3A_689, %and3A_692 : i32
      %eq3A_694 = arith.constant 0 : i32
      %eq3A_695 = arith.cmpi eq, %and3A_693, %eq3A_694 : i32
      %and3A_696 = arith.andi %gt3A_691, %eq3A_695 : i1
      %convert_element_type3A_697 = arith.extui %and3A_696 : i1 to i32
      %cond3A_698 = arith.constant 0 : i32
      %cond3A_699 = arith.cmpi ne, %convert_element_type3A_697, %cond3A_698 : i32
      scf.if %cond3A_699 {
        %shift_right_arithmetic3A_1233 = arith.constant 4 : i32
        %shift_right_arithmetic3A_1234 = arith.shrsi %add3A_689, %shift_right_arithmetic3A_1233 : i32
        %sub3A_1235 = arith.constant 1 : i32
        %sub3A_1236 = arith.subi %shift_right_arithmetic3A_1234, %sub3A_1235 : i32
        %swap3A = arith.index_cast %sub3A_1236 : i32 to index
        %swap3A_1237 = arith.constant 0 : index
        %swap3A_1238 = tpu.vector_load %arg4[%swap3A, %swap3A_1237] {strides = array<i32>} : memref<64x16xi32, #tpu.memory_space<vmem>>, vector<1x16xi32>,
        %swap3A_1239 = vector.shape_cast %swap3A_1238 : vector<1x16xi32> to vector<16xi32>
        %swap3A_1240 = vector.shape_cast %add3A_685 : vector<16xi32> to vector<1x16xi32>
        tpu.vector_store %arg4[%swap3A, %swap3A_1237], %swap3A_1240 {strides = array<i32>} : memref<64x16xi32, #tpu.memory_space<vmem>>, vector<1x16xi32>,
      } else {
      }
      %slice3A_700 = vector.extract_strided_slice %get3A_582 {offsets = [3], sizes = [1], strides = [1]} : vector<16xi32> to vector<1xi32>
      %squeeze3A_701 = vector.extract %slice3A_700[0] : i32 from vector<1xi32>
      %mul3A_702 = arith.constant 16 : i32
      %mul3A_703 = arith.muli %scan3A_576, %mul3A_702 : i32
      %add3A_704 = arith.addi %mul3A_2, %mul3A_703 : i32
      %add3A_705 = arith.constant 3 : i32
      %add3A_706 = arith.addi %add3A_704, %add3A_705 : i32
      %and3A_707 = arith.constant 15 : i32
      %and3A_708 = arith.andi %add3A_689, %and3A_707 : i32
      %xor3A_709 = vector.broadcast %and3A_708 : i32 to vector<16xi32>
      %xor3A_710 = arith.xori %iota3A, %xor3A_709 : vector<16xi32>
      %sub3A_711 = arith.constant 0 : i32
      %sub3A_712 = vector.broadcast %sub3A_711 : i32 to vector<16xi32>
      %sub3A_713 = arith.subi %sub3A_712, %xor3A_710 : vector<16xi32>
      %or3A_714 = arith.ori %xor3A_710, %sub3A_713 : vector<16xi32>
      %shift_right_logical3A_715 = arith.constant 31 : i32
      %shift_right_logical3A_716 = vector.broadcast %shift_right_logical3A_715 : i32 to vector<16xi32>
      %shift_right_logical3A_717 = arith.shrui %or3A_714, %shift_right_logical3A_716 : vector<16xi32>
      %sub3A_718 = arith.constant 1 : i32
      %sub3A_719 = vector.broadcast %sub3A_718 : i32 to vector<16xi32>
      %sub3A_720 = arith.subi %sub3A_719, %shift_right_logical3A_717 : vector<16xi32>
      %mul3A_721 = vector.broadcast %squeeze3A_701 : i32 to vector<16xi32>
      %mul3A_722 = arith.muli %sub3A_720, %mul3A_721 : vector<16xi32>
      %sub3A_723 = vector.broadcast %add3A_706 : i32 to vector<16xi32>
      %sub3A_724 = arith.subi %sub3A_723, %add3A_685 : vector<16xi32>
      %mul3A_725 = arith.muli %mul3A_722, %sub3A_724 : vector<16xi32>
      %add3A_726 = arith.addi %add3A_685, %mul3A_725 : vector<16xi32>
      %sub3A_727 = arith.subi %add3A_706, %add3A_688 : i32
      %mul3A_728 = arith.muli %squeeze3A_701, %sub3A_727 : i32
      %add3A_729 = arith.addi %add3A_688, %mul3A_728 : i32
      %add3A_730 = arith.addi %add3A_689, %squeeze3A_701 : i32
      %gt3A_731 = arith.constant 0 : i32
      %gt3A_732 = arith.cmpi sgt, %squeeze3A_701, %gt3A_731 : i32
      %and3A_733 = arith.constant 15 : i32
      %and3A_734 = arith.andi %add3A_730, %and3A_733 : i32
      %eq3A_735 = arith.constant 0 : i32
      %eq3A_736 = arith.cmpi eq, %and3A_734, %eq3A_735 : i32
      %and3A_737 = arith.andi %gt3A_732, %eq3A_736 : i1
      %convert_element_type3A_738 = arith.extui %and3A_737 : i1 to i32
      %cond3A_739 = arith.constant 0 : i32
      %cond3A_740 = arith.cmpi ne, %convert_element_type3A_738, %cond3A_739 : i32
      scf.if %cond3A_740 {
        %shift_right_arithmetic3A_1233 = arith.constant 4 : i32
        %shift_right_arithmetic3A_1234 = arith.shrsi %add3A_730, %shift_right_arithmetic3A_1233 : i32
        %sub3A_1235 = arith.constant 1 : i32
        %sub3A_1236 = arith.subi %shift_right_arithmetic3A_1234, %sub3A_1235 : i32
        %swap3A = arith.index_cast %sub3A_1236 : i32 to index
        %swap3A_1237 = arith.constant 0 : index
        %swap3A_1238 = tpu.vector_load %arg4[%swap3A, %swap3A_1237] {strides = array<i32>} : memref<64x16xi32, #tpu.memory_space<vmem>>, vector<1x16xi32>,
        %swap3A_1239 = vector.shape_cast %swap3A_1238 : vector<1x16xi32> to vector<16xi32>
        %swap3A_1240 = vector.shape_cast %add3A_726 : vector<16xi32> to vector<1x16xi32>
        tpu.vector_store %arg4[%swap3A, %swap3A_1237], %swap3A_1240 {strides = array<i32>} : memref<64x16xi32, #tpu.memory_space<vmem>>, vector<1x16xi32>,
      } else {
      }
      %slice3A_741 = vector.extract_strided_slice %get3A_582 {offsets = [4], sizes = [1], strides = [1]} : vector<16xi32> to vector<1xi32>
      %squeeze3A_742 = vector.extract %slice3A_741[0] : i32 from vector<1xi32>
      %mul3A_743 = arith.constant 16 : i32
      %mul3A_744 = arith.muli %scan3A_576, %mul3A_743 : i32
      %add3A_745 = arith.addi %mul3A_2, %mul3A_744 : i32
      %add3A_746 = arith.constant 4 : i32
      %add3A_747 = arith.addi %add3A_745, %add3A_746 : i32
      %and3A_748 = arith.constant 15 : i32
      %and3A_749 = arith.andi %add3A_730, %and3A_748 : i32
      %xor3A_750 = vector.broadcast %and3A_749 : i32 to vector<16xi32>
      %xor3A_751 = arith.xori %iota3A, %xor3A_750 : vector<16xi32>
      %sub3A_752 = arith.constant 0 : i32
      %sub3A_753 = vector.broadcast %sub3A_752 : i32 to vector<16xi32>
      %sub3A_754 = arith.subi %sub3A_753, %xor3A_751 : vector<16xi32>
      %or3A_755 = arith.ori %xor3A_751, %sub3A_754 : vector<16xi32>
      %shift_right_logical3A_756 = arith.constant 31 : i32
      %shift_right_logical3A_757 = vector.broadcast %shift_right_logical3A_756 : i32 to vector<16xi32>
      %shift_right_logical3A_758 = arith.shrui %or3A_755, %shift_right_logical3A_757 : vector<16xi32>
      %sub3A_759 = arith.constant 1 : i32
      %sub3A_760 = vector.broadcast %sub3A_759 : i32 to vector<16xi32>
      %sub3A_761 = arith.subi %sub3A_760, %shift_right_logical3A_758 : vector<16xi32>
      %mul3A_762 = vector.broadcast %squeeze3A_742 : i32 to vector<16xi32>
      %mul3A_763 = arith.muli %sub3A_761, %mul3A_762 : vector<16xi32>
      %sub3A_764 = vector.broadcast %add3A_747 : i32 to vector<16xi32>
      %sub3A_765 = arith.subi %sub3A_764, %add3A_726 : vector<16xi32>
      %mul3A_766 = arith.muli %mul3A_763, %sub3A_765 : vector<16xi32>
      %add3A_767 = arith.addi %add3A_726, %mul3A_766 : vector<16xi32>
      %sub3A_768 = arith.subi %add3A_747, %add3A_729 : i32
      %mul3A_769 = arith.muli %squeeze3A_742, %sub3A_768 : i32
      %add3A_770 = arith.addi %add3A_729, %mul3A_769 : i32
      %add3A_771 = arith.addi %add3A_730, %squeeze3A_742 : i32
      %gt3A_772 = arith.constant 0 : i32
      %gt3A_773 = arith.cmpi sgt, %squeeze3A_742, %gt3A_772 : i32
      %and3A_774 = arith.constant 15 : i32
      %and3A_775 = arith.andi %add3A_771, %and3A_774 : i32
      %eq3A_776 = arith.constant 0 : i32
      %eq3A_777 = arith.cmpi eq, %and3A_775, %eq3A_776 : i32
      %and3A_778 = arith.andi %gt3A_773, %eq3A_777 : i1
      %convert_element_type3A_779 = arith.extui %and3A_778 : i1 to i32
      %cond3A_780 = arith.constant 0 : i32
      %cond3A_781 = arith.cmpi ne, %convert_element_type3A_779, %cond3A_780 : i32
      scf.if %cond3A_781 {
        %shift_right_arithmetic3A_1233 = arith.constant 4 : i32
        %shift_right_arithmetic3A_1234 = arith.shrsi %add3A_771, %shift_right_arithmetic3A_1233 : i32
        %sub3A_1235 = arith.constant 1 : i32
        %sub3A_1236 = arith.subi %shift_right_arithmetic3A_1234, %sub3A_1235 : i32
        %swap3A = arith.index_cast %sub3A_1236 : i32 to index
        %swap3A_1237 = arith.constant 0 : index
        %swap3A_1238 = tpu.vector_load %arg4[%swap3A, %swap3A_1237] {strides = array<i32>} : memref<64x16xi32, #tpu.memory_space<vmem>>, vector<1x16xi32>,
        %swap3A_1239 = vector.shape_cast %swap3A_1238 : vector<1x16xi32> to vector<16xi32>
        %swap3A_1240 = vector.shape_cast %add3A_767 : vector<16xi32> to vector<1x16xi32>
        tpu.vector_store %arg4[%swap3A, %swap3A_1237], %swap3A_1240 {strides = array<i32>} : memref<64x16xi32, #tpu.memory_space<vmem>>, vector<1x16xi32>,
      } else {
      }
      %slice3A_782 = vector.extract_strided_slice %get3A_582 {offsets = [5], sizes = [1], strides = [1]} : vector<16xi32> to vector<1xi32>
      %squeeze3A_783 = vector.extract %slice3A_782[0] : i32 from vector<1xi32>
      %mul3A_784 = arith.constant 16 : i32
      %mul3A_785 = arith.muli %scan3A_576, %mul3A_784 : i32
      %add3A_786 = arith.addi %mul3A_2, %mul3A_785 : i32
      %add3A_787 = arith.constant 5 : i32
      %add3A_788 = arith.addi %add3A_786, %add3A_787 : i32
      %and3A_789 = arith.constant 15 : i32
      %and3A_790 = arith.andi %add3A_771, %and3A_789 : i32
      %xor3A_791 = vector.broadcast %and3A_790 : i32 to vector<16xi32>
      %xor3A_792 = arith.xori %iota3A, %xor3A_791 : vector<16xi32>
      %sub3A_793 = arith.constant 0 : i32
      %sub3A_794 = vector.broadcast %sub3A_793 : i32 to vector<16xi32>
      %sub3A_795 = arith.subi %sub3A_794, %xor3A_792 : vector<16xi32>
      %or3A_796 = arith.ori %xor3A_792, %sub3A_795 : vector<16xi32>
      %shift_right_logical3A_797 = arith.constant 31 : i32
      %shift_right_logical3A_798 = vector.broadcast %shift_right_logical3A_797 : i32 to vector<16xi32>
      %shift_right_logical3A_799 = arith.shrui %or3A_796, %shift_right_logical3A_798 : vector<16xi32>
      %sub3A_800 = arith.constant 1 : i32
      %sub3A_801 = vector.broadcast %sub3A_800 : i32 to vector<16xi32>
      %sub3A_802 = arith.subi %sub3A_801, %shift_right_logical3A_799 : vector<16xi32>
      %mul3A_803 = vector.broadcast %squeeze3A_783 : i32 to vector<16xi32>
      %mul3A_804 = arith.muli %sub3A_802, %mul3A_803 : vector<16xi32>
      %sub3A_805 = vector.broadcast %add3A_788 : i32 to vector<16xi32>
      %sub3A_806 = arith.subi %sub3A_805, %add3A_767 : vector<16xi32>
      %mul3A_807 = arith.muli %mul3A_804, %sub3A_806 : vector<16xi32>
      %add3A_808 = arith.addi %add3A_767, %mul3A_807 : vector<16xi32>
      %sub3A_809 = arith.subi %add3A_788, %add3A_770 : i32
      %mul3A_810 = arith.muli %squeeze3A_783, %sub3A_809 : i32
      %add3A_811 = arith.addi %add3A_770, %mul3A_810 : i32
      %add3A_812 = arith.addi %add3A_771, %squeeze3A_783 : i32
      %gt3A_813 = arith.constant 0 : i32
      %gt3A_814 = arith.cmpi sgt, %squeeze3A_783, %gt3A_813 : i32
      %and3A_815 = arith.constant 15 : i32
      %and3A_816 = arith.andi %add3A_812, %and3A_815 : i32
      %eq3A_817 = arith.constant 0 : i32
      %eq3A_818 = arith.cmpi eq, %and3A_816, %eq3A_817 : i32
      %and3A_819 = arith.andi %gt3A_814, %eq3A_818 : i1
      %convert_element_type3A_820 = arith.extui %and3A_819 : i1 to i32
      %cond3A_821 = arith.constant 0 : i32
      %cond3A_822 = arith.cmpi ne, %convert_element_type3A_820, %cond3A_821 : i32
      scf.if %cond3A_822 {
        %shift_right_arithmetic3A_1233 = arith.constant 4 : i32
        %shift_right_arithmetic3A_1234 = arith.shrsi %add3A_812, %shift_right_arithmetic3A_1233 : i32
        %sub3A_1235 = arith.constant 1 : i32
        %sub3A_1236 = arith.subi %shift_right_arithmetic3A_1234, %sub3A_1235 : i32
        %swap3A = arith.index_cast %sub3A_1236 : i32 to index
        %swap3A_1237 = arith.constant 0 : index
        %swap3A_1238 = tpu.vector_load %arg4[%swap3A, %swap3A_1237] {strides = array<i32>} : memref<64x16xi32, #tpu.memory_space<vmem>>, vector<1x16xi32>,
        %swap3A_1239 = vector.shape_cast %swap3A_1238 : vector<1x16xi32> to vector<16xi32>
        %swap3A_1240 = vector.shape_cast %add3A_808 : vector<16xi32> to vector<1x16xi32>
        tpu.vector_store %arg4[%swap3A, %swap3A_1237], %swap3A_1240 {strides = array<i32>} : memref<64x16xi32, #tpu.memory_space<vmem>>, vector<1x16xi32>,
      } else {
      }
      %slice3A_823 = vector.extract_strided_slice %get3A_582 {offsets = [6], sizes = [1], strides = [1]} : vector<16xi32> to vector<1xi32>
      %squeeze3A_824 = vector.extract %slice3A_823[0] : i32 from vector<1xi32>
      %mul3A_825 = arith.constant 16 : i32
      %mul3A_826 = arith.muli %scan3A_576, %mul3A_825 : i32
      %add3A_827 = arith.addi %mul3A_2, %mul3A_826 : i32
      %add3A_828 = arith.constant 6 : i32
      %add3A_829 = arith.addi %add3A_827, %add3A_828 : i32
      %and3A_830 = arith.constant 15 : i32
      %and3A_831 = arith.andi %add3A_812, %and3A_830 : i32
      %xor3A_832 = vector.broadcast %and3A_831 : i32 to vector<16xi32>
      %xor3A_833 = arith.xori %iota3A, %xor3A_832 : vector<16xi32>
      %sub3A_834 = arith.constant 0 : i32
      %sub3A_835 = vector.broadcast %sub3A_834 : i32 to vector<16xi32>
      %sub3A_836 = arith.subi %sub3A_835, %xor3A_833 : vector<16xi32>
      %or3A_837 = arith.ori %xor3A_833, %sub3A_836 : vector<16xi32>
      %shift_right_logical3A_838 = arith.constant 31 : i32
      %shift_right_logical3A_839 = vector.broadcast %shift_right_logical3A_838 : i32 to vector<16xi32>
      %shift_right_logical3A_840 = arith.shrui %or3A_837, %shift_right_logical3A_839 : vector<16xi32>
      %sub3A_841 = arith.constant 1 : i32
      %sub3A_842 = vector.broadcast %sub3A_841 : i32 to vector<16xi32>
      %sub3A_843 = arith.subi %sub3A_842, %shift_right_logical3A_840 : vector<16xi32>
      %mul3A_844 = vector.broadcast %squeeze3A_824 : i32 to vector<16xi32>
      %mul3A_845 = arith.muli %sub3A_843, %mul3A_844 : vector<16xi32>
      %sub3A_846 = vector.broadcast %add3A_829 : i32 to vector<16xi32>
      %sub3A_847 = arith.subi %sub3A_846, %add3A_808 : vector<16xi32>
      %mul3A_848 = arith.muli %mul3A_845, %sub3A_847 : vector<16xi32>
      %add3A_849 = arith.addi %add3A_808, %mul3A_848 : vector<16xi32>
      %sub3A_850 = arith.subi %add3A_829, %add3A_811 : i32
      %mul3A_851 = arith.muli %squeeze3A_824, %sub3A_850 : i32
      %add3A_852 = arith.addi %add3A_811, %mul3A_851 : i32
      %add3A_853 = arith.addi %add3A_812, %squeeze3A_824 : i32
      %gt3A_854 = arith.constant 0 : i32
      %gt3A_855 = arith.cmpi sgt, %squeeze3A_824, %gt3A_854 : i32
      %and3A_856 = arith.constant 15 : i32
      %and3A_857 = arith.andi %add3A_853, %and3A_856 : i32
      %eq3A_858 = arith.constant 0 : i32
      %eq3A_859 = arith.cmpi eq, %and3A_857, %eq3A_858 : i32
      %and3A_860 = arith.andi %gt3A_855, %eq3A_859 : i1
      %convert_element_type3A_861 = arith.extui %and3A_860 : i1 to i32
      %cond3A_862 = arith.constant 0 : i32
      %cond3A_863 = arith.cmpi ne, %convert_element_type3A_861, %cond3A_862 : i32
      scf.if %cond3A_863 {
        %shift_right_arithmetic3A_1233 = arith.constant 4 : i32
        %shift_right_arithmetic3A_1234 = arith.shrsi %add3A_853, %shift_right_arithmetic3A_1233 : i32
        %sub3A_1235 = arith.constant 1 : i32
        %sub3A_1236 = arith.subi %shift_right_arithmetic3A_1234, %sub3A_1235 : i32
        %swap3A = arith.index_cast %sub3A_1236 : i32 to index
        %swap3A_1237 = arith.constant 0 : index
        %swap3A_1238 = tpu.vector_load %arg4[%swap3A, %swap3A_1237] {strides = array<i32>} : memref<64x16xi32, #tpu.memory_space<vmem>>, vector<1x16xi32>,
        %swap3A_1239 = vector.shape_cast %swap3A_1238 : vector<1x16xi32> to vector<16xi32>
        %swap3A_1240 = vector.shape_cast %add3A_849 : vector<16xi32> to vector<1x16xi32>
        tpu.vector_store %arg4[%swap3A, %swap3A_1237], %swap3A_1240 {strides = array<i32>} : memref<64x16xi32, #tpu.memory_space<vmem>>, vector<1x16xi32>,
      } else {
      }
      %slice3A_864 = vector.extract_strided_slice %get3A_582 {offsets = [7], sizes = [1], strides = [1]} : vector<16xi32> to vector<1xi32>
      %squeeze3A_865 = vector.extract %slice3A_864[0] : i32 from vector<1xi32>
      %mul3A_866 = arith.constant 16 : i32
      %mul3A_867 = arith.muli %scan3A_576, %mul3A_866 : i32
      %add3A_868 = arith.addi %mul3A_2, %mul3A_867 : i32
      %add3A_869 = arith.constant 7 : i32
      %add3A_870 = arith.addi %add3A_868, %add3A_869 : i32
      %and3A_871 = arith.constant 15 : i32
      %and3A_872 = arith.andi %add3A_853, %and3A_871 : i32
      %xor3A_873 = vector.broadcast %and3A_872 : i32 to vector<16xi32>
      %xor3A_874 = arith.xori %iota3A, %xor3A_873 : vector<16xi32>
      %sub3A_875 = arith.constant 0 : i32
      %sub3A_876 = vector.broadcast %sub3A_875 : i32 to vector<16xi32>
      %sub3A_877 = arith.subi %sub3A_876, %xor3A_874 : vector<16xi32>
      %or3A_878 = arith.ori %xor3A_874, %sub3A_877 : vector<16xi32>
      %shift_right_logical3A_879 = arith.constant 31 : i32
      %shift_right_logical3A_880 = vector.broadcast %shift_right_logical3A_879 : i32 to vector<16xi32>
      %shift_right_logical3A_881 = arith.shrui %or3A_878, %shift_right_logical3A_880 : vector<16xi32>
      %sub3A_882 = arith.constant 1 : i32
      %sub3A_883 = vector.broadcast %sub3A_882 : i32 to vector<16xi32>
      %sub3A_884 = arith.subi %sub3A_883, %shift_right_logical3A_881 : vector<16xi32>
      %mul3A_885 = vector.broadcast %squeeze3A_865 : i32 to vector<16xi32>
      %mul3A_886 = arith.muli %sub3A_884, %mul3A_885 : vector<16xi32>
      %sub3A_887 = vector.broadcast %add3A_870 : i32 to vector<16xi32>
      %sub3A_888 = arith.subi %sub3A_887, %add3A_849 : vector<16xi32>
      %mul3A_889 = arith.muli %mul3A_886, %sub3A_888 : vector<16xi32>
      %add3A_890 = arith.addi %add3A_849, %mul3A_889 : vector<16xi32>
      %sub3A_891 = arith.subi %add3A_870, %add3A_852 : i32
      %mul3A_892 = arith.muli %squeeze3A_865, %sub3A_891 : i32
      %add3A_893 = arith.addi %add3A_852, %mul3A_892 : i32
      %add3A_894 = arith.addi %add3A_853, %squeeze3A_865 : i32
      %gt3A_895 = arith.constant 0 : i32
      %gt3A_896 = arith.cmpi sgt, %squeeze3A_865, %gt3A_895 : i32
      %and3A_897 = arith.constant 15 : i32
      %and3A_898 = arith.andi %add3A_894, %and3A_897 : i32
      %eq3A_899 = arith.constant 0 : i32
      %eq3A_900 = arith.cmpi eq, %and3A_898, %eq3A_899 : i32
      %and3A_901 = arith.andi %gt3A_896, %eq3A_900 : i1
      %convert_element_type3A_902 = arith.extui %and3A_901 : i1 to i32
      %cond3A_903 = arith.constant 0 : i32
      %cond3A_904 = arith.cmpi ne, %convert_element_type3A_902, %cond3A_903 : i32
      scf.if %cond3A_904 {
        %shift_right_arithmetic3A_1233 = arith.constant 4 : i32
        %shift_right_arithmetic3A_1234 = arith.shrsi %add3A_894, %shift_right_arithmetic3A_1233 : i32
        %sub3A_1235 = arith.constant 1 : i32
        %sub3A_1236 = arith.subi %shift_right_arithmetic3A_1234, %sub3A_1235 : i32
        %swap3A = arith.index_cast %sub3A_1236 : i32 to index
        %swap3A_1237 = arith.constant 0 : index
        %swap3A_1238 = tpu.vector_load %arg4[%swap3A, %swap3A_1237] {strides = array<i32>} : memref<64x16xi32, #tpu.memory_space<vmem>>, vector<1x16xi32>,
        %swap3A_1239 = vector.shape_cast %swap3A_1238 : vector<1x16xi32> to vector<16xi32>
        %swap3A_1240 = vector.shape_cast %add3A_890 : vector<16xi32> to vector<1x16xi32>
        tpu.vector_store %arg4[%swap3A, %swap3A_1237], %swap3A_1240 {strides = array<i32>} : memref<64x16xi32, #tpu.memory_space<vmem>>, vector<1x16xi32>,
      } else {
      }
      %slice3A_905 = vector.extract_strided_slice %get3A_582 {offsets = [8], sizes = [1], strides = [1]} : vector<16xi32> to vector<1xi32>
      %squeeze3A_906 = vector.extract %slice3A_905[0] : i32 from vector<1xi32>
      %mul3A_907 = arith.constant 16 : i32
      %mul3A_908 = arith.muli %scan3A_576, %mul3A_907 : i32
      %add3A_909 = arith.addi %mul3A_2, %mul3A_908 : i32
      %add3A_910 = arith.constant 8 : i32
      %add3A_911 = arith.addi %add3A_909, %add3A_910 : i32
      %and3A_912 = arith.constant 15 : i32
      %and3A_913 = arith.andi %add3A_894, %and3A_912 : i32
      %xor3A_914 = vector.broadcast %and3A_913 : i32 to vector<16xi32>
      %xor3A_915 = arith.xori %iota3A, %xor3A_914 : vector<16xi32>
      %sub3A_916 = arith.constant 0 : i32
      %sub3A_917 = vector.broadcast %sub3A_916 : i32 to vector<16xi32>
      %sub3A_918 = arith.subi %sub3A_917, %xor3A_915 : vector<16xi32>
      %or3A_919 = arith.ori %xor3A_915, %sub3A_918 : vector<16xi32>
      %shift_right_logical3A_920 = arith.constant 31 : i32
      %shift_right_logical3A_921 = vector.broadcast %shift_right_logical3A_920 : i32 to vector<16xi32>
      %shift_right_logical3A_922 = arith.shrui %or3A_919, %shift_right_logical3A_921 : vector<16xi32>
      %sub3A_923 = arith.constant 1 : i32
      %sub3A_924 = vector.broadcast %sub3A_923 : i32 to vector<16xi32>
      %sub3A_925 = arith.subi %sub3A_924, %shift_right_logical3A_922 : vector<16xi32>
      %mul3A_926 = vector.broadcast %squeeze3A_906 : i32 to vector<16xi32>
      %mul3A_927 = arith.muli %sub3A_925, %mul3A_926 : vector<16xi32>
      %sub3A_928 = vector.broadcast %add3A_911 : i32 to vector<16xi32>
      %sub3A_929 = arith.subi %sub3A_928, %add3A_890 : vector<16xi32>
      %mul3A_930 = arith.muli %mul3A_927, %sub3A_929 : vector<16xi32>
      %add3A_931 = arith.addi %add3A_890, %mul3A_930 : vector<16xi32>
      %sub3A_932 = arith.subi %add3A_911, %add3A_893 : i32
      %mul3A_933 = arith.muli %squeeze3A_906, %sub3A_932 : i32
      %add3A_934 = arith.addi %add3A_893, %mul3A_933 : i32
      %add3A_935 = arith.addi %add3A_894, %squeeze3A_906 : i32
      %gt3A_936 = arith.constant 0 : i32
      %gt3A_937 = arith.cmpi sgt, %squeeze3A_906, %gt3A_936 : i32
      %and3A_938 = arith.constant 15 : i32
      %and3A_939 = arith.andi %add3A_935, %and3A_938 : i32
      %eq3A_940 = arith.constant 0 : i32
      %eq3A_941 = arith.cmpi eq, %and3A_939, %eq3A_940 : i32
      %and3A_942 = arith.andi %gt3A_937, %eq3A_941 : i1
      %convert_element_type3A_943 = arith.extui %and3A_942 : i1 to i32
      %cond3A_944 = arith.constant 0 : i32
      %cond3A_945 = arith.cmpi ne, %convert_element_type3A_943, %cond3A_944 : i32
      scf.if %cond3A_945 {
        %shift_right_arithmetic3A_1233 = arith.constant 4 : i32
        %shift_right_arithmetic3A_1234 = arith.shrsi %add3A_935, %shift_right_arithmetic3A_1233 : i32
        %sub3A_1235 = arith.constant 1 : i32
        %sub3A_1236 = arith.subi %shift_right_arithmetic3A_1234, %sub3A_1235 : i32
        %swap3A = arith.index_cast %sub3A_1236 : i32 to index
        %swap3A_1237 = arith.constant 0 : index
        %swap3A_1238 = tpu.vector_load %arg4[%swap3A, %swap3A_1237] {strides = array<i32>} : memref<64x16xi32, #tpu.memory_space<vmem>>, vector<1x16xi32>,
        %swap3A_1239 = vector.shape_cast %swap3A_1238 : vector<1x16xi32> to vector<16xi32>
        %swap3A_1240 = vector.shape_cast %add3A_931 : vector<16xi32> to vector<1x16xi32>
        tpu.vector_store %arg4[%swap3A, %swap3A_1237], %swap3A_1240 {strides = array<i32>} : memref<64x16xi32, #tpu.memory_space<vmem>>, vector<1x16xi32>,
      } else {
      }
      %slice3A_946 = vector.extract_strided_slice %get3A_582 {offsets = [9], sizes = [1], strides = [1]} : vector<16xi32> to vector<1xi32>
      %squeeze3A_947 = vector.extract %slice3A_946[0] : i32 from vector<1xi32>
      %mul3A_948 = arith.constant 16 : i32
      %mul3A_949 = arith.muli %scan3A_576, %mul3A_948 : i32
      %add3A_950 = arith.addi %mul3A_2, %mul3A_949 : i32
      %add3A_951 = arith.constant 9 : i32
      %add3A_952 = arith.addi %add3A_950, %add3A_951 : i32
      %and3A_953 = arith.constant 15 : i32
      %and3A_954 = arith.andi %add3A_935, %and3A_953 : i32
      %xor3A_955 = vector.broadcast %and3A_954 : i32 to vector<16xi32>
      %xor3A_956 = arith.xori %iota3A, %xor3A_955 : vector<16xi32>
      %sub3A_957 = arith.constant 0 : i32
      %sub3A_958 = vector.broadcast %sub3A_957 : i32 to vector<16xi32>
      %sub3A_959 = arith.subi %sub3A_958, %xor3A_956 : vector<16xi32>
      %or3A_960 = arith.ori %xor3A_956, %sub3A_959 : vector<16xi32>
      %shift_right_logical3A_961 = arith.constant 31 : i32
      %shift_right_logical3A_962 = vector.broadcast %shift_right_logical3A_961 : i32 to vector<16xi32>
      %shift_right_logical3A_963 = arith.shrui %or3A_960, %shift_right_logical3A_962 : vector<16xi32>
      %sub3A_964 = arith.constant 1 : i32
      %sub3A_965 = vector.broadcast %sub3A_964 : i32 to vector<16xi32>
      %sub3A_966 = arith.subi %sub3A_965, %shift_right_logical3A_963 : vector<16xi32>
      %mul3A_967 = vector.broadcast %squeeze3A_947 : i32 to vector<16xi32>
      %mul3A_968 = arith.muli %sub3A_966, %mul3A_967 : vector<16xi32>
      %sub3A_969 = vector.broadcast %add3A_952 : i32 to vector<16xi32>
      %sub3A_970 = arith.subi %sub3A_969, %add3A_931 : vector<16xi32>
      %mul3A_971 = arith.muli %mul3A_968, %sub3A_970 : vector<16xi32>
      %add3A_972 = arith.addi %add3A_931, %mul3A_971 : vector<16xi32>
      %sub3A_973 = arith.subi %add3A_952, %add3A_934 : i32
      %mul3A_974 = arith.muli %squeeze3A_947, %sub3A_973 : i32
      %add3A_975 = arith.addi %add3A_934, %mul3A_974 : i32
      %add3A_976 = arith.addi %add3A_935, %squeeze3A_947 : i32
      %gt3A_977 = arith.constant 0 : i32
      %gt3A_978 = arith.cmpi sgt, %squeeze3A_947, %gt3A_977 : i32
      %and3A_979 = arith.constant 15 : i32
      %and3A_980 = arith.andi %add3A_976, %and3A_979 : i32
      %eq3A_981 = arith.constant 0 : i32
      %eq3A_982 = arith.cmpi eq, %and3A_980, %eq3A_981 : i32
      %and3A_983 = arith.andi %gt3A_978, %eq3A_982 : i1
      %convert_element_type3A_984 = arith.extui %and3A_983 : i1 to i32
      %cond3A_985 = arith.constant 0 : i32
      %cond3A_986 = arith.cmpi ne, %convert_element_type3A_984, %cond3A_985 : i32
      scf.if %cond3A_986 {
        %shift_right_arithmetic3A_1233 = arith.constant 4 : i32
        %shift_right_arithmetic3A_1234 = arith.shrsi %add3A_976, %shift_right_arithmetic3A_1233 : i32
        %sub3A_1235 = arith.constant 1 : i32
        %sub3A_1236 = arith.subi %shift_right_arithmetic3A_1234, %sub3A_1235 : i32
        %swap3A = arith.index_cast %sub3A_1236 : i32 to index
        %swap3A_1237 = arith.constant 0 : index
        %swap3A_1238 = tpu.vector_load %arg4[%swap3A, %swap3A_1237] {strides = array<i32>} : memref<64x16xi32, #tpu.memory_space<vmem>>, vector<1x16xi32>,
        %swap3A_1239 = vector.shape_cast %swap3A_1238 : vector<1x16xi32> to vector<16xi32>
        %swap3A_1240 = vector.shape_cast %add3A_972 : vector<16xi32> to vector<1x16xi32>
        tpu.vector_store %arg4[%swap3A, %swap3A_1237], %swap3A_1240 {strides = array<i32>} : memref<64x16xi32, #tpu.memory_space<vmem>>, vector<1x16xi32>,
      } else {
      }
      %slice3A_987 = vector.extract_strided_slice %get3A_582 {offsets = [10], sizes = [1], strides = [1]} : vector<16xi32> to vector<1xi32>
      %squeeze3A_988 = vector.extract %slice3A_987[0] : i32 from vector<1xi32>
      %mul3A_989 = arith.constant 16 : i32
      %mul3A_990 = arith.muli %scan3A_576, %mul3A_989 : i32
      %add3A_991 = arith.addi %mul3A_2, %mul3A_990 : i32
      %add3A_992 = arith.constant 10 : i32
      %add3A_993 = arith.addi %add3A_991, %add3A_992 : i32
      %and3A_994 = arith.constant 15 : i32
      %and3A_995 = arith.andi %add3A_976, %and3A_994 : i32
      %xor3A_996 = vector.broadcast %and3A_995 : i32 to vector<16xi32>
      %xor3A_997 = arith.xori %iota3A, %xor3A_996 : vector<16xi32>
      %sub3A_998 = arith.constant 0 : i32
      %sub3A_999 = vector.broadcast %sub3A_998 : i32 to vector<16xi32>
      %sub3A_1000 = arith.subi %sub3A_999, %xor3A_997 : vector<16xi32>
      %or3A_1001 = arith.ori %xor3A_997, %sub3A_1000 : vector<16xi32>
      %shift_right_logical3A_1002 = arith.constant 31 : i32
      %shift_right_logical3A_1003 = vector.broadcast %shift_right_logical3A_1002 : i32 to vector<16xi32>
      %shift_right_logical3A_1004 = arith.shrui %or3A_1001, %shift_right_logical3A_1003 : vector<16xi32>
      %sub3A_1005 = arith.constant 1 : i32
      %sub3A_1006 = vector.broadcast %sub3A_1005 : i32 to vector<16xi32>
      %sub3A_1007 = arith.subi %sub3A_1006, %shift_right_logical3A_1004 : vector<16xi32>
      %mul3A_1008 = vector.broadcast %squeeze3A_988 : i32 to vector<16xi32>
      %mul3A_1009 = arith.muli %sub3A_1007, %mul3A_1008 : vector<16xi32>
      %sub3A_1010 = vector.broadcast %add3A_993 : i32 to vector<16xi32>
      %sub3A_1011 = arith.subi %sub3A_1010, %add3A_972 : vector<16xi32>
      %mul3A_1012 = arith.muli %mul3A_1009, %sub3A_1011 : vector<16xi32>
      %add3A_1013 = arith.addi %add3A_972, %mul3A_1012 : vector<16xi32>
      %sub3A_1014 = arith.subi %add3A_993, %add3A_975 : i32
      %mul3A_1015 = arith.muli %squeeze3A_988, %sub3A_1014 : i32
      %add3A_1016 = arith.addi %add3A_975, %mul3A_1015 : i32
      %add3A_1017 = arith.addi %add3A_976, %squeeze3A_988 : i32
      %gt3A_1018 = arith.constant 0 : i32
      %gt3A_1019 = arith.cmpi sgt, %squeeze3A_988, %gt3A_1018 : i32
      %and3A_1020 = arith.constant 15 : i32
      %and3A_1021 = arith.andi %add3A_1017, %and3A_1020 : i32
      %eq3A_1022 = arith.constant 0 : i32
      %eq3A_1023 = arith.cmpi eq, %and3A_1021, %eq3A_1022 : i32
      %and3A_1024 = arith.andi %gt3A_1019, %eq3A_1023 : i1
      %convert_element_type3A_1025 = arith.extui %and3A_1024 : i1 to i32
      %cond3A_1026 = arith.constant 0 : i32
      %cond3A_1027 = arith.cmpi ne, %convert_element_type3A_1025, %cond3A_1026 : i32
      scf.if %cond3A_1027 {
        %shift_right_arithmetic3A_1233 = arith.constant 4 : i32
        %shift_right_arithmetic3A_1234 = arith.shrsi %add3A_1017, %shift_right_arithmetic3A_1233 : i32
        %sub3A_1235 = arith.constant 1 : i32
        %sub3A_1236 = arith.subi %shift_right_arithmetic3A_1234, %sub3A_1235 : i32
        %swap3A = arith.index_cast %sub3A_1236 : i32 to index
        %swap3A_1237 = arith.constant 0 : index
        %swap3A_1238 = tpu.vector_load %arg4[%swap3A, %swap3A_1237] {strides = array<i32>} : memref<64x16xi32, #tpu.memory_space<vmem>>, vector<1x16xi32>,
        %swap3A_1239 = vector.shape_cast %swap3A_1238 : vector<1x16xi32> to vector<16xi32>
        %swap3A_1240 = vector.shape_cast %add3A_1013 : vector<16xi32> to vector<1x16xi32>
        tpu.vector_store %arg4[%swap3A, %swap3A_1237], %swap3A_1240 {strides = array<i32>} : memref<64x16xi32, #tpu.memory_space<vmem>>, vector<1x16xi32>,
      } else {
      }
      %slice3A_1028 = vector.extract_strided_slice %get3A_582 {offsets = [11], sizes = [1], strides = [1]} : vector<16xi32> to vector<1xi32>
      %squeeze3A_1029 = vector.extract %slice3A_1028[0] : i32 from vector<1xi32>
      %mul3A_1030 = arith.constant 16 : i32
      %mul3A_1031 = arith.muli %scan3A_576, %mul3A_1030 : i32
      %add3A_1032 = arith.addi %mul3A_2, %mul3A_1031 : i32
      %add3A_1033 = arith.constant 11 : i32
      %add3A_1034 = arith.addi %add3A_1032, %add3A_1033 : i32
      %and3A_1035 = arith.constant 15 : i32
      %and3A_1036 = arith.andi %add3A_1017, %and3A_1035 : i32
      %xor3A_1037 = vector.broadcast %and3A_1036 : i32 to vector<16xi32>
      %xor3A_1038 = arith.xori %iota3A, %xor3A_1037 : vector<16xi32>
      %sub3A_1039 = arith.constant 0 : i32
      %sub3A_1040 = vector.broadcast %sub3A_1039 : i32 to vector<16xi32>
      %sub3A_1041 = arith.subi %sub3A_1040, %xor3A_1038 : vector<16xi32>
      %or3A_1042 = arith.ori %xor3A_1038, %sub3A_1041 : vector<16xi32>
      %shift_right_logical3A_1043 = arith.constant 31 : i32
      %shift_right_logical3A_1044 = vector.broadcast %shift_right_logical3A_1043 : i32 to vector<16xi32>
      %shift_right_logical3A_1045 = arith.shrui %or3A_1042, %shift_right_logical3A_1044 : vector<16xi32>
      %sub3A_1046 = arith.constant 1 : i32
      %sub3A_1047 = vector.broadcast %sub3A_1046 : i32 to vector<16xi32>
      %sub3A_1048 = arith.subi %sub3A_1047, %shift_right_logical3A_1045 : vector<16xi32>
      %mul3A_1049 = vector.broadcast %squeeze3A_1029 : i32 to vector<16xi32>
      %mul3A_1050 = arith.muli %sub3A_1048, %mul3A_1049 : vector<16xi32>
      %sub3A_1051 = vector.broadcast %add3A_1034 : i32 to vector<16xi32>
      %sub3A_1052 = arith.subi %sub3A_1051, %add3A_1013 : vector<16xi32>
      %mul3A_1053 = arith.muli %mul3A_1050, %sub3A_1052 : vector<16xi32>
      %add3A_1054 = arith.addi %add3A_1013, %mul3A_1053 : vector<16xi32>
      %sub3A_1055 = arith.subi %add3A_1034, %add3A_1016 : i32
      %mul3A_1056 = arith.muli %squeeze3A_1029, %sub3A_1055 : i32
      %add3A_1057 = arith.addi %add3A_1016, %mul3A_1056 : i32
      %add3A_1058 = arith.addi %add3A_1017, %squeeze3A_1029 : i32
      %gt3A_1059 = arith.constant 0 : i32
      %gt3A_1060 = arith.cmpi sgt, %squeeze3A_1029, %gt3A_1059 : i32
      %and3A_1061 = arith.constant 15 : i32
      %and3A_1062 = arith.andi %add3A_1058, %and3A_1061 : i32
      %eq3A_1063 = arith.constant 0 : i32
      %eq3A_1064 = arith.cmpi eq, %and3A_1062, %eq3A_1063 : i32
      %and3A_1065 = arith.andi %gt3A_1060, %eq3A_1064 : i1
      %convert_element_type3A_1066 = arith.extui %and3A_1065 : i1 to i32
      %cond3A_1067 = arith.constant 0 : i32
      %cond3A_1068 = arith.cmpi ne, %convert_element_type3A_1066, %cond3A_1067 : i32
      scf.if %cond3A_1068 {
        %shift_right_arithmetic3A_1233 = arith.constant 4 : i32
        %shift_right_arithmetic3A_1234 = arith.shrsi %add3A_1058, %shift_right_arithmetic3A_1233 : i32
        %sub3A_1235 = arith.constant 1 : i32
        %sub3A_1236 = arith.subi %shift_right_arithmetic3A_1234, %sub3A_1235 : i32
        %swap3A = arith.index_cast %sub3A_1236 : i32 to index
        %swap3A_1237 = arith.constant 0 : index
        %swap3A_1238 = tpu.vector_load %arg4[%swap3A, %swap3A_1237] {strides = array<i32>} : memref<64x16xi32, #tpu.memory_space<vmem>>, vector<1x16xi32>,
        %swap3A_1239 = vector.shape_cast %swap3A_1238 : vector<1x16xi32> to vector<16xi32>
        %swap3A_1240 = vector.shape_cast %add3A_1054 : vector<16xi32> to vector<1x16xi32>
        tpu.vector_store %arg4[%swap3A, %swap3A_1237], %swap3A_1240 {strides = array<i32>} : memref<64x16xi32, #tpu.memory_space<vmem>>, vector<1x16xi32>,
      } else {
      }
      %slice3A_1069 = vector.extract_strided_slice %get3A_582 {offsets = [12], sizes = [1], strides = [1]} : vector<16xi32> to vector<1xi32>
      %squeeze3A_1070 = vector.extract %slice3A_1069[0] : i32 from vector<1xi32>
      %mul3A_1071 = arith.constant 16 : i32
      %mul3A_1072 = arith.muli %scan3A_576, %mul3A_1071 : i32
      %add3A_1073 = arith.addi %mul3A_2, %mul3A_1072 : i32
      %add3A_1074 = arith.constant 12 : i32
      %add3A_1075 = arith.addi %add3A_1073, %add3A_1074 : i32
      %and3A_1076 = arith.constant 15 : i32
      %and3A_1077 = arith.andi %add3A_1058, %and3A_1076 : i32
      %xor3A_1078 = vector.broadcast %and3A_1077 : i32 to vector<16xi32>
      %xor3A_1079 = arith.xori %iota3A, %xor3A_1078 : vector<16xi32>
      %sub3A_1080 = arith.constant 0 : i32
      %sub3A_1081 = vector.broadcast %sub3A_1080 : i32 to vector<16xi32>
      %sub3A_1082 = arith.subi %sub3A_1081, %xor3A_1079 : vector<16xi32>
      %or3A_1083 = arith.ori %xor3A_1079, %sub3A_1082 : vector<16xi32>
      %shift_right_logical3A_1084 = arith.constant 31 : i32
      %shift_right_logical3A_1085 = vector.broadcast %shift_right_logical3A_1084 : i32 to vector<16xi32>
      %shift_right_logical3A_1086 = arith.shrui %or3A_1083, %shift_right_logical3A_1085 : vector<16xi32>
      %sub3A_1087 = arith.constant 1 : i32
      %sub3A_1088 = vector.broadcast %sub3A_1087 : i32 to vector<16xi32>
      %sub3A_1089 = arith.subi %sub3A_1088, %shift_right_logical3A_1086 : vector<16xi32>
      %mul3A_1090 = vector.broadcast %squeeze3A_1070 : i32 to vector<16xi32>
      %mul3A_1091 = arith.muli %sub3A_1089, %mul3A_1090 : vector<16xi32>
      %sub3A_1092 = vector.broadcast %add3A_1075 : i32 to vector<16xi32>
      %sub3A_1093 = arith.subi %sub3A_1092, %add3A_1054 : vector<16xi32>
      %mul3A_1094 = arith.muli %mul3A_1091, %sub3A_1093 : vector<16xi32>
      %add3A_1095 = arith.addi %add3A_1054, %mul3A_1094 : vector<16xi32>
      %sub3A_1096 = arith.subi %add3A_1075, %add3A_1057 : i32
      %mul3A_1097 = arith.muli %squeeze3A_1070, %sub3A_1096 : i32
      %add3A_1098 = arith.addi %add3A_1057, %mul3A_1097 : i32
      %add3A_1099 = arith.addi %add3A_1058, %squeeze3A_1070 : i32
      %gt3A_1100 = arith.constant 0 : i32
      %gt3A_1101 = arith.cmpi sgt, %squeeze3A_1070, %gt3A_1100 : i32
      %and3A_1102 = arith.constant 15 : i32
      %and3A_1103 = arith.andi %add3A_1099, %and3A_1102 : i32
      %eq3A_1104 = arith.constant 0 : i32
      %eq3A_1105 = arith.cmpi eq, %and3A_1103, %eq3A_1104 : i32
      %and3A_1106 = arith.andi %gt3A_1101, %eq3A_1105 : i1
      %convert_element_type3A_1107 = arith.extui %and3A_1106 : i1 to i32
      %cond3A_1108 = arith.constant 0 : i32
      %cond3A_1109 = arith.cmpi ne, %convert_element_type3A_1107, %cond3A_1108 : i32
      scf.if %cond3A_1109 {
        %shift_right_arithmetic3A_1233 = arith.constant 4 : i32
        %shift_right_arithmetic3A_1234 = arith.shrsi %add3A_1099, %shift_right_arithmetic3A_1233 : i32
        %sub3A_1235 = arith.constant 1 : i32
        %sub3A_1236 = arith.subi %shift_right_arithmetic3A_1234, %sub3A_1235 : i32
        %swap3A = arith.index_cast %sub3A_1236 : i32 to index
        %swap3A_1237 = arith.constant 0 : index
        %swap3A_1238 = tpu.vector_load %arg4[%swap3A, %swap3A_1237] {strides = array<i32>} : memref<64x16xi32, #tpu.memory_space<vmem>>, vector<1x16xi32>,
        %swap3A_1239 = vector.shape_cast %swap3A_1238 : vector<1x16xi32> to vector<16xi32>
        %swap3A_1240 = vector.shape_cast %add3A_1095 : vector<16xi32> to vector<1x16xi32>
        tpu.vector_store %arg4[%swap3A, %swap3A_1237], %swap3A_1240 {strides = array<i32>} : memref<64x16xi32, #tpu.memory_space<vmem>>, vector<1x16xi32>,
      } else {
      }
      %slice3A_1110 = vector.extract_strided_slice %get3A_582 {offsets = [13], sizes = [1], strides = [1]} : vector<16xi32> to vector<1xi32>
      %squeeze3A_1111 = vector.extract %slice3A_1110[0] : i32 from vector<1xi32>
      %mul3A_1112 = arith.constant 16 : i32
      %mul3A_1113 = arith.muli %scan3A_576, %mul3A_1112 : i32
      %add3A_1114 = arith.addi %mul3A_2, %mul3A_1113 : i32
      %add3A_1115 = arith.constant 13 : i32
      %add3A_1116 = arith.addi %add3A_1114, %add3A_1115 : i32
      %and3A_1117 = arith.constant 15 : i32
      %and3A_1118 = arith.andi %add3A_1099, %and3A_1117 : i32
      %xor3A_1119 = vector.broadcast %and3A_1118 : i32 to vector<16xi32>
      %xor3A_1120 = arith.xori %iota3A, %xor3A_1119 : vector<16xi32>
      %sub3A_1121 = arith.constant 0 : i32
      %sub3A_1122 = vector.broadcast %sub3A_1121 : i32 to vector<16xi32>
      %sub3A_1123 = arith.subi %sub3A_1122, %xor3A_1120 : vector<16xi32>
      %or3A_1124 = arith.ori %xor3A_1120, %sub3A_1123 : vector<16xi32>
      %shift_right_logical3A_1125 = arith.constant 31 : i32
      %shift_right_logical3A_1126 = vector.broadcast %shift_right_logical3A_1125 : i32 to vector<16xi32>
      %shift_right_logical3A_1127 = arith.shrui %or3A_1124, %shift_right_logical3A_1126 : vector<16xi32>
      %sub3A_1128 = arith.constant 1 : i32
      %sub3A_1129 = vector.broadcast %sub3A_1128 : i32 to vector<16xi32>
      %sub3A_1130 = arith.subi %sub3A_1129, %shift_right_logical3A_1127 : vector<16xi32>
      %mul3A_1131 = vector.broadcast %squeeze3A_1111 : i32 to vector<16xi32>
      %mul3A_1132 = arith.muli %sub3A_1130, %mul3A_1131 : vector<16xi32>
      %sub3A_1133 = vector.broadcast %add3A_1116 : i32 to vector<16xi32>
      %sub3A_1134 = arith.subi %sub3A_1133, %add3A_1095 : vector<16xi32>
      %mul3A_1135 = arith.muli %mul3A_1132, %sub3A_1134 : vector<16xi32>
      %add3A_1136 = arith.addi %add3A_1095, %mul3A_1135 : vector<16xi32>
      %sub3A_1137 = arith.subi %add3A_1116, %add3A_1098 : i32
      %mul3A_1138 = arith.muli %squeeze3A_1111, %sub3A_1137 : i32
      %add3A_1139 = arith.addi %add3A_1098, %mul3A_1138 : i32
      %add3A_1140 = arith.addi %add3A_1099, %squeeze3A_1111 : i32
      %gt3A_1141 = arith.constant 0 : i32
      %gt3A_1142 = arith.cmpi sgt, %squeeze3A_1111, %gt3A_1141 : i32
      %and3A_1143 = arith.constant 15 : i32
      %and3A_1144 = arith.andi %add3A_1140, %and3A_1143 : i32
      %eq3A_1145 = arith.constant 0 : i32
      %eq3A_1146 = arith.cmpi eq, %and3A_1144, %eq3A_1145 : i32
      %and3A_1147 = arith.andi %gt3A_1142, %eq3A_1146 : i1
      %convert_element_type3A_1148 = arith.extui %and3A_1147 : i1 to i32
      %cond3A_1149 = arith.constant 0 : i32
      %cond3A_1150 = arith.cmpi ne, %convert_element_type3A_1148, %cond3A_1149 : i32
      scf.if %cond3A_1150 {
        %shift_right_arithmetic3A_1233 = arith.constant 4 : i32
        %shift_right_arithmetic3A_1234 = arith.shrsi %add3A_1140, %shift_right_arithmetic3A_1233 : i32
        %sub3A_1235 = arith.constant 1 : i32
        %sub3A_1236 = arith.subi %shift_right_arithmetic3A_1234, %sub3A_1235 : i32
        %swap3A = arith.index_cast %sub3A_1236 : i32 to index
        %swap3A_1237 = arith.constant 0 : index
        %swap3A_1238 = tpu.vector_load %arg4[%swap3A, %swap3A_1237] {strides = array<i32>} : memref<64x16xi32, #tpu.memory_space<vmem>>, vector<1x16xi32>,
        %swap3A_1239 = vector.shape_cast %swap3A_1238 : vector<1x16xi32> to vector<16xi32>
        %swap3A_1240 = vector.shape_cast %add3A_1136 : vector<16xi32> to vector<1x16xi32>
        tpu.vector_store %arg4[%swap3A, %swap3A_1237], %swap3A_1240 {strides = array<i32>} : memref<64x16xi32, #tpu.memory_space<vmem>>, vector<1x16xi32>,
      } else {
      }
      %slice3A_1151 = vector.extract_strided_slice %get3A_582 {offsets = [14], sizes = [1], strides = [1]} : vector<16xi32> to vector<1xi32>
      %squeeze3A_1152 = vector.extract %slice3A_1151[0] : i32 from vector<1xi32>
      %mul3A_1153 = arith.constant 16 : i32
      %mul3A_1154 = arith.muli %scan3A_576, %mul3A_1153 : i32
      %add3A_1155 = arith.addi %mul3A_2, %mul3A_1154 : i32
      %add3A_1156 = arith.constant 14 : i32
      %add3A_1157 = arith.addi %add3A_1155, %add3A_1156 : i32
      %and3A_1158 = arith.constant 15 : i32
      %and3A_1159 = arith.andi %add3A_1140, %and3A_1158 : i32
      %xor3A_1160 = vector.broadcast %and3A_1159 : i32 to vector<16xi32>
      %xor3A_1161 = arith.xori %iota3A, %xor3A_1160 : vector<16xi32>
      %sub3A_1162 = arith.constant 0 : i32
      %sub3A_1163 = vector.broadcast %sub3A_1162 : i32 to vector<16xi32>
      %sub3A_1164 = arith.subi %sub3A_1163, %xor3A_1161 : vector<16xi32>
      %or3A_1165 = arith.ori %xor3A_1161, %sub3A_1164 : vector<16xi32>
      %shift_right_logical3A_1166 = arith.constant 31 : i32
      %shift_right_logical3A_1167 = vector.broadcast %shift_right_logical3A_1166 : i32 to vector<16xi32>
      %shift_right_logical3A_1168 = arith.shrui %or3A_1165, %shift_right_logical3A_1167 : vector<16xi32>
      %sub3A_1169 = arith.constant 1 : i32
      %sub3A_1170 = vector.broadcast %sub3A_1169 : i32 to vector<16xi32>
      %sub3A_1171 = arith.subi %sub3A_1170, %shift_right_logical3A_1168 : vector<16xi32>
      %mul3A_1172 = vector.broadcast %squeeze3A_1152 : i32 to vector<16xi32>
      %mul3A_1173 = arith.muli %sub3A_1171, %mul3A_1172 : vector<16xi32>
      %sub3A_1174 = vector.broadcast %add3A_1157 : i32 to vector<16xi32>
      %sub3A_1175 = arith.subi %sub3A_1174, %add3A_1136 : vector<16xi32>
      %mul3A_1176 = arith.muli %mul3A_1173, %sub3A_1175 : vector<16xi32>
      %add3A_1177 = arith.addi %add3A_1136, %mul3A_1176 : vector<16xi32>
      %sub3A_1178 = arith.subi %add3A_1157, %add3A_1139 : i32
      %mul3A_1179 = arith.muli %squeeze3A_1152, %sub3A_1178 : i32
      %add3A_1180 = arith.addi %add3A_1139, %mul3A_1179 : i32
      %add3A_1181 = arith.addi %add3A_1140, %squeeze3A_1152 : i32
      %gt3A_1182 = arith.constant 0 : i32
      %gt3A_1183 = arith.cmpi sgt, %squeeze3A_1152, %gt3A_1182 : i32
      %and3A_1184 = arith.constant 15 : i32
      %and3A_1185 = arith.andi %add3A_1181, %and3A_1184 : i32
      %eq3A_1186 = arith.constant 0 : i32
      %eq3A_1187 = arith.cmpi eq, %and3A_1185, %eq3A_1186 : i32
      %and3A_1188 = arith.andi %gt3A_1183, %eq3A_1187 : i1
      %convert_element_type3A_1189 = arith.extui %and3A_1188 : i1 to i32
      %cond3A_1190 = arith.constant 0 : i32
      %cond3A_1191 = arith.cmpi ne, %convert_element_type3A_1189, %cond3A_1190 : i32
      scf.if %cond3A_1191 {
        %shift_right_arithmetic3A_1233 = arith.constant 4 : i32
        %shift_right_arithmetic3A_1234 = arith.shrsi %add3A_1181, %shift_right_arithmetic3A_1233 : i32
        %sub3A_1235 = arith.constant 1 : i32
        %sub3A_1236 = arith.subi %shift_right_arithmetic3A_1234, %sub3A_1235 : i32
        %swap3A = arith.index_cast %sub3A_1236 : i32 to index
        %swap3A_1237 = arith.constant 0 : index
        %swap3A_1238 = tpu.vector_load %arg4[%swap3A, %swap3A_1237] {strides = array<i32>} : memref<64x16xi32, #tpu.memory_space<vmem>>, vector<1x16xi32>,
        %swap3A_1239 = vector.shape_cast %swap3A_1238 : vector<1x16xi32> to vector<16xi32>
        %swap3A_1240 = vector.shape_cast %add3A_1177 : vector<16xi32> to vector<1x16xi32>
        tpu.vector_store %arg4[%swap3A, %swap3A_1237], %swap3A_1240 {strides = array<i32>} : memref<64x16xi32, #tpu.memory_space<vmem>>, vector<1x16xi32>,
      } else {
      }
      %slice3A_1192 = vector.extract_strided_slice %get3A_582 {offsets = [15], sizes = [1], strides = [1]} : vector<16xi32> to vector<1xi32>
      %squeeze3A_1193 = vector.extract %slice3A_1192[0] : i32 from vector<1xi32>
      %mul3A_1194 = arith.constant 16 : i32
      %mul3A_1195 = arith.muli %scan3A_576, %mul3A_1194 : i32
      %add3A_1196 = arith.addi %mul3A_2, %mul3A_1195 : i32
      %add3A_1197 = arith.constant 15 : i32
      %add3A_1198 = arith.addi %add3A_1196, %add3A_1197 : i32
      %and3A_1199 = arith.constant 15 : i32
      %and3A_1200 = arith.andi %add3A_1181, %and3A_1199 : i32
      %xor3A_1201 = vector.broadcast %and3A_1200 : i32 to vector<16xi32>
      %xor3A_1202 = arith.xori %iota3A, %xor3A_1201 : vector<16xi32>
      %sub3A_1203 = arith.constant 0 : i32
      %sub3A_1204 = vector.broadcast %sub3A_1203 : i32 to vector<16xi32>
      %sub3A_1205 = arith.subi %sub3A_1204, %xor3A_1202 : vector<16xi32>
      %or3A_1206 = arith.ori %xor3A_1202, %sub3A_1205 : vector<16xi32>
      %shift_right_logical3A_1207 = arith.constant 31 : i32
      %shift_right_logical3A_1208 = vector.broadcast %shift_right_logical3A_1207 : i32 to vector<16xi32>
      %shift_right_logical3A_1209 = arith.shrui %or3A_1206, %shift_right_logical3A_1208 : vector<16xi32>
      %sub3A_1210 = arith.constant 1 : i32
      %sub3A_1211 = vector.broadcast %sub3A_1210 : i32 to vector<16xi32>
      %sub3A_1212 = arith.subi %sub3A_1211, %shift_right_logical3A_1209 : vector<16xi32>
      %mul3A_1213 = vector.broadcast %squeeze3A_1193 : i32 to vector<16xi32>
      %mul3A_1214 = arith.muli %sub3A_1212, %mul3A_1213 : vector<16xi32>
      %sub3A_1215 = vector.broadcast %add3A_1198 : i32 to vector<16xi32>
      %sub3A_1216 = arith.subi %sub3A_1215, %add3A_1177 : vector<16xi32>
      %mul3A_1217 = arith.muli %mul3A_1214, %sub3A_1216 : vector<16xi32>
      %add3A_1218 = arith.addi %add3A_1177, %mul3A_1217 : vector<16xi32>
      %sub3A_1219 = arith.subi %add3A_1198, %add3A_1180 : i32
      %mul3A_1220 = arith.muli %squeeze3A_1193, %sub3A_1219 : i32
      %add3A_1221 = arith.addi %add3A_1180, %mul3A_1220 : i32
      %add3A_1222 = arith.addi %add3A_1181, %squeeze3A_1193 : i32
      %gt3A_1223 = arith.constant 0 : i32
      %gt3A_1224 = arith.cmpi sgt, %squeeze3A_1193, %gt3A_1223 : i32
      %and3A_1225 = arith.constant 15 : i32
      %and3A_1226 = arith.andi %add3A_1222, %and3A_1225 : i32
      %eq3A_1227 = arith.constant 0 : i32
      %eq3A_1228 = arith.cmpi eq, %and3A_1226, %eq3A_1227 : i32
      %and3A_1229 = arith.andi %gt3A_1224, %eq3A_1228 : i1
      %convert_element_type3A_1230 = arith.extui %and3A_1229 : i1 to i32
      %cond3A_1231 = arith.constant 0 : i32
      %cond3A_1232 = arith.cmpi ne, %convert_element_type3A_1230, %cond3A_1231 : i32
      scf.if %cond3A_1232 {
        %shift_right_arithmetic3A_1233 = arith.constant 4 : i32
        %shift_right_arithmetic3A_1234 = arith.shrsi %add3A_1222, %shift_right_arithmetic3A_1233 : i32
        %sub3A_1235 = arith.constant 1 : i32
        %sub3A_1236 = arith.subi %shift_right_arithmetic3A_1234, %sub3A_1235 : i32
        %swap3A = arith.index_cast %sub3A_1236 : i32 to index
        %swap3A_1237 = arith.constant 0 : index
        %swap3A_1238 = tpu.vector_load %arg4[%swap3A, %swap3A_1237] {strides = array<i32>} : memref<64x16xi32, #tpu.memory_space<vmem>>, vector<1x16xi32>,
        %swap3A_1239 = vector.shape_cast %swap3A_1238 : vector<1x16xi32> to vector<16xi32>
        %swap3A_1240 = vector.shape_cast %add3A_1218 : vector<16xi32> to vector<1x16xi32>
        tpu.vector_store %arg4[%swap3A, %swap3A_1237], %swap3A_1240 {strides = array<i32>} : memref<64x16xi32, #tpu.memory_space<vmem>>, vector<1x16xi32>,
      } else {
      }
      scf.yield %add3A_1222, %add3A_1221, %add3A_1218 : i32, i32, vector<16xi32>
    }
    %scan3A_531 = arith.constant 64 : i32
    %and3A_532 = arith.constant 15 : i32
    %and3A_533 = arith.andi %scan3A_530#0, %and3A_532 : i32
    %ne3A = arith.constant 0 : i32
    %ne3A_534 = arith.cmpi ne, %and3A_533, %ne3A : i32
    %convert_element_type3A_535 = arith.extui %ne3A_534 : i1 to i32
    %cond3A_536 = arith.constant 0 : i32
    %cond3A_537 = arith.cmpi ne, %convert_element_type3A_535, %cond3A_536 : i32
    scf.if %cond3A_537 {
      %sub3A_576 = vector.broadcast %and3A_533 : i32 to vector<16xi32>
      %sub3A_577 = arith.subi %iota3A, %sub3A_576 : vector<16xi32>
      %shift_right_logical3A = arith.constant 31 : i32
      %shift_right_logical3A_578 = vector.broadcast %shift_right_logical3A : i32 to vector<16xi32>
      %shift_right_logical3A_579 = arith.shrui %sub3A_577, %shift_right_logical3A_578 : vector<16xi32>
      %sub3A_580 = vector.broadcast %scan3A_530#1 : i32 to vector<16xi32>
      %sub3A_581 = arith.subi %scan3A_530#2, %sub3A_580 : vector<16xi32>
      %mul3A_582 = arith.muli %shift_right_logical3A_579, %sub3A_581 : vector<16xi32>
      %add3A_583 = vector.broadcast %scan3A_530#1 : i32 to vector<16xi32>
      %add3A_584 = arith.addi %add3A_583, %mul3A_582 : vector<16xi32>
      %shift_right_arithmetic3A_585 = arith.constant 4 : i32
      %shift_right_arithmetic3A_586 = arith.shrsi %scan3A_530#0, %shift_right_arithmetic3A_585 : i32
      %swap3A = arith.index_cast %shift_right_arithmetic3A_586 : i32 to index
      %swap3A_587 = arith.constant 0 : index
      %swap3A_588 = tpu.vector_load %arg4[%swap3A, %swap3A_587] {strides = array<i32>} : memref<64x16xi32, #tpu.memory_space<vmem>>, vector<1x16xi32>,
      %swap3A_589 = vector.shape_cast %swap3A_588 : vector<1x16xi32> to vector<16xi32>
      %swap3A_590 = vector.shape_cast %add3A_584 : vector<16xi32> to vector<1x16xi32>
      tpu.vector_store %arg4[%swap3A, %swap3A_587], %swap3A_590 {strides = array<i32>} : memref<64x16xi32, #tpu.memory_space<vmem>>, vector<1x16xi32>,
    } else {
    }
    %add3A_538 = arith.constant 15 : i32
    %add3A_539 = arith.addi %scan3A_530#0, %add3A_538 : i32
    %shift_right_arithmetic3A = arith.constant 4 : i32
    %shift_right_arithmetic3A_540 = arith.shrsi %add3A_539, %shift_right_arithmetic3A : i32
    %sub3A = arith.constant 0 : i32
    %sub3A_541 = arith.subi %shift_right_arithmetic3A_540, %sub3A : i32
    %sub3A_542 = arith.constant 1 : i32
    %sub3A_543 = arith.constant 1 : i32
    %sub3A_544 = arith.subi %sub3A_542, %sub3A_543 : i32
    %add3A_545 = arith.addi %sub3A_541, %sub3A_544 : i32
    %div3A = arith.constant 1 : i32
    %div3A_546 = arith.divsi %add3A_545, %div3A : i32
    %while3A = arith.constant 1 : i32
    %while3A_547 = arith.constant 0 : i32
    %while3A_548 = arith.constant 0 : i32
    %while3A_549 = arith.subi %div3A_546, %while3A_548 : i32
    %while3A_550 = arith.addi %while3A_548, %while3A_549 : i32
    %while3A_551 = arith.constant 1 : i32
    %while3A_552 = arith.divsi %while3A_549, %while3A_551 : i32
    %while3A_553 = arith.muli %while3A_552, %while3A_551 : i32
    %while3A_554 = arith.addi %while3A_548, %while3A_553 : i32
    %while3A_555 = arith.constant 1 : i32
    scf.for %while3A_576 = %while3A_548 to %while3A_554 step %while3A_555  : i32 {
      %mul3A_577 = arith.muli %while3A_576, %while3A : i32
      %add3A_578 = arith.addi %while3A_547, %mul3A_577 : i32
      %dma_start3A = arith.constant 0 : i32
      %dma_start3A_579 = tpu.memref_slice %arg4[%add3A_578, %dma_start3A] : memref<64x16xi32, #tpu.memory_space<vmem>> -> memref<1x16xi32, #tpu.memory_space<vmem>>
      %dma_start3A_580 = tpu.memref_squeeze %dma_start3A_579 : memref<1x16xi32, #tpu.memory_space<vmem>> -> memref<16xi32, #tpu.memory_space<vmem>>
      %dma_start3A_581 = arith.constant 0 : i32
      %dma_start3A_582 = arith.constant 0 : i32
      %dma_start3A_583 = tpu.memref_slice %arg3[%dma_start3A_581, %dma_start3A_582] : memref<32768x768xf32, #tpu.memory_space<hbm>> -> memref<32768x768xf32, #tpu.memory_space<hbm>>
      tpu.enqueue_indirect_dma source(%arg6 : memref<16x768xf32, #tpu.memory_space<vmem>>) target(%dma_start3A_583 : memref<32768x768xf32, #tpu.memory_space<hbm>>) offsets(%dma_start3A_580 : memref<16xi32, #tpu.memory_space<vmem>>) semaphore(%arg17 : memref<!tpu.dma_semaphore, #tpu.memory_space<semaphore_mem>>)
    }
    %while3A_556 = arith.constant 1 : i32
    scf.for %while3A_576 = %while3A_554 to %while3A_550 step %while3A_556  : i32 {
      %mul3A_577 = arith.muli %while3A_576, %while3A : i32
      %add3A_578 = arith.addi %while3A_547, %mul3A_577 : i32
      %dma_start3A = arith.constant 0 : i32
      %dma_start3A_579 = tpu.memref_slice %arg4[%add3A_578, %dma_start3A] : memref<64x16xi32, #tpu.memory_space<vmem>> -> memref<1x16xi32, #tpu.memory_space<vmem>>
      %dma_start3A_580 = tpu.memref_squeeze %dma_start3A_579 : memref<1x16xi32, #tpu.memory_space<vmem>> -> memref<16xi32, #tpu.memory_space<vmem>>
      %dma_start3A_581 = arith.constant 0 : i32
      %dma_start3A_582 = arith.constant 0 : i32
      %dma_start3A_583 = tpu.memref_slice %arg3[%dma_start3A_581, %dma_start3A_582] : memref<32768x768xf32, #tpu.memory_space<hbm>> -> memref<32768x768xf32, #tpu.memory_space<hbm>>
      tpu.enqueue_indirect_dma source(%arg6 : memref<16x768xf32, #tpu.memory_space<vmem>>) target(%dma_start3A_583 : memref<32768x768xf32, #tpu.memory_space<hbm>>) offsets(%dma_start3A_580 : memref<16xi32, #tpu.memory_space<vmem>>) semaphore(%arg17 : memref<!tpu.dma_semaphore, #tpu.memory_space<semaphore_mem>>)
    }
    %sub3A_557 = arith.constant 0 : i32
    %sub3A_558 = arith.subi %shift_right_arithmetic3A_540, %sub3A_557 : i32
    %sub3A_559 = arith.constant 1 : i32
    %sub3A_560 = arith.constant 1 : i32
    %sub3A_561 = arith.subi %sub3A_559, %sub3A_560 : i32
    %add3A_562 = arith.addi %sub3A_558, %sub3A_561 : i32
    %div3A_563 = arith.constant 1 : i32
    %div3A_564 = arith.divsi %add3A_562, %div3A_563 : i32
    %while3A_565 = arith.constant 1 : i32
    %while3A_566 = arith.constant 0 : i32
    %while3A_567 = arith.constant 0 : i32
    %while3A_568 = arith.subi %div3A_564, %while3A_567 : i32
    %while3A_569 = arith.addi %while3A_567, %while3A_568 : i32
    %while3A_570 = arith.constant 1 : i32
    %while3A_571 = arith.divsi %while3A_568, %while3A_570 : i32
    %while3A_572 = arith.muli %while3A_571, %while3A_570 : i32
    %while3A_573 = arith.addi %while3A_567, %while3A_572 : i32
    %while3A_574 = arith.constant 1 : i32
    scf.for %while3A_576 = %while3A_567 to %while3A_573 step %while3A_574  : i32 {
      %mul3A_577 = arith.muli %while3A_576, %while3A_565 : i32
      %add3A_578 = arith.addi %while3A_566, %mul3A_577 : i32
      %dma_wait3A = arith.constant 0 : i32
      %dma_wait3A_579 = arith.constant 0 : i32
      %dma_wait3A_580 = tpu.memref_slice %arg4[%dma_wait3A, %dma_wait3A_579] : memref<64x16xi32, #tpu.memory_space<vmem>> -> memref<1x16xi32, #tpu.memory_space<vmem>>
      %dma_wait3A_581 = tpu.memref_squeeze %dma_wait3A_580 : memref<1x16xi32, #tpu.memory_space<vmem>> -> memref<16xi32, #tpu.memory_space<vmem>>
      %dma_wait3A_582 = arith.constant 0 : i32
      %dma_wait3A_583 = arith.constant 0 : i32
      %dma_wait3A_584 = tpu.memref_slice %arg3[%dma_wait3A_582, %dma_wait3A_583] : memref<32768x768xf32, #tpu.memory_space<hbm>> -> memref<32768x768xf32, #tpu.memory_space<hbm>>
      tpu.wait_indirect_dma semaphore(%arg17 : memref<!tpu.dma_semaphore, #tpu.memory_space<semaphore_mem>>) src(%arg6 : memref<16x768xf32, #tpu.memory_space<vmem>>) dst(%dma_wait3A_584 : memref<32768x768xf32, #tpu.memory_space<hbm>>)
    }
    %while3A_575 = arith.constant 1 : i32
    scf.for %while3A_576 = %while3A_573 to %while3A_569 step %while3A_575  : i32 {
      %mul3A_577 = arith.muli %while3A_576, %while3A_565 : i32
      %add3A_578 = arith.addi %while3A_566, %mul3A_577 : i32
      %dma_wait3A = arith.constant 0 : i32
      %dma_wait3A_579 = arith.constant 0 : i32
      %dma_wait3A_580 = tpu.memref_slice %arg4[%dma_wait3A, %dma_wait3A_579] : memref<64x16xi32, #tpu.memory_space<vmem>> -> memref<1x16xi32, #tpu.memory_space<vmem>>
      %dma_wait3A_581 = tpu.memref_squeeze %dma_wait3A_580 : memref<1x16xi32, #tpu.memory_space<vmem>> -> memref<16xi32, #tpu.memory_space<vmem>>
      %dma_wait3A_582 = arith.constant 0 : i32
      %dma_wait3A_583 = arith.constant 0 : i32
      %dma_wait3A_584 = tpu.memref_slice %arg3[%dma_wait3A_582, %dma_wait3A_583] : memref<32768x768xf32, #tpu.memory_space<hbm>> -> memref<32768x768xf32, #tpu.memory_space<hbm>>
      tpu.wait_indirect_dma semaphore(%arg17 : memref<!tpu.dma_semaphore, #tpu.memory_space<semaphore_mem>>) src(%arg6 : memref<16x768xf32, #tpu.memory_space<vmem>>) dst(%dma_wait3A_584 : memref<32768x768xf32, #tpu.memory_space<hbm>>)
    }
    return
  }
}

</mosaic_0001>

<sc_bundles>
// kernel: kernel.3.cloned.1.call-start
scs
__scs_entry_jumppad:
0x0: {  	(pc) =	sbr.rel $0x88, $3  }
0x1: {  	(tag) =	ssettag $0x0;
	lr =	simm.s32 $0x1  }
0x2: {  	[smem:$0x3FA0] =	sst lr;
	_ =	strace $0xD0000000  }
0x3: {  	_ = 	snop  }
0x4: {  	_ = 	snop  }
0x5: {  	_ = 	snop  }
0x6: {  	_ = 	snop  }
0x7: {  	_ = 	snop  }
__scs_overlays_trampoline_lowered:
0x8: {  	[smem:$0x3FAF] =	sst s0  }
0x9: {  	[smem:$0x3FB0] =	sst s1  }
0xa: {  	[smem:$0x3FB1] =	sst s2  }
0xb: {  	[smem:$0x3FB2] =	sst s3  }
0xc: {  	[smem:$0x3FB3] =	sst s4  }
0xd: {  	[smem:$0x3FB4] =	sst s5  }
0xe: {  	[smem:$0x3FB5] =	sst s6  }
0xf: {  	[smem:$0x3FB6] =	sst s7  }
0x10: {  	[smem:$0x3FB7] =	sst s8  }
0x11: {  	[smem:$0x3FB8] =	sst s9;
	s0 =	simm.s32 @!p0 $0x0  }
0x12: {  	s1 =	sld [smem:$0x3F9E];
	s0 =	simm.s32 @p0 $0x1  }
0x13: {  	[smem:$0x3FB9] =	sst s0;
	s0 =	simm.s32 @!p1 $0x0  }
0x14: {  	s2 =	sld [smem:$0x3F9D];
	s0 =	simm.s32 @p1 $0x1  }
0x15: {  	[smem:$0x3FBA] =	sst s0;
	s0 =	simm.s32 @!p2 $0x0  }
0x16: {  	s3 =	sld [smem:$0x3FDB];
	s0 =	simm.s32 @p2 $0x1  }
0x17: {  	s4 =	simm.s32 $0x1BF5;
	[smem:$0x3FBC] =	sst s0  }
0x18: {  	s0 =	sld [smem:$0x3F9F];
	_ =	swait.ge [sflag:s4], $0x0  }
0x19: {  	s7 =	sld [smem:$0x3FA0]  }
0x1a: {  	s8 =	sadd.s32 $0xFFFFE003, lr  }
0x1b: {  	s9 =	sadd.s32 $0xFFFFFEF7, lr;
	s5 =	simm.s32 $0xFFFFFFFF;
	p2 =	slt.u32 s8, $0xFFFFF086  }
0x1c: {  	p1 =	slt.u32 s9, $0xF7A;
	s5 =	simm.s32 @!p2 $0x0  }
0x1d: {  	s5 =	simm.s32 @p1 $0x1;
	p0 =	seq.s32 s7, s2  }
0x1e: {  	s7 =	smul.u32 @!p0 $0xF7A, s2;
	p2 =	seq.s32 @!p0 s5, $0x0  }
0x1f: {  	s9 =	smul.u32 $0xF7A, s1;
	s8 =	simm.s32 @!p0 $0x1BF5;
	p2 =	por !p2, p0  }
0x20: {  	[sflag:s8] =	ssyncset.s32 @!p0 $0xFFFFF086;
	s6 =	sadd.s32 @!p0 s3, s7;
	s7 =	simm.s32 @!p0 $0x108  }
0x21: {  	s3 =	sadd.s32 s3, s9;
	s6 =	sadd.s32 @!p0 $0x88, s6;
	s7 =	simm.s32 @p2 $0x1082  }
0x22: {  	[simem:s7], [sflag:s8] =	dma.local @!p0 [hbm:s6], $0xF7A  }
0x23: {  	s9 =	sor.u32 $0xD0000000, s2;
	s6 =	simm.s32 $0x108;
	_ =	swait.ge @!p0 [sflag:s8], $0x0  }
0x24: {  	s3 =	sadd.s32 $0x88, s3;
	s6 =	simm.s32 @!p1 $0x1082;
	[sflag:s4] =	ssyncset.s32 $0xFFFFF086  }
0x25: {  	[simem:s6], [sflag:s4] =	dma.local [hbm:s3], $0xF7A  }
0x26: {  	[smem:$0x3FA0] =	sst s1;
	(tag) =	ssettag s2;
	_ =	strace s9  }
0x27: {  	s1 =	sld [smem:$0x3FB0]  }
0x28: {  	s2 =	sld [smem:$0x3FB1]  }
0x29: {  	s4 =	sld [smem:$0x3FB3]  }
0x2a: {  	p0 =	seq.s32 s5, $0x0;
	s5 =	sld [smem:$0x3FB4]  }
0x2b: {  	s6 =	sld [smem:$0x3FB5]  }
0x2c: {  	s7 =	sld [smem:$0x3FB6]  }
0x2d: {  	s3 =	simm.s32 $0x108;
	s8 =	sld [smem:$0x3FB7]  }
0x2e: {  	s3 =	simm.s32 @!p0 $0x1082;
	s9 =	sld [smem:$0x3FB8]  }
0x2f: {  	lr =	sadd.s32 s0, s3;
	s0 =	sld [smem:$0x3FAF]  }
0x30: {  	s3 =	sld [smem:$0x3FB2]  }
0x31: {  	[smem:$0x3FBB] =	sst s10  }
0x32: {  	s10 =	sld [smem:$0x3FB9];
	_ =	sdelay $0x3  }
0x33: {  	p0 =	seq.s32 s10, $0x1;
	s10 =	sld [smem:$0x3FBB];
	_ =	sdelay $0x3  }
0x34: {  	[smem:$0x3FBB] =	sst s10  }
0x35: {  	s10 =	sld [smem:$0x3FBA];
	_ =	sdelay $0x3  }
0x36: {  	p1 =	seq.s32 s10, $0x1;
	s10 =	sld [smem:$0x3FBB];
	_ =	sdelay $0x3  }
0x37: {  	[smem:$0x3FBB] =	sst s10  }
0x38: {  	s10 =	sld [smem:$0x3FBC]  }
0x39: {  	_ = 	snop;
	(pc) =	sbr.ind lr, $3  }
0x3a: {  	_ = 	snop  }
0x3b: {  	_ = 	snop  }
0x3c: {  	p2 =	seq.s32 s10, $0x1;
	s10 =	sld [smem:$0x3FBB]  }
0x3d: {  	_ =	shalt  }
0x3e: {  	_ =	shalt  }
0x3f: {  	_ =	shalt  }
0x40: {  	_ =	shalt  }
0x41: {  	_ =	shalt  }
0x42: {  	_ =	shalt  }
0x43: {  	_ =	shalt  }
0x44: {  	_ =	shalt  }
0x45: {  	_ =	shalt  }
0x46: {  	_ =	shalt  }
0x47: {  	_ =	shalt  }
0x48: {  	_ =	shalt  }
0x49: {  	_ =	shalt  }
0x4a: {  	_ =	shalt  }
0x4b: {  	_ =	shalt  }
0x4c: {  	_ =	shalt  }
0x4d: {  	_ =	shalt  }
0x4e: {  	_ =	shalt  }
0x4f: {  	_ =	shalt  }
0x50: {  	_ =	shalt  }
0x51: {  	_ =	shalt  }
0x52: {  	_ =	shalt  }
0x53: {  	_ =	shalt  }
0x54: {  	_ =	shalt  }
0x55: {  	_ =	shalt  }
0x56: {  	_ =	shalt  }
0x57: {  	_ =	shalt  }
0x58: {  	_ =	shalt  }
0x59: {  	_ =	shalt  }
0x5a: {  	_ =	shalt  }
0x5b: {  	_ =	shalt  }
0x5c: {  	_ =	shalt  }
0x5d: {  	_ =	shalt  }
0x5e: {  	_ =	shalt  }
0x5f: {  	_ =	shalt  }
0x60: {  	_ =	shalt  }
0x61: {  	_ =	shalt  }
0x62: {  	_ =	shalt  }
0x63: {  	_ =	shalt  }
0x64: {  	_ =	shalt  }
0x65: {  	_ =	shalt  }
0x66: {  	_ =	shalt  }
0x67: {  	_ =	shalt  }
0x68: {  	_ =	shalt  }
0x69: {  	_ =	shalt  }
0x6a: {  	_ =	shalt  }
0x6b: {  	_ =	shalt  }
0x6c: {  	_ =	shalt  }
0x6d: {  	_ =	shalt  }
0x6e: {  	_ =	shalt  }
0x6f: {  	_ =	shalt  }
0x70: {  	_ =	shalt  }
0x71: {  	_ =	shalt  }
0x72: {  	_ =	shalt  }
0x73: {  	_ =	shalt  }
0x74: {  	_ =	shalt  }
0x75: {  	_ =	shalt  }
0x76: {  	_ =	shalt  }
0x77: {  	_ =	shalt  }
0x78: {  	_ =	shalt  }
0x79: {  	_ =	shalt  }
0x7a: {  	_ =	shalt  }
0x7b: {  	_ =	shalt  }
0x7c: {  	_ =	shalt  }
0x7d: {  	_ =	shalt  }
0x7e: {  	_ =	shalt  }
0x7f: {  	_ =	shalt  }
0x80: {  	_ =	shalt  }
0x81: {  	_ =	shalt  }
0x82: {  	_ =	shalt  }
0x83: {  	_ =	shalt  }
0x84: {  	_ =	shalt  }
0x85: {  	_ =	shalt  }
0x86: {  	_ =	shalt  }
0x87: {  	_ =	shalt  }
.Lfunc_end0:
.L_simem_size_0:
called_computation_lowered:
.L_overlay_start_0:
0x88: {  	s2 =	sld [smem:$0x3FD9]  }
0x89: {  	s3 =	sld [smem:$0x3FFE];
	_ =	sdelay $0x1  }
0x8a: {  	s1 =	srdreg.scid  }
0x8b: {  	s0 =	sand.u32 $0x1, s1  }
0x8c: {  	s18 =	sshll.u32 s0, $0xA;
	s2 =	sadd.s32 s3, s2  }
0x8d: {  	s2 =	sadd.s32 s2, s18  }
0x8e: {  	[smem:$0x3FC7] =	sst s2  }
0x8f: {  	_ = 	snop  }
0x90: {  	s2 =	sld [smem:$0x3FC9]  }
0x91: {  	s19 =	sld [smem:$0x3FD0];
	(tm) =	ssettm $0x1  }
0x92: {  	s4 =	sld [smem:$0x3FFB];
	_ =	sdelay $0x3  }
0x93: {  	_ =	strace s4  }
0x94: {  	s4 =	sld [smem:$0x3FFC];
	_ =	sdelay $0x3  }
0x95: {  	_ =	strace s4  }
0x96: {  	s4 =	sld [smem:$0x3FFD];
	_ =	sdelay $0x3  }
0x97: {  	_ =	strace s4  }
0x98: {  	_ =	strace $0x8FFFFFFF  }
0x99: {  	s20 =	sld [smem:$0x3FDB];
	_ =	sdelay $0x1  }
0x9a: {  	s5 =	simm.s32 $_scs_section_size  }
0x9b: {  	s6 =	simm.s32 $_size__tile_overlayer_lowered;
	s7 =	simm.s32 $_tile_overlayer_lowered  }
0x9c: {  	s23 =	simm.s32 $0x1BFF;
	s22 =	sshll.u32 s7, $0x1;
	s4 =	sadd.s32 s5, s20  }
0x9d: {  	s8 =	simm.s32 $0x0;
	s21 =	sshll.u32 s6, $0x1;
	s6 =	sadd.s32 s22, s4  }
0x9e: {  	[timem:s8], [sflag:s23] =	dma.local [hbm:s6], s21  }
0x9f: {  	_ =	swait.ge [sflag:s23], s21  }
0xa0: {  	s5 =	ssub.s32 $0x0, s21;
	[sflag:s23] =	ssyncset.done $0x0  }
0xa1: {  	[sflag:s23] =	ssyncadd.s32 s5;
	_ =	sdelay $0x1  }
0xa2: {  	s24 =	simm.s32 $0x1B8B  }
0xa3: {  	_ =	swait.ge [sflag:s24], $0x1  }
0xa4: {  	[sflag:s24] =	ssyncset.done $0x0  }
0xa5: {  	s25 =	simm.s32 $0x1B8E;
	[sflag:s24] =	ssyncadd.s32 $0xFFFFFFFF  }
0xa6: {  	s26 =	simm.s32 $execute0_lowered;
	[smem:$0x3FD2] =	sst s25  }
0xa7: {  	s5 =	sshll.u32 s26, $0x1;
	_ =	strace $0x80000046;
	[dreg:$0x1] =	wrdreg $0xFFFFFFFF  }
0xa8: {  	s28 =	simm.s32 $_size_execute0_lowered;
	s4 =	sadd.s32 s4, s5;
	[dreg:$0x0] =	wrdreg $0x0  }
0xa9: {  	s5 =	sshll.u32 s28, $0x1;
	[dreg:$0x2] =	wrdreg s4  }
0xaa: {  	[dreg:$0x3] =	wrdreg s5  }
0xab: {  	[dreg:$0x4] =	wrdreg $0xC0  }
0xac: {  	_ =	task [dreg:s8], $0x5FFFF  }
0xad: {  	[dreg:$0x1] =	wrdreg $0xFFFFFFFF  }
0xae: {  	[dreg:$0x0] =	wrdreg $0x60  }
0xaf: {  	[dreg:$0x2] =	wrdreg s2  }
0xb0: {  	[dreg:$0x3] =	wrdreg s19  }
0xb1: {  	[dreg:$0x4] =	wrdreg $0x9  }
0xb2: {  	_ =	task.clear_ibuf [dreg:s8], $0x5FFFF;
	_ =	strace $0x90000046  }
0xb3: {  	s29 =	simm.s32 $0x9;
	_ =	strace $0x80000048  }
0xb4: {  	_ =	swait.ge [sflag:s29], $0x1  }
0xb5: {  	[sflag:s29] =	ssyncadd.s32 $0xFFFFFFFF  }
0xb6: {  	_ =	strace $0x90000048  }
0xb7: {  	_ =	sfence  }
0xb8: {  	s30 =	sld [smem:$0x0];
	_ =	sdelay $0x2  }
0xb9: {  	s31 =	sshll.u32 s1, $0xD;
	s1 =	sshrl.u32 s1, $0x2  }
0xba: {  	s3 =	sand.u32 $0x4000, s31;
	s1 =	sadd.s32 s1, s30  }
0xbb: {  	s0 =	sor.u32 s3, s0;
	s1 =	sshll.u32 s1, $0x11  }
0xbc: {  	s0 =	sor.u32 s1, s0  }
0xbd: {  	s0 =	sadd.s32 $0x8F2B, s0  }
0xbe: {  	[sflag:s0] =	ssyncadd.remote.s32 $0x1  }
0xbf: {  	_ =	sfence.sel $0xFFFF  }
0xc0: {  	[dreg:$0x0] =	wrdreg $0xFFFFFFFF;
	(pc) =	sbr.abs _section_cstart, $3  }
0xc1: {  	[dreg:$0x1] =	wrdreg $0xFFFFFFFF  }
0xc2: {  	_ =	task.clear_ibuf [dreg:s8], $0x2FFFF;
	_ =	strace $0x9FFFFFFF  }
0xc3: {  	(tm) =	ssettm $0x7FFFFFFF  }
tec
execute0_lowered:
.L_overlay_start_1:
0x0: {  	(tag) =	ssettag $0x1  }
0x1: {  	s0 =	srdreg.scid;
	s1 =	rddreg [dreg:$0x0]  }
0x2: {  	s2 =	stileid.u32;
	s14 =	rddreg [dreg:$0x1];
	s0 =	sand.u32 $0x1, s0  }
0x3: {  	s3 =	simm.s32 $0x0;
	s4 =	sshll.u32 s2, $0xB;
	s5 =	sshll.u32 s0, $0xA  }
0x4: {  	[smem:$0x7FF] =	sst s3;
	s17 =	sor.u32 s5, s4  }
0x5: {  	_ =	strace $0x80000047;
	s13 =	sor.u32 $0xF, s17;
	[dreg:$0x3] =	wrdreg s17  }
0x6: {  	s15 =	sor.u32 $0x1, s17;
	[dreg:$0x6] =	wrdreg s13  }
0x7: {  	s16 =	sor.u32 $0x7, s17;
	[dreg:$0x7] =	wrdreg s15  }
0x8: {  	s18 =	sor.u32 $0x6, s17;
	[dreg:$0x8] =	wrdreg s16  }
0x9: {  	s19 =	sor.u32 $0x5, s17;
	[dreg:$0x9] =	wrdreg s18  }
0xa: {  	s20 =	sor.u32 $0x4, s17;
	[dreg:$0xa] =	wrdreg s19  }
0xb: {  	s21 =	sor.u32 $0x3, s17;
	[dreg:$0xb] =	wrdreg s20  }
0xc: {  	s29 =	simm.s32 $0x3;
	s22 =	sor.u32 $0x2, s17;
	[dreg:$0xc] =	wrdreg s21  }
0xd: {  	s6 =	sadd.s32 $0x200, s14;
	s23 =	sor.u32 $0x8, s17;
	[dreg:$0xd] =	wrdreg s22  }
0xe: {  	s0 =	ssub.s32 $0x2, s0;
	s24 =	sor.u32 $0x9, s17;
	[dreg:$0xe] =	wrdreg s23  }
0xf: {  	s11 =	sshrl.u32 s0, $0x1;
	s25 =	sor.u32 $0xA, s17;
	[dreg:$0xf] =	wrdreg s24  }
0x10: {  	s4 =	sshrl.u32 s17, $0x3;
	s26 =	sor.u32 $0xB, s17;
	[dreg:$0x10] =	wrdreg s25  }
0x11: {  	s0 =	ssub.s32 s0, s11;
	s28 =	sor.u32 $0xC, s17;
	[dreg:$0x11] =	wrdreg s26  }
.Ltmp0:
0x12: {  	s30 =	sor.u32 $0xD, s17;
	[dreg:$0x12] =	wrdreg s28;
	(pc) =	sbr.rel .LBB2_1-.Ltmp0, $4  }
0x13: {  	s31 =	sor.u32 $0xE, s17;
	s4 =	smul.u32 $0x300, s4;
	[dreg:$0x13] =	wrdreg s30  }
0x14: {  	v0 =	vlaneseq.u32;
	v1 =	vimm.f32 $0.0e+00;
	vm0 =	vmmov $0xffff;
	s5 =	sadd.s32 $0x100, s14;
	s0 =	smax.u32 s0, $0x1;
	[dreg:$0x14] =	wrdreg s31  }
0x15: {  	v2 =	vadd.s32 $0x53A38AC, v0;
	v3 =	vadd.s32 $0xCDDB151D, v0;
	v5 =	vshrl.u32 v0, $0x3;
	s15 =	simm.s32 $0x1;
	[dreg:$0x4] =	wrdreg s0;
	s12 =	sadd.s32 s4, s1  }
0x16: {  	v4 =	vand.u32 $0x7, v0;
	v6 =	vor.u32 $0x8, v0;
	v5 =	vmul.u32 $0x8, v5;
	s0 =	simm.s32 $0x2;
	s4 =	simm.s32 $0x0;
	[dreg:$0x5] =	wrdreg s12  }
.LBB2_37:
0x17: {  	[sflag:s29] =	ssyncadd.s32 $0xFFFFD000;
	s4 =	rddreg [dreg:$0x15]  }
.LBB2_38:
0x18: {  	s4 =	sadd.s32 $0x1, s4;
	s0 =	rddreg [dreg:$0x4]  }
0x19: {  	p0 =	sne.s32 s4, s0  }
.Ltmp1:
0x1a: {  	_ = 	snop;
	(pc) =	sbr.rel @!p0 .LBB2_39-.Ltmp1, $2  }
0x1b: {  	_ =	sdelay $0x2  }
0x1c: {  	s17 =	rddreg [dreg:$0x3];
	s0 =	simm.s32 $0x2  }
.LBB2_1:
0x1d: {  	s1 =	sand.u32 $0x70, s3;
	s31 =	sand.u32 $0x1C00, s3  }
0x1e: {  	s1 =	sor.u32 s1, s31  }
0x1f: {  	[tilespmem:s1+$0x4080] =	vst v1  }
0x20: {  	[tilespmem:s1+$0x4100] =	vst v1  }
0x21: {  	[tilespmem:s1+$0x4180] =	vst v1  }
0x22: {  	[tilespmem:s1+$0x4200] =	vst v1  }
0x23: {  	[dreg:$0x15] =	wrdreg s4;
	[tilespmem:s1+$0x4280] =	vst v1  }
0x24: {  	s8 =	sor.u32 s3, s3;
	s4 =	simm.s32 $0x10;
	s7 =	simm.s32 $0x0;
	[tilespmem:s1+$0x4300] =	vst v1  }
.LBB2_2:
0x25: {  	p0 =	sne.s32 s4, $0x2F0;
	[tilespmem:s1+$0x4000] =	vst v1;
	s8 =	sor.u32 $0x380, s8  }
0x26: {  	[tilespmem:s8+$0x4000] =	vst v1  }
0x27: {  	[tilespmem:s1+$0x5800] =	vst v1  }
0x28: {  	[tilespmem:s1+$0x5880] =	vst v1  }
0x29: {  	[tilespmem:s1+$0x5900] =	vst v1  }
0x2a: {  	[tilespmem:s1+$0x5980] =	vst v1  }
0x2b: {  	[tilespmem:s1+$0x5A00] =	vst v1  }
0x2c: {  	s7 =	sadd.s32 $0x80, s7;
	[tilespmem:s1+$0x5A80] =	vst v1  }
0x2d: {  	s8 =	sand.u32 $0x70, s4;
	s9 =	sand.u32 $0x1C00, s7;
	[tilespmem:s1+$0x5B00] =	vst v1  }
0x2e: {  	[tilespmem:s1+$0x5B80] =	vst v1;
	s1 =	sor.u32 s8, s9  }
0x2f: {  	[tilespmem:s1+$0x4080] =	vst v1  }
.Ltmp2:
0x30: {  	[tilespmem:s1+$0x4100] =	vst v1;
	(pc) =	sbr.rel @p0 .LBB2_2-.Ltmp2, $4  }
0x31: {  	[tilespmem:s1+$0x4180] =	vst v1  }
0x32: {  	[tilespmem:s1+$0x4200] =	vst v1  }
0x33: {  	[tilespmem:s1+$0x4280] =	vst v1  }
0x34: {  	s8 =	sor.u32 s7, s4;
	s4 =	sadd.s32 $0x10, s4;
	[tilespmem:s1+$0x4300] =	vst v1  }
0x35: {  	[tilespmem:s1+$0x4000] =	vst v1;
	s4 =	sor.u32 $0x380, s8  }
0x36: {  	[tilespmem:s4+$0x4000] =	vst v1  }
0x37: {  	[tilespmem:s1+$0x5800] =	vst v1  }
0x38: {  	[tilespmem:s1+$0x5880] =	vst v1  }
0x39: {  	[tilespmem:s1+$0x5900] =	vst v1  }
.Ltmp3:
0x3a: {  	[tilespmem:s1+$0x5980] =	vst v1;
	(pc) =	sbr.rel .LBB2_4-.Ltmp3, $4  }
0x3b: {  	[tilespmem:s1+$0x5A00] =	vst v1  }
0x3c: {  	[tilespmem:s1+$0x5A80] =	vst v1  }
0x3d: {  	s7 =	simm.s32 $0x2000;
	[tilespmem:s1+$0x5B00] =	vst v1  }
0x3e: {  	s8 =	rddreg [dreg:$0x5];
	s9 =	smov.u32 s17;
	s4 =	simm.s32 $0xFFFFFFFE;
	[tilespmem:s1+$0x5B80] =	vst v1  }
.LBB2_28:
0x3f: {  	s1 =	sand.u32 $0x7, s4  }
0x40: {  	p0 =	sgt.s32 s1, $0x3  }
0x41: {  	p2 =	sgt.s32 @p0 s1, $0x5  }
0x42: {  	s13 =	sadd.s32 $0xFFFFFFE0, s9;
	p1 =	por !p2, !p0  }
0x43: {  	s13 =	sshrl.u32 s13, $0x3;
	p3 =	seq.s32 @!p1 s1, $0x6  }
0x44: {  	s13 =	smul.u32 $0x300, s13;
	p4 =	por @p0 p3, !p2  }
0x45: {  	s2 =	simm.s32 @!p1 $0x0;
	p3 =	por @p0 !p3, !p2;
	p4 =	por p4, !p0  }
0x46: {  	p3 =	por !p3, !p0;
	s10 =	simm.s32 @!p4 $0x1C000;
	p4 =	por p2, !p0  }
0x47: {  	s2 =	simm.s32 @p1 $0x1;
	s10 =	simm.s32 @p3 $0x19000;
	p3 =	seq.s32 @!p4 s1, $0x4  }
0x48: {  	p4 =	por @p0 !p3, p2;
	p2 =	por @p0 p3, p2;
	p3 =	sgt.s32 @!p0 s1, $0x1  }
0x49: {  	[smem:$0x7FC] =	sst s2;
	p5 =	por p2, !p0;
	p1 =	por !p3, p0  }
0x4a: {  	p6 =	por p3, p0;
	p4 =	por !p4, !p0;
	s2 =	simm.s32 @!p1 $0x0  }
0x4b: {  	s11 =	simm.s32 @!p5 $0x16000;
	p5 =	seq.s32 @!p1 s1, $0x2;
	s2 =	simm.s32 @p1 $0x1  }
0x4c: {  	p6 =	seq.s32 @!p6 s1, $0x0;
	p1 =	por @!p0 p5, !p3;
	[smem:$0x7FD] =	sst s2  }
0x4d: {  	p2 =	por @!p0 p6, p3;
	s11 =	simm.s32 @p4 $0x13000;
	_ =	swait.ge [sflag:s15], $0x3000  }
0x4e: {  	p1 =	por p1, p0;
	p2 =	por p2, p0;
	s28 =	sld [smem:$0x7FC]  }
0x4f: {  	s1 =	simm.s32 @!p1 $0x10000;
	p1 =	por @!p0 !p5, !p3;
	s30 =	sld [smem:$0x7FD]  }
0x50: {  	s12 =	simm.s32 @!p2 $0xA000;
	p2 =	por @!p0 !p6, p3;
	p1 =	por !p1, p0  }
0x51: {  	p2 =	por !p2, p0;
	s1 =	simm.s32 @p1 $0xD000;
	p1 =	seq.s32 s28, $0x1  }
0x52: {  	s12 =	simm.s32 @p2 $0x7000;
	s10 =	smov.u32 @p1 s11;
	p1 =	seq.s32 s30, $0x1  }
0x53: {  	[sflag:s15] =	ssyncset.done $0x0;
	s1 =	smov.u32 @p1 s12  }
0x54: {  	s31 =	sadd.s32 s14, s13;
	[sflag:s15] =	ssyncadd.s32 $0xFFFFD000;
	s1 =	smov.u32 @p0 s10  }
0x55: {  	[hbm4b:s31+s3] =	stream.linear.scatter [tilespmem:s1], [sflag:$0x2], $0x3000, $0x38;
	[tilespmem:$0x1F000] =	vst v63  }
.LBB2_29:
0x56: {  	s4 =	sadd.s32 $0x1, s4  }
0x57: {  	p0 =	sne.s32 s4, $0x40  }
.Ltmp4:
0x58: {  	_ = 	snop;
	(pc) =	sbr.rel @!p0 .LBB2_30-.Ltmp4, $2  }
0x59: {  	_ =	sdelay $0x2  }
0x5a: {  	s9 =	sadd.s32 $0x10, s9;
	s8 =	sadd.s32 $0x600, s8;
	s7 =	sadd.s32 $0x80, s7  }
.LBB2_4:
0x5b: {  	s10 =	sadd.s32 $0x2, s4  }
0x5c: {  	p0 =	sgt.u32 s10, $0x3F  }
.Ltmp5:
0x5d: {  	_ = 	snop;
	(pc) =	sbr.rel @p0 .LBB2_28-.Ltmp5, $1  }
0x5e: {  	_ =	sdelay $0x3  }
0x5f: {  	p0 =	slt.u32 s10, $0x8  }
.Ltmp6:
0x60: {  	_ = 	snop;
	(pc) =	sbr.rel @p0 .LBB2_13-.Ltmp6, $1  }
0x61: {  	_ =	sdelay $0x3  }
0x62: {  	s1 =	sand.u32 $0x7, s10  }
0x63: {  	p0 =	sgt.s32 s1, $0x3  }
.Ltmp7:
0x64: {  	_ = 	snop;
	(pc) =	sbr.rel @p0 .LBB2_10-.Ltmp7, $4  }
0x65: {  	_ = 	snop  }
0x66: {  	_ =	swait.ge [sflag:s0], $0x3000  }
0x67: {  	[sflag:s0] =	ssyncset.done $0x0  }
0x68: {  	[sflag:s0] =	ssyncadd.s32 $0xFFFFD000  }
0x69: {  	p0 =	sgt.s32 s1, $0x1  }
.Ltmp8:
0x6a: {  	_ = 	snop;
	(pc) =	sbr.rel @p0 .LBB2_21-.Ltmp8, $1  }
0x6b: {  	_ =	sdelay $0x3  }
0x6c: {  	p0 =	seq.s32 s1, $0x0  }
.Ltmp9:
0x6d: {  	_ = 	snop;
	(pc) =	sbr.rel @p0 .LBB2_27-.Ltmp9, $4  }
.Ltmp10:
0x6e: {  	_ = 	snop;
	(pc) =	sbr.rel @!p0 .LBB2_9-.Ltmp10, $4  }
0x6f: {  	_ = 	snop  }
0x70: {  	_ = 	snop  }
0x71: {  	s1 =	simm.s32 $0x7000  }
0x72: {  	_ = 	snop  }
.LBB2_13:
0x73: {  	p0 =	sgt.s32 s10, $0x3  }
.Ltmp11:
0x74: {  	_ = 	snop;
	(pc) =	sbr.rel @p0 .LBB2_16-.Ltmp11, $1  }
0x75: {  	_ =	sdelay $0x3  }
0x76: {  	p0 =	sgt.s32 s10, $0x1  }
.Ltmp12:
0x77: {  	_ = 	snop;
	(pc) =	sbr.rel @p0 .LBB2_19-.Ltmp12, $1  }
0x78: {  	_ =	sdelay $0x3  }
0x79: {  	p0 =	seq.s32 s10, $0x0  }
.Ltmp13:
0x7a: {  	_ = 	snop;
	(pc) =	sbr.rel @p0 .LBB2_27-.Ltmp13, $2  }
0x7b: {  	_ =	sdelay $0x2  }
0x7c: {  	s1 =	simm.s32 $0x7000  }
.LBB2_9:
.Ltmp14:
0x7d: {  	(pc) =	sbr.rel .LBB2_27-.Ltmp14, $2  }
0x7e: {  	_ =	sdelay $0x2  }
0x7f: {  	s1 =	simm.s32 $0xA000  }
.LBB2_10:
0x80: {  	p0 =	sgt.s32 s1, $0x5  }
.Ltmp15:
0x81: {  	_ = 	snop;
	(pc) =	sbr.rel @p0 .LBB2_25-.Ltmp15, $1  }
0x82: {  	_ =	sdelay $0x3  }
0x83: {  	p0 =	seq.s32 s1, $0x4  }
.Ltmp16:
0x84: {  	_ = 	snop;
	(pc) =	sbr.rel @p0 .LBB2_18-.Ltmp16, $1  }
0x85: {  	_ =	sdelay $0x3  }
.LBB2_12:
.Ltmp17:
0x86: {  	(pc) =	sbr.rel .LBB2_27-.Ltmp17, $2  }
0x87: {  	_ =	sdelay $0x2  }
0x88: {  	s1 =	simm.s32 $0x16000  }
.LBB2_16:
0x89: {  	p0 =	sgt.s32 s10, $0x5  }
.Ltmp18:
0x8a: {  	_ = 	snop;
	(pc) =	sbr.rel @p0 .LBB2_23-.Ltmp18, $1  }
0x8b: {  	_ =	sdelay $0x3  }
0x8c: {  	p0 =	seq.s32 s10, $0x4  }
.Ltmp19:
0x8d: {  	_ = 	snop;
	(pc) =	sbr.rel @!p0 .LBB2_12-.Ltmp19, $1  }
0x8e: {  	_ =	sdelay $0x3  }
.LBB2_18:
.Ltmp20:
0x8f: {  	(pc) =	sbr.rel .LBB2_27-.Ltmp20, $2  }
0x90: {  	_ =	sdelay $0x2  }
0x91: {  	s1 =	simm.s32 $0x13000  }
.LBB2_21:
0x92: {  	p0 =	seq.s32 s1, $0x2  }
.Ltmp21:
0x93: {  	_ = 	snop;
	(pc) =	sbr.rel @p0 .LBB2_20-.Ltmp21, $1  }
0x94: {  	_ =	sdelay $0x3  }
.LBB2_22:
.Ltmp22:
0x95: {  	(pc) =	sbr.rel .LBB2_27-.Ltmp22, $2  }
0x96: {  	_ =	sdelay $0x2  }
0x97: {  	s1 =	simm.s32 $0x10000  }
.LBB2_19:
0x98: {  	p0 =	seq.s32 s10, $0x2  }
.Ltmp23:
0x99: {  	_ = 	snop;
	(pc) =	sbr.rel @!p0 .LBB2_22-.Ltmp23, $1  }
0x9a: {  	_ =	sdelay $0x3  }
.LBB2_20:
.Ltmp24:
0x9b: {  	(pc) =	sbr.rel .LBB2_27-.Ltmp24, $2  }
0x9c: {  	_ =	sdelay $0x2  }
0x9d: {  	s1 =	simm.s32 $0xD000  }
.LBB2_25:
0x9e: {  	p0 =	seq.s32 s1, $0x6  }
.Ltmp25:
0x9f: {  	_ = 	snop;
	(pc) =	sbr.rel @p0 .LBB2_24-.Ltmp25, $1  }
0xa0: {  	_ =	sdelay $0x3  }
.LBB2_26:
.Ltmp26:
0xa1: {  	(pc) =	sbr.rel .LBB2_27-.Ltmp26, $2  }
0xa2: {  	_ =	sdelay $0x2  }
0xa3: {  	s1 =	simm.s32 $0x1C000  }
.LBB2_23:
0xa4: {  	p0 =	seq.s32 s10, $0x6  }
.Ltmp27:
0xa5: {  	_ = 	snop;
	(pc) =	sbr.rel @!p0 .LBB2_26-.Ltmp27, $1  }
0xa6: {  	_ =	sdelay $0x3  }
.LBB2_24:
0xa7: {  	s1 =	simm.s32 $0x19000  }
.LBB2_27:
0xa8: {  	v7 =	vadd.s32 s9, v3  }
0xa9: {  	v8 =	vshrl.u32 v7, $0x13;
	v7 =	vshll.u32 v7, $0xD  }
0xaa: {  	v9 =	vadd.s32 s9, v2;
	v7 =	vor.u32 v8, v7  }
0xab: {  	v7 =	vxor.u32 v9, v7  }
0xac: {  	v8 =	vshrl.u32 v7, $0x11;
	v10 =	vshll.u32 v7, $0xF  }
0xad: {  	v7 =	vadd.s32 v9, v7;
	v8 =	vor.u32 v8, v10  }
0xae: {  	v8 =	vxor.u32 v8, v7  }
0xaf: {  	v32 =	vshrl.u32 v8, $0x6;
	v33 =	vshll.u32 v8, $0x1A  }
0xb0: {  	v7 =	vadd.s32 v7, v8;
	v8 =	vor.u32 v32, v33  }
0xb1: {  	v8 =	vxor.u32 v8, v7  }
0xb2: {  	v34 =	vshrl.u32 v8, $0x1A;
	v35 =	vshll.u32 v8, $0x6  }
0xb3: {  	v7 =	vadd.s32 v7, v8;
	v8 =	vor.u32 v34, v35  }
0xb4: {  	v8 =	vxor.u32 v8, v7  }
0xb5: {  	v8 =	vadd.s32 $0xE1552D49, v8  }
0xb6: {  	v7 =	vadd.s32 v8, v7;
	v36 =	vshrl.u32 v8, $0xF;
	v8 =	vshll.u32 v8, $0x11  }
0xb7: {  	v7 =	vadd.s32 $0xCDDB151D, v7;
	v8 =	vor.u32 v36, v8  }
0xb8: {  	v8 =	vxor.u32 v8, v7  }
0xb9: {  	v37 =	vshrl.u32 v8, $0x3;
	v38 =	vshll.u32 v8, $0x1D  }
0xba: {  	v7 =	vadd.s32 v7, v8;
	v8 =	vor.u32 v37, v38  }
0xbb: {  	v8 =	vxor.u32 v8, v7  }
0xbc: {  	v39 =	vshrl.u32 v8, $0x10;
	v40 =	vshll.u32 v8, $0x10  }
0xbd: {  	v7 =	vadd.s32 v7, v8;
	v8 =	vor.u32 v39, v40  }
0xbe: {  	v8 =	vxor.u32 v8, v7  }
0xbf: {  	v41 =	vshrl.u32 v8, $0x8;
	v42 =	vshll.u32 v8, $0x18  }
0xc0: {  	v7 =	vadd.s32 v7, v8;
	v8 =	vor.u32 v41, v42  }
0xc1: {  	v8 =	vxor.u32 v8, v7  }
0xc2: {  	v8 =	vadd.s32 $0x375F2391, v8  }
0xc3: {  	v7 =	vadd.s32 v8, v7;
	v43 =	vshrl.u32 v8, $0x13;
	v8 =	vshll.u32 v8, $0xD  }
0xc4: {  	v7 =	vadd.s32 $0xE1552D48, v7;
	v8 =	vor.u32 v43, v8  }
0xc5: {  	v8 =	vxor.u32 v8, v7  }
0xc6: {  	v44 =	vshrl.u32 v8, $0x11;
	v45 =	vshll.u32 v8, $0xF  }
0xc7: {  	v7 =	vadd.s32 v7, v8;
	v8 =	vor.u32 v44, v45  }
0xc8: {  	v8 =	vxor.u32 v8, v7  }
0xc9: {  	v46 =	vshrl.u32 v8, $0x6;
	v47 =	vshll.u32 v8, $0x1A  }
0xca: {  	v7 =	vadd.s32 v7, v8;
	v8 =	vor.u32 v46, v47  }
0xcb: {  	v8 =	vxor.u32 v8, v7  }
0xcc: {  	v48 =	vshrl.u32 v8, $0x1A;
	v49 =	vshll.u32 v8, $0x6  }
0xcd: {  	v7 =	vadd.s32 v7, v8;
	v8 =	vor.u32 v48, v49  }
0xce: {  	v8 =	vxor.u32 v8, v7  }
0xcf: {  	v8 =	vadd.s32 $0xCDDB1520, v8  }
0xd0: {  	v7 =	vadd.s32 v8, v7;
	v50 =	vshrl.u32 v8, $0xF;
	v8 =	vshll.u32 v8, $0x11  }
0xd1: {  	v7 =	vadd.s32 $0x375F238F, v7;
	v8 =	vor.u32 v50, v8  }
0xd2: {  	v8 =	vxor.u32 v8, v7  }
0xd3: {  	v51 =	vshrl.u32 v8, $0x3;
	v52 =	vshll.u32 v8, $0x1D  }
0xd4: {  	v7 =	vadd.s32 v7, v8;
	v8 =	vor.u32 v51, v52  }
0xd5: {  	v8 =	vxor.u32 v8, v7  }
0xd6: {  	v53 =	vshrl.u32 v8, $0x10;
	v54 =	vshll.u32 v8, $0x10  }
0xd7: {  	v7 =	vadd.s32 v7, v8;
	v8 =	vor.u32 v53, v54  }
0xd8: {  	v8 =	vxor.u32 v8, v7  }
0xd9: {  	v55 =	vshrl.u32 v8, $0x8;
	v56 =	vshll.u32 v8, $0x18  }
0xda: {  	v7 =	vadd.s32 v7, v8;
	v8 =	vor.u32 v55, v56  }
0xdb: {  	v8 =	vxor.u32 v8, v7  }
0xdc: {  	v8 =	vadd.s32 $0xE1552D4C, v8  }
0xdd: {  	v7 =	vadd.s32 v8, v7;
	v57 =	vshrl.u32 v8, $0x13;
	v8 =	vshll.u32 v8, $0xD  }
0xde: {  	v7 =	vadd.s32 $0xCDDB151D, v7;
	v8 =	vor.u32 v57, v8  }
0xdf: {  	v8 =	vxor.u32 v8, v7  }
0xe0: {  	v58 =	vshrl.u32 v8, $0x11;
	v59 =	vshll.u32 v8, $0xF  }
0xe1: {  	v7 =	vadd.s32 v7, v8;
	v8 =	vor.u32 v58, v59  }
0xe2: {  	v8 =	vxor.u32 v8, v7  }
0xe3: {  	v60 =	vshrl.u32 v8, $0x6;
	v61 =	vshll.u32 v8, $0x1A  }
0xe4: {  	v7 =	vadd.s32 v7, v8;
	v8 =	vor.u32 v60, v61  }
0xe5: {  	v8 =	vxor.u32 v8, v7  }
0xe6: {  	v62 =	vshrl.u32 v8, $0x1A;
	v63 =	vshll.u32 v8, $0x6  }
0xe7: {  	v7 =	vadd.s32 v7, v8;
	v8 =	vor.u32 v62, v63  }
0xe8: {  	v8 =	vxor.u32 v8, v7  }
0xe9: {  	p0 =	slt.u32 s10, $0x2;
	v7 =	vadd.s32 $0xE1552D48, v7;
	v8 =	vadd.s32 $0x375F2394, v8  }
.Ltmp28:
0xea: {  	v7 =	vxor.u32 v7, v8;
	(pc) =	sbr.rel @p0 .LBB2_29-.Ltmp28, $4  }
.Ltmp29:
0xeb: {  	v7 =	vshrl.u32 v7, $0x9;
	(pc) =	sbr.rel @!p0 .LBB2_28-.Ltmp29, $4  }
0xec: {  	v7 =	vadd.s32 $0xFFF33333, v7  }
0xed: {  	[tilespmem:s1], [sflag:$0x1] =	stream.linear.gather [hbm4b:s8+s3], $0x3000, $0x38;
	v7 =	vshrl.u32 v7, $0x1F;
	[tilespmem:$0x1F000] =	vst v63  }
0xee: {  	[tilespmem:s7+$0x0] =	vst v7  }
0xef: {  	_ = 	snop  }
.LBB2_30:
0xf0: {  	_ =	swait.ge [sflag:s0], $0x3000  }
0xf1: {  	[sflag:s0] =	ssyncset.done $0x0  }
0xf2: {  	[sflag:s0] =	ssyncadd.s32 $0xFFFFD000  }
0xf3: {  	_ =	swait.ge [sflag:s0], $0x3000  }
0xf4: {  	[sflag:s0] =	ssyncset.done $0x0  }
0xf5: {  	[sflag:s0] =	ssyncadd.s32 $0xFFFFD000  }
0xf6: {  	_ =	swait.ge [sflag:s0], $0x3000  }
0xf7: {  	[sflag:s0] =	ssyncset.done $0x0  }
0xf8: {  	[sflag:s0] =	ssyncadd.s32 $0xFFFFD000  }
0xf9: {  	_ =	swait.ge [sflag:s0], $0x3000  }
0xfa: {  	[sflag:s0] =	ssyncset.done $0x0  }
0xfb: {  	[sflag:s0] =	ssyncadd.s32 $0xFFFFD000  }
0xfc: {  	_ =	swait.ge [sflag:s0], $0x3000  }
0xfd: {  	[sflag:s0] =	ssyncset.done $0x0  }
0xfe: {  	[sflag:s0] =	ssyncadd.s32 $0xFFFFD000  }
0xff: {  	_ =	swait.ge [sflag:s0], $0x3000  }
0x100: {  	[sflag:s0] =	ssyncset.done $0x0  }
0x101: {  	[sflag:s0] =	ssyncadd.s32 $0xFFFFD000  }
0x102: {  	_ =	swait.ge [sflag:s0], $0x3000  }
0x103: {  	[sflag:s0] =	ssyncset.done $0x0  }
0x104: {  	[sflag:s0] =	ssyncadd.s32 $0xFFFFD000  }
0x105: {  	_ =	swait.ge [sflag:s0], $0x3000  }
0x106: {  	s26 =	rddreg [dreg:$0x14]  }
0x107: {  	s23 =	rddreg [dreg:$0x13]  }
0x108: {  	s24 =	rddreg [dreg:$0x12]  }
0x109: {  	s25 =	rddreg [dreg:$0x11]  }
0x10a: {  	s28 =	rddreg [dreg:$0x10]  }
0x10b: {  	s8 =	rddreg [dreg:$0xf]  }
0x10c: {  	s4 =	rddreg [dreg:$0xd]  }
0x10d: {  	s10 =	rddreg [dreg:$0xc]  }
0x10e: {  	s31 =	rddreg [dreg:$0xa]  }
0x10f: {  	s13 =	rddreg [dreg:$0x9]  }
0x110: {  	s30 =	rddreg [dreg:$0x8]  }
0x111: {  	s7 =	rddreg [dreg:$0x7]  }
0x112: {  	s9 =	rddreg [dreg:$0x6]  }
0x113: {  	[dreg:$0x18] =	wrdreg s23  }
0x114: {  	[dreg:$0x19] =	wrdreg s24  }
0x115: {  	[dreg:$0x1a] =	wrdreg s25  }
0x116: {  	s1 =	simm.s32 $0x0;
	[smem:$0x7FB] =	sst s28  }
0x117: {  	s12 =	simm.s32 $0x0;
	[sflag:s0] =	ssyncset.done $0x0;
	s23 =	rddreg [dreg:$0xe]  }
0x118: {  	v8 =	vimm.s32 $0x0;
	s19 =	simm.s32 $0x0;
	[sflag:s0] =	ssyncadd.s32 $0xFFFFD000;
	s25 =	rddreg [dreg:$0xb]  }
.LBB2_31:
0x119: {  	[dreg:$0x16] =	wrdreg s1  }
0x11a: {  	s0 =	rddreg [dreg:$0x16]  }
0x11b: {  	s24 =	sshra.s32 s0, $0x2  }
0x11c: {  	v7 =	vld [tilespmem:s24+$0x2000];
	_ =	sdelay $0x4  }
0x11d: {  	(v2sf) =	vpush v7, $0x0;
	_ =	sdelay $0x1  }
0x11e: {  	(v2sf) =	vpush v7, $0x1;
	_ =	sdelay $0x1  }
0x11f: {  	(v2sf) =	vpush v7, $0x2  }
0x120: {  	[smem:$0x7F6] =	sst s17  }
0x121: {  	[smem:$0x7F7] =	sst s7;
	(v2sf) =	vpush v7, $0x3  }
0x122: {  	[dreg:$0x1f] =	wrdreg s31  }
0x123: {  	[dreg:$0x1e] =	wrdreg s25  }
0x124: {  	[dreg:$0x1d] =	wrdreg s10  }
0x125: {  	[dreg:$0x1c] =	wrdreg s4;
	(v2sf) =	vpush v7, $0x4  }
0x126: {  	[dreg:$0x1b] =	wrdreg s8;
	(v2sf) =	vpush v7, $0x5  }
0x127: {  	[dreg:$0x17] =	wrdreg s26  }
0x128: {  	[smem:$0x7F9] =	sst s13  }
0x129: {  	s26 =	ssub.s32 s17, s12;
	[smem:$0x7F8] =	sst s30  }
0x12a: {  	s28 =	sadd.s32 $0xFFFFFFF1, s9;
	[smem:$0x7FA] =	sst s23;
	s11 =	spop (v2sf)  }
0x12b: {  	[smem:$0x7D7] =	sst s28;
	s2 =	ssub.s32 s28, s12;
	s14 =	smul.u32 s26, s11  }
0x12c: {  	s20 =	spop (v2sf);
	s21 =	smul.u32 s2, s11  }
0x12d: {  	(v2sf) =	vpush v7, $0x6;
	s2 =	sand.u32 $0xF, s19;
	s26 =	sadd.s32 s19, s11;
	s1 =	ssub.s32 s7, s14  }
0x12e: {  	p0 =	slt.s32 s11, $0x1;
	s18 =	spop (v2sf);
	s1 =	ssub.s32 s1, s12  }
0x12f: {  	[smem:$0x7D6] =	sst s2;
	s2 =	simm.s32 @!p0 $0x0;
	s17 =	smul.u32 s1, s20  }
0x130: {  	[smem:$0x7E3] =	sst s26;
	s0 =	spop (v2sf);
	s2 =	simm.s32 @p0 $0x1  }
0x131: {  	s21 =	sadd.s32 s12, s21;
	[smem:$0x7DB] =	sst s2;
	s1 =	sadd.s32 s17, s12  }
0x132: {  	(v2sf) =	vpush v7, $0x7;
	p1 =	slt.s32 s18, $0x1;
	[smem:$0x7D8] =	sst s0;
	s15 =	sadd.s32 s14, s1  }
0x133: {  	s1 =	ssub.s32 s4, s15;
	s4 =	ssub.s32 s9, s12;
	s12 =	sand.u32 $0xF, s26  }
0x134: {  	s7 =	smul.u32 s1, s18;
	s1 =	spop (v2sf);
	s2 =	ssub.s32 s4, s14  }
0x135: {  	s24 =	ssub.s32 s4, s17;
	p0 =	sne.s32 @!p0 s12, $0x0;
	s16 =	spop (v2sf)  }
0x136: {  	s22 =	sadd.s32 $0xFFFFFFF2, s2;
	[smem:$0x7EB] =	sst s2;
	s28 =	ssub.s32 s24, s14  }
0x137: {  	s4 =	simm.s32 @!p0 $0x0;
	s19 =	sadd.s32 s7, s15;
	s22 =	smul.u32 s20, s22  }
0x138: {  	(v2sf) =	vpush v7, $0x8;
	s4 =	simm.s32 @p0 $0x1;
	s14 =	sadd.s32 $0xFFFFFFF3, s28;
	s15 =	ssub.s32 s10, s19  }
0x139: {  	p0 =	slt.s32 s20, $0x1;
	[smem:$0x7D9] =	sst s16;
	s15 =	smul.u32 s15, s0  }
0x13a: {  	[smem:$0x7DA] =	sst s4;
	s24 =	smul.u32 s18, s14;
	s4 =	sadd.s32 s20, s26  }
0x13b: {  	s10 =	simm.s32 @!p0 $0x0;
	s21 =	sadd.s32 s21, s22;
	s19 =	sadd.s32 s15, s19  }
0x13c: {  	s20 =	sadd.s32 s21, s24;
	s24 =	spop (v2sf);
	(v2sf) =	vpush v7, $0x9;
	s25 =	ssub.s32 s25, s19  }
0x13d: {  	s10 =	simm.s32 @p0 $0x1;
	[smem:$0x7E5] =	sst s4;
	s11 =	smul.u32 s25, s1  }
0x13e: {  	s26 =	ssub.s32 s28, s7;
	s14 =	sand.u32 $0xF, s4;
	[smem:$0x7DD] =	sst s10  }
0x13f: {  	s21 =	sadd.s32 $0xFFFFFFF4, s26;
	p2 =	sne.s32 @!p0 s14, $0x0;
	s19 =	sadd.s32 s11, s19  }
0x140: {  	s21 =	smul.u32 s0, s21;
	s0 =	sadd.s32 s7, s15;
	s10 =	ssub.s32 s31, s19  }
0x141: {  	s22 =	ssub.s32 s28, s0;
	s0 =	spop (v2sf);
	s25 =	smul.u32 s10, s16  }
0x142: {  	s20 =	sadd.s32 s20, s21;
	s21 =	sadd.s32 $0xFFFFFFF5, s22;
	[smem:$0x7E1] =	sst s0  }
0x143: {  	s21 =	smul.u32 s1, s21;
	s26 =	sadd.s32 s15, s11;
	s10 =	sadd.s32 s11, s25  }
0x144: {  	(v2sf) =	vpush v7, $0xA;
	s22 =	sadd.s32 s7, s26;
	s19 =	sadd.s32 s25, s19;
	s26 =	sadd.s32 s15, s10  }
0x145: {  	s22 =	ssub.s32 s28, s22;
	s13 =	ssub.s32 s13, s19;
	s26 =	sadd.s32 s7, s26  }
0x146: {  	s22 =	sadd.s32 $0xFFFFFFF6, s22;
	s10 =	smul.u32 s13, s24;
	s26 =	ssub.s32 s28, s26  }
0x147: {  	s31 =	spop (v2sf);
	s22 =	smul.u32 s16, s22;
	s26 =	sadd.s32 $0xFFFFFFF7, s26  }
0x148: {  	(v2sf) =	vpush v7, $0xB;
	s20 =	sadd.s32 s20, s21;
	s19 =	sadd.s32 s10, s19;
	s13 =	smul.u32 s24, s26  }
0x149: {  	s16 =	ssub.s32 s30, s19;
	s30 =	sadd.s32 s18, s4;
	s4 =	simm.s32 @!p1 $0x0  }
0x14a: {  	s20 =	sadd.s32 s20, s22;
	s26 =	smul.u32 s16, s0;
	s4 =	simm.s32 @p1 $0x1  }
0x14b: {  	s22 =	sand.u32 $0xF, s30;
	[smem:$0x7E7] =	sst s30;
	s21 =	spop (v2sf)  }
0x14c: {  	[smem:$0x7DF] =	sst s4;
	s18 =	sadd.s32 s20, s13;
	s13 =	sadd.s32 s25, s10  }
0x14d: {  	p0 =	sne.s32 @!p1 s22, $0x0;
	p1 =	slt.s32 s1, $0x1;
	s20 =	sadd.s32 s11, s13  }
0x14e: {  	s17 =	sadd.s32 s26, s17;
	s19 =	sadd.s32 s26, s19;
	s13 =	simm.s32 @!p2 $0x0  }
0x14f: {  	s20 =	sadd.s32 s15, s20;
	s17 =	sadd.s32 s10, s17;
	s10 =	sadd.s32 s10, s26  }
0x150: {  	s16 =	ssub.s32 s23, s19;
	s13 =	simm.s32 @p2 $0x1;
	s23 =	sld [smem:$0x7D6]  }
0x151: {  	s4 =	sadd.s32 s25, s17;
	s10 =	sadd.s32 s25, s10;
	s17 =	smul.u32 s16, s31  }
0x152: {  	[smem:$0x7DC] =	sst s13;
	s13 =	simm.s32 @!p0 $0x0;
	s20 =	sadd.s32 s7, s20  }
0x153: {  	(v2sf) =	vpush v7, $0xC;
	s25 =	spop (v2sf);
	s13 =	simm.s32 @p0 $0x1;
	s20 =	ssub.s32 s28, s20  }
0x154: {  	s4 =	sadd.s32 s11, s4;
	s10 =	sadd.s32 s11, s10;
	s11 =	sadd.s32 $0xFFFFFFF2, s9  }
0x155: {  	[smem:$0x7DE] =	sst s13;
	s26 =	sadd.s32 s19, s17;
	s13 =	sadd.s32 $0xFFFFFFF8, s20  }
0x156: {  	v9 =	vmov s23;
	s23 =	sld [smem:$0x7D7];
	s4 =	sadd.s32 s15, s4;
	s10 =	sadd.s32 s15, s10  }
0x157: {  	v10 =	vbroadcast v7, $0x0;
	s20 =	spop (v2sf);
	s8 =	ssub.s32 s8, s26;
	s15 =	smul.u32 s0, s13  }
0x158: {  	vm1 =	veq.s32 v9, v0;
	s13 =	sadd.s32 s7, s4;
	s19 =	smul.u32 s8, s21;
	s8 =	sadd.s32 $0xFFFFFFF3, s9  }
0x159: {  	v10 =	vnsel vm1, $0x0, v10;
	s0 =	ssub.s32 s2, s13;
	s13 =	sadd.s32 s17, s13;
	v9 =	vsub.s32 s23, v8;
	s23 =	sld [smem:$0x7FB]  }
0x15a: {  	(v2sf) =	vpush v7, $0xD;
	s2 =	sadd.s32 s18, s15;
	v9 =	vmul.u32 v9, v10;
	s16 =	sadd.s32 s26, s19;
	v10 =	vmov s12;
	s12 =	sadd.s32 s7, s10  }
0x15b: {  	s7 =	sadd.s32 $0xFFFFFFF9, s0;
	s4 =	sadd.s32 s17, s12;
	s17 =	sld [smem:$0x7E1]  }
0x15c: {  	s7 =	smul.u32 s31, s7;
	[smem:$0x7FB] =	sst s23;
	s26 =	ssub.s32 s23, s16  }
0x15d: {  	v11 =	vbroadcast v7, $0x1;
	v8 =	vadd.s32 v8, v9;
	s12 =	ssub.s32 s28, s4;
	s4 =	sadd.s32 s19, s4;
	s26 =	smul.u32 s26, s25  }
0x15e: {  	vm1 =	veq.s32 v10, v0;
	v9 =	vsub.s32 s11, v8;
	s11 =	sadd.s32 $0xFFFFFFFA, s12;
	s7 =	sadd.s32 s2, s7;
	s12 =	rddreg [dreg:$0x19]  }
0x15f: {  	v10 =	vnsel vm1, $0x0, v11;
	s23 =	ssub.s32 s28, s4;
	s11 =	smul.u32 s21, s11;
	[dreg:$0x19] =	wrdreg s12  }
0x160: {  	v9 =	vmul.u32 v9, v10;
	s0 =	sadd.s32 $0xFFFFFFFB, s23;
	s15 =	sadd.s32 s16, s26;
	s16 =	rddreg [dreg:$0x1a]  }
0x161: {  	v11 =	vbroadcast v7, $0x2;
	v10 =	vmov s14;
	s23 =	sld [smem:$0x7D8];
	s10 =	smul.u32 s25, s0;
	s18 =	ssub.s32 s16, s15  }
0x162: {  	vm1 =	veq.s32 v10, v0;
	s4 =	sadd.s32 s26, s4;
	s14 =	spop (v2sf);
	v9 =	vadd.s32 v8, v9;
	s18 =	smul.u32 s18, s20  }
0x163: {  	[dreg:$0x1a] =	wrdreg s16;
	v10 =	vnsel vm1, $0x0, v11;
	s2 =	ssub.s32 s28, s4;
	v11 =	vsub.s32 s8, v9;
	s8 =	sadd.s32 s7, s11  }
0x164: {  	s7 =	sadd.s32 $0xFFFFFFFC, s2;
	p6 =	slt.s32 s23, $0x1;
	v10 =	vmul.u32 v10, v11;
	s11 =	sadd.s32 s15, s18  }
0x165: {  	s8 =	sadd.s32 s8, s10;
	s4 =	sadd.s32 s18, s4;
	s12 =	ssub.s32 s12, s11  }
0x166: {  	v11 =	vmov s22;
	s15 =	sadd.s32 $0xFFFFFFF4, s9;
	v10 =	vadd.s32 v9, v10;
	s22 =	ssub.s32 s28, s4;
	s16 =	smul.u32 s12, s14  }
0x167: {  	vm1 =	veq.s32 v11, v0;
	v11 =	vsub.s32 s15, v10;
	s12 =	smul.u32 s20, s7;
	s7 =	sadd.s32 s23, s30;
	s15 =	sadd.s32 $0xFFFFFFFD, s22  }
0x168: {  	v12 =	vbroadcast v7, $0x3;
	s23 =	sld [smem:$0x7DB];
	s2 =	sand.u32 $0xF, s7;
	s10 =	smul.u32 s14, s15  }
0x169: {  	s15 =	spop (v2sf);
	s4 =	sadd.s32 s16, s4;
	s8 =	sadd.s32 s8, s12  }
0x16a: {  	v12 =	vnsel vm1, $0x0, v12;
	p0 =	sne.s32 @!p6 s2, $0x0;
	s30 =	sadd.s32 s11, s16;
	s11 =	sld [smem:$0x7DD]  }
0x16b: {  	v11 =	vmul.u32 v12, v11;
	v43 =	vmov s2;
	s0 =	ssub.s32 s28, s4;
	s2 =	simm.s32 @!p0 $0x0;
	p5 =	seq.s32 s23, $0x1  }
0x16c: {  	v13 =	vbroadcast v7, $0x4;
	s23 =	sld [smem:$0x7DF];
	s22 =	sadd.s32 $0xFFFFFFFE, s0;
	s0 =	sadd.s32 $0xFFFFFFF5, s9  }
0x16d: {  	v11 =	vadd.s32 v10, v11;
	vm1 =	veq.s32 v43, v0;
	s2 =	simm.s32 @p0 $0x1;
	s12 =	smul.u32 s15, s22;
	s22 =	sadd.s32 s1, s7  }
0x16e: {  	v13 =	vnsel vm1, $0x0, v13;
	v44 =	vsub.s32 s0, v11;
	s0 =	sadd.s32 s8, s10;
	[smem:$0x7E0] =	sst s2;
	s10 =	sand.u32 $0xF, s22  }
0x16f: {  	v12 =	vmul.u32 v13, v44;
	v45 =	vmov s10;
	p3 =	sne.s32 @!p1 s10, $0x0;
	s10 =	sld [smem:$0x7D9]  }
0x170: {  	s0 =	sadd.s32 s0, s12;
	s12 =	sld [smem:$0x7DA]  }
0x171: {  	s8 =	sadd.s32 $0xFFFFFFF6, s9;
	[smem:$0x7E2] =	sst s0;
	v12 =	vadd.s32 v11, v12  }
0x172: {  	p1 =	por p3, p1;
	v46 =	vsub.s32 s8, v12;
	s8 =	rddreg [dreg:$0x18]  }
0x173: {  	s1 =	sadd.s32 s10, s22;
	p4 =	seq.s32 s12, $0x1;
	[dreg:$0x18] =	wrdreg s8  }
0x174: {  	p0 =	slt.s32 s10, $0x1;
	s10 =	sld [smem:$0x7DC];
	p2 =	por p4, p5  }
0x175: {  	p3 =	slt.s32 s21, $0x1;
	s12 =	sld [smem:$0x7DE];
	s2 =	simm.s32 @!p2 $0x0  }
0x176: {  	s0 =	sand.u32 $0xF, s1;
	p4 =	seq.s32 s11, $0x1;
	s2 =	simm.s32 @p2 $0x1  }
0x177: {  	p2 =	sne.s32 @!p0 s0, $0x0;
	p5 =	seq.s32 s10, $0x1;
	s10 =	sadd.s32 $0xFFFFFFF8, s9  }
0x178: {  	[smem:$0x7E4] =	sst s2;
	s2 =	ssub.s32 s8, s30;
	p5 =	por p5, p4  }
0x179: {  	v47 =	vmov s0;
	p4 =	seq.s32 s23, $0x1;
	s23 =	sadd.s32 s24, s1;
	s0 =	simm.s32 @!p5 $0x0  }
0x17a: {  	s0 =	simm.s32 @p5 $0x1;
	p5 =	seq.s32 s12, $0x1;
	s12 =	smul.u32 s2, s15  }
0x17b: {  	p0 =	por p2, p0;
	s2 =	sld [smem:$0x7E0];
	p5 =	por p5, p4  }
0x17c: {  	v14 =	vbroadcast v7, $0x5;
	[smem:$0x7E6] =	sst s0;
	s0 =	simm.s32 @!p5 $0x0;
	s8 =	sadd.s32 s12, s4  }
0x17d: {  	vm1 =	veq.s32 v45, v0;
	s4 =	simm.s32 @!p1 $0x0;
	s0 =	simm.s32 @p5 $0x1;
	p5 =	slt.s32 s24, $0x1  }
0x17e: {  	v14 =	vnsel vm1, $0x0, v14;
	s24 =	sadd.s32 $0xFFFFFFF7, s9;
	p4 =	seq.s32 s2, $0x1;
	s2 =	sand.u32 $0xF, s23  }
0x17f: {  	v13 =	vmul.u32 v14, v46;
	s4 =	simm.s32 @p1 $0x1;
	[smem:$0x7E8] =	sst s0;
	p4 =	por p4, p6  }
0x180: {  	v15 =	vbroadcast v7, $0x6;
	[smem:$0x7EA] =	sst s4;
	p1 =	sne.s32 @!p5 s2, $0x0;
	v49 =	vmov s2;
	s2 =	simm.s32 @!p0 $0x0  }
0x181: {  	v13 =	vadd.s32 v12, v13;
	vm1 =	veq.s32 v47, v0;
	s0 =	simm.s32 @!p4 $0x0;
	s2 =	simm.s32 @p0 $0x1;
	p0 =	por p1, p5  }
0x182: {  	v15 =	vnsel vm1, $0x0, v15;
	v48 =	vsub.s32 s24, v13;
	s0 =	simm.s32 @p4 $0x1;
	[smem:$0x7EC] =	sst s2;
	s2 =	simm.s32 @!p0 $0x0  }
0x183: {  	v14 =	vmul.u32 v15, v48;
	p1 =	slt.s32 s31, $0x1;
	[smem:$0x7E9] =	sst s0;
	s2 =	simm.s32 @p0 $0x1  }
0x184: {  	s0 =	sxor.u32 $0xFFFFFFFF, s8;
	p0 =	slt.s32 s17, $0x1;
	[smem:$0x7ED] =	sst s2  }
0x185: {  	v14 =	vadd.s32 v13, v14;
	s11 =	sadd.s32 s28, s0;
	s28 =	sadd.s32 s17, s23;
	s2 =	sadd.s32 s19, s13  }
0x186: {  	v16 =	vbroadcast v7, $0x7;
	v50 =	vsub.s32 s10, v14;
	s10 =	sadd.s32 $0xFFFFFFFA, s9;
	s19 =	sadd.s32 $0xFFFFFFFC, s9;
	s0 =	sand.u32 $0xF, s28  }
0x187: {  	vm1 =	veq.s32 v49, v0;
	s17 =	sadd.s32 s31, s28;
	s2 =	sadd.s32 s26, s2;
	s26 =	rddreg [dreg:$0x17]  }
0x188: {  	v15 =	vnsel vm1, $0x0, v16;
	s24 =	sadd.s32 s21, s17;
	p2 =	sne.s32 @!p0 s0, $0x0;
	v51 =	vmov s0;
	s0 =	sand.u32 $0xF, s17  }
0x189: {  	v15 =	vmul.u32 v15, v50;
	s21 =	sadd.s32 $0xFFFFFFF9, s9;
	s2 =	sadd.s32 s18, s2;
	s18 =	sadd.s32 $0xFFFFFFFB, s9  }
0x18a: {  	(v2sf) =	vpush v7, $0xE;
	s4 =	sand.u32 $0xF, s24;
	p4 =	sne.s32 @!p1 s0, $0x0;
	p0 =	por p2, p0  }
0x18b: {  	v15 =	vadd.s32 v14, v15;
	s13 =	sadd.s32 s25, s24;
	p2 =	slt.s32 s14, $0x1;
	s2 =	sadd.s32 s16, s2  }
0x18c: {  	(v2sf) =	vpush v7, $0xF;
	p5 =	sne.s32 @!p3 s4, $0x0;
	v52 =	vsub.s32 s21, v15;
	s8 =	simm.s32 @!p0 $0x0;
	s21 =	sadd.s32 s20, s13  }
0x18d: {  	v17 =	vbroadcast v7, $0x8;
	v53 =	vmov s0;
	s0 =	sand.u32 $0xF, s13;
	s8 =	simm.s32 @p0 $0x1;
	p0 =	por p4, p1  }
0x18e: {  	vm1 =	veq.s32 v51, v0;
	p1 =	slt.s32 s25, $0x1;
	[smem:$0x7EE] =	sst s8;
	s8 =	simm.s32 @!p0 $0x0  }
0x18f: {  	v17 =	vnsel vm1, $0x0, v17;
	s8 =	simm.s32 @p0 $0x1;
	p0 =	por p5, p3;
	p3 =	sne.s32 @!p1 s0, $0x0  }
0x190: {  	v16 =	vmul.u32 v17, v52;
	[smem:$0x7EF] =	sst s8;
	s8 =	simm.s32 @!p0 $0x0;
	p1 =	por p3, p1  }
0x191: {  	v18 =	vbroadcast v7, $0x9;
	s8 =	simm.s32 @p0 $0x1;
	p0 =	slt.s32 s20, $0x1;
	s20 =	sadd.s32 s14, s21  }
0x192: {  	vm1 =	veq.s32 v53, v0;
	v16 =	vadd.s32 v15, v16;
	s14 =	simm.s32 @!p1 $0x0;
	[smem:$0x7F0] =	sst s8;
	s8 =	sand.u32 $0xF, s21  }
0x193: {  	s2 =	sadd.s32 s12, s2;
	v17 =	vnsel vm1, $0x0, v18;
	v54 =	vsub.s32 s10, v16;
	s14 =	simm.s32 @p1 $0x1;
	p1 =	sne.s32 @!p0 s8, $0x0  }
0x194: {  	s25 =	sadd.s32 s30, s12;
	v17 =	vmul.u32 v17, v54;
	s10 =	sand.u32 $0xF, s20;
	p0 =	por p1, p0  }
0x195: {  	v19 =	vbroadcast v7, $0xA;
	v55 =	vmov s4;
	v57 =	vmov s0;
	s0 =	ssub.s32 s26, s25;
	p5 =	sne.s32 @!p2 s10, $0x0;
	s4 =	simm.s32 @!p0 $0x0  }
0x196: {  	vm1 =	veq.s32 v55, v0;
	[smem:$0x7F1] =	sst s14;
	v17 =	vadd.s32 v16, v17;
	s4 =	simm.s32 @p0 $0x1;
	p0 =	por p5, p2  }
0x197: {  	v18 =	vnsel vm1, $0x0, v19;
	s16 =	sadd.s32 s15, s20;
	v56 =	vsub.s32 s18, v17;
	[smem:$0x7F2] =	sst s4;
	s4 =	simm.s32 @!p0 $0x0  }
0x198: {  	s18 =	sand.u32 $0xF, s16;
	p1 =	slt.s32 s15, $0x1;
	v18 =	vmul.u32 v18, v56;
	s4 =	simm.s32 @p0 $0x1  }
0x199: {  	v20 =	vbroadcast v7, $0xB;
	p3 =	sne.s32 @!p1 s18, $0x0;
	[smem:$0x7F3] =	sst s4;
	s4 =	spop (v2sf)  }
0x19a: {  	vm1 =	veq.s32 v57, v0;
	v59 =	vmov s8;
	s8 =	sadd.s32 $0xFFFFFFFD, s9;
	p6 =	por p3, p1;
	v18 =	vadd.s32 v17, v18;
	s12 =	sadd.s32 s4, s16  }
0x19b: {  	v20 =	vnsel vm1, $0x0, v20;
	v58 =	vsub.s32 s19, v18;
	s25 =	spop (v2sf);
	p2 =	slt.s32 s4, $0x1;
	s15 =	sand.u32 $0xF, s12  }
0x19c: {  	v19 =	vmul.u32 v20, v58;
	s11 =	smul.u32 s4, s11;
	s19 =	sadd.s32 s25, s12;
	p3 =	sne.s32 @!p2 s15, $0x0  }
0x19d: {  	p0 =	slt.s32 s25, $0x1;
	s14 =	sand.u32 $0xF, s19;
	p2 =	por p3, p2  }
0x19e: {  	s0 =	smul.u32 s0, s4;
	v19 =	vadd.s32 v18, v19;
	p1 =	sne.s32 @!p0 s14, $0x0;
	s4 =	simm.s32 @!p2 $0x0  }
0x19f: {  	v60 =	vsub.s32 s8, v19;
	s8 =	sld [smem:$0x7E2];
	p0 =	por p1, p0;
	s4 =	simm.s32 @p2 $0x1  }
0x1a0: {  	[smem:$0x7F4] =	sst s4;
	s4 =	simm.s32 @!p0 $0x0  }
0x1a1: {  	s4 =	simm.s32 @p0 $0x1  }
0x1a2: {  	[smem:$0x7F5] =	sst s4  }
0x1a3: {  	s4 =	sadd.s32 s8, s11;
	s11 =	sld [smem:$0x7E4];
	_ =	sdelay $0x2  }
0x1a4: {  	p3 =	seq.s32 s11, $0x1;
	s11 =	sld [smem:$0x7E6];
	_ =	sdelay $0x1  }
0x1a5: {  	s30 =	sld [smem:$0x7E8]  }
0x1a6: {  	p2 =	seq.s32 s11, $0x1;
	s11 =	sld [smem:$0x7E7]  }
0x1a7: {  	s0 =	sadd.s32 s0, s2;
	s2 =	sld [smem:$0x7E3]  }
0x1a8: {  	p1 =	seq.s32 s30, $0x1;
	s8 =	sld [smem:$0x7E5]  }
0x1a9: {  	s11 =	sshll.u32 @!p1 s11, $0x5  }
0x1aa: {  	v61 =	vmov s10;
	s2 =	sshll.u32 @!p3 s2, $0x5;
	s10 =	sshra.s32 @!p1 s11, $0x2;
	s11 =	sld [smem:$0x7E9]  }
0x1ab: {  	s31 =	rddreg [dreg:$0x1f];
	s2 =	sshra.s32 @!p3 s2, $0x2;
	s8 =	sshll.u32 @!p2 s8, $0x5  }
0x1ac: {  	s30 =	sld [smem:$0x7F8];
	[tilespmem:s2+$0xFFFFFF80] =	vst @!p3 v8;
	s8 =	sshra.s32 @!p2 s8, $0x2  }
0x1ad: {  	[tilespmem:s8+$0xFFFFFF80] =	vst @!p2 v9;
	p0 =	seq.s32 s11, $0x1;
	s11 =	sld [smem:$0x7EA]  }
0x1ae: {  	[tilespmem:s10+$0xFFFFFF80] =	vst @!p1 v10;
	s10 =	sld [smem:$0x7ED]  }
0x1af: {  	v10 =	vmov s18;
	s18 =	sld [smem:$0x7F3]  }
0x1b0: {  	v21 =	vbroadcast v7, $0xC;
	s7 =	sshll.u32 @!p0 s7, $0x5;
	p3 =	seq.s32 s11, $0x1;
	s11 =	sld [smem:$0x7EE]  }
0x1b1: {  	vm1 =	veq.s32 v59, v0;
	s7 =	sshra.s32 @!p0 s7, $0x2;
	s2 =	sshll.u32 @!p3 s22, $0x5;
	s22 =	sld [smem:$0x7EB]  }
0x1b2: {  	v21 =	vnsel vm1, $0x0, v21;
	p2 =	por p3, p3;
	s2 =	sshra.s32 @!p3 s2, $0x2;
	p3 =	seq.s32 s10, $0x1  }
0x1b3: {  	v20 =	vmul.u32 v21, v60;
	[tilespmem:s7+$0xFFFFFF80] =	vst @!p0 v11;
	s8 =	sshll.u32 @!p3 s23, $0x5;
	s23 =	sld [smem:$0x7F0]  }
0x1b4: {  	p5 =	seq.s32 s11, $0x1;
	[tilespmem:s2+$0xFFFFFF80] =	vst @!p2 v12;
	s11 =	sld [smem:$0x7F1];
	p2 =	seq.s32 s18, $0x1  }
0x1b5: {  	v22 =	vbroadcast v7, $0xD;
	v8 =	vadd.s32 v19, v20;
	s18 =	rddreg [dreg:$0x1d];
	s0 =	ssub.s32 s22, s0;
	s22 =	sadd.s32 $0xFFFFFFFE, s9  }
0x1b6: {  	s31 =	sadd.s32 $0x10, s31;
	vm1 =	veq.s32 v61, v0;
	v9 =	vsub.s32 s22, v8;
	s22 =	sld [smem:$0x7EC]  }
0x1b7: {  	s26 =	sadd.s32 $0x10, s26;
	v62 =	vnsel vm1, $0x0, v22;
	s0 =	smul.u32 s25, s0;
	s25 =	rddreg [dreg:$0x1e]  }
0x1b8: {  	s30 =	sadd.s32 $0x10, s30;
	v9 =	vmul.u32 v62, v9;
	p0 =	seq.s32 s23, $0x1;
	s23 =	sld [smem:$0x7F6]  }
0x1b9: {  	v11 =	vbroadcast v7, $0xE;
	s10 =	sshll.u32 @!p5 s28, $0x5;
	s2 =	sshll.u32 @!p0 s24, $0x5;
	s24 =	sld [smem:$0x7F7]  }
0x1ba: {  	vm1 =	veq.s32 v10, v0;
	s28 =	sadd.s32 $0xFFFFFFFF, s9;
	p4 =	seq.s32 s22, $0x1;
	s22 =	sld [smem:$0x7EF];
	v9 =	vadd.s32 v8, v9  }
0x1bb: {  	v11 =	vnsel vm1, $0x0, v11;
	s7 =	sshra.s32 @!p3 s8, $0x2;
	s8 =	sshra.s32 @!p5 s10, $0x2;
	v10 =	vsub.s32 s28, v9;
	s28 =	rddreg [dreg:$0x16]  }
0x1bc: {  	s25 =	sadd.s32 $0x10, s25;
	s1 =	sshll.u32 @!p4 s1, $0x5;
	v10 =	vmul.u32 v11, v10;
	v11 =	vmov s15;
	s15 =	rddreg [dreg:$0x1b]  }
0x1bd: {  	s1 =	sshra.s32 @!p4 s1, $0x2;
	p1 =	seq.s32 s22, $0x1;
	s22 =	sld [smem:$0x7F5]  }
0x1be: {  	s2 =	sshra.s32 @!p0 s2, $0x2;
	[tilespmem:s1+$0xFFFFFF80] =	vst @!p4 v13;
	s10 =	sshll.u32 @!p1 s17, $0x5;
	s17 =	sld [smem:$0x7F2]  }
0x1bf: {  	p4 =	seq.s32 s11, $0x1;
	s11 =	sshll.u32 @!p2 s20, $0x5;
	s20 =	sld [smem:$0x7FA];
	[tilespmem:s7+$0xFFFFFF80] =	vst @!p3 v14;
	v10 =	vadd.s32 v9, v10  }
0x1c0: {  	s1 =	sshra.s32 @!p1 s10, $0x2;
	s10 =	sshll.u32 @!p4 s13, $0x5;
	[tilespmem:s8+$0xFFFFFF80] =	vst @!p5 v15;
	v63 =	vsub.s32 s9, v10;
	s9 =	sadd.s32 $0x10, s9  }
0x1c1: {  	[tilespmem:s1+$0xFFFFFF80] =	vst @!p1 v16;
	p1 =	seq.s32 s22, $0x1;
	s22 =	rddreg [dreg:$0x1a];
	p3 =	seq.s32 s17, $0x1  }
0x1c2: {  	s7 =	sshra.s32 @!p4 s10, $0x2;
	[tilespmem:s2+$0xFFFFFF80] =	vst @!p0 v17;
	s10 =	sshll.u32 @!p3 s21, $0x5;
	s21 =	sld [smem:$0x7F4]  }
0x1c3: {  	[tilespmem:s7+$0xFFFFFF80] =	vst @!p4 v18;
	s7 =	sadd.s32 $0x10, s24;
	s24 =	rddreg [dreg:$0x19];
	s8 =	sshra.s32 @!p3 s10, $0x2  }
0x1c4: {  	s10 =	sshra.s32 @!p2 s11, $0x2;
	s11 =	sshll.u32 @!p6 s16, $0x5;
	s16 =	sld [smem:$0x7F9]  }
0x1c5: {  	s2 =	sshra.s32 @!p6 s11, $0x2;
	[tilespmem:s8+$0xFFFFFF80] =	vst @!p3 v19;
	p5 =	seq.s32 s21, $0x1;
	s21 =	sld [smem:$0x7FB]  }
0x1c6: {  	v7 =	vbroadcast v7, $0xF;
	[tilespmem:s10+$0xFFFFFF80] =	vst @!p2 v8;
	s1 =	sshll.u32 @!p5 s12, $0x5;
	s12 =	sadd.s32 s4, s0;
	s4 =	sadd.s32 $0x200, s28  }
0x1c7: {  	vm1 =	veq.s32 v11, v0;
	p0 =	por p1, p1;
	[tilespmem:s2+$0xFFFFFF80] =	vst @!p6 v9;
	s1 =	sshra.s32 @!p5 s1, $0x2;
	[dreg:$0x16] =	wrdreg s4  }
0x1c8: {  	v7 =	vnsel vm1, $0x0, v7;
	s17 =	sadd.s32 $0x10, s23;
	s0 =	sshll.u32 @!p1 s19, $0x5;
	[tilespmem:s1+$0xFFFFFF80] =	vst @!p5 v10;
	s1 =	rddreg [dreg:$0x16]  }
0x1c9: {  	v7 =	vmul.u32 v7, v63;
	s11 =	rddreg [dreg:$0x1c];
	s0 =	sshra.s32 @!p1 s0, $0x2;
	p1 =	sne.s32 s1, $0x8000  }
.Ltmp30:
0x1ca: {  	s28 =	rddreg [dreg:$0x18];
	s2 =	sadd.s32 $0x10, s21;
	(pc) =	sbr.rel @p1 .LBB2_31-.Ltmp30, $4  }
0x1cb: {  	s23 =	sadd.s32 $0x10, s20;
	v8 =	vadd.s32 v10, v7;
	[smem:$0x7FB] =	sst s2;
	s2 =	sadd.s32 $0x10, s22  }
0x1cc: {  	s8 =	sadd.s32 $0x10, s15;
	[tilespmem:s0+$0xFFFFFF80] =	vst @!p0 v8;
	s0 =	sadd.s32 $0x10, s24;
	[dreg:$0x1a] =	wrdreg s2  }
0x1cd: {  	s10 =	sadd.s32 $0x10, s18;
	[dreg:$0x19] =	wrdreg s0;
	s0 =	sadd.s32 $0x10, s28  }
0x1ce: {  	s13 =	sadd.s32 $0x10, s16;
	s4 =	sadd.s32 $0x10, s11;
	[dreg:$0x18] =	wrdreg s0  }
0x1cf: {  	s0 =	sadd.s32 $0xF, s19  }
0x1d0: {  	s1 =	sshra.s32 s0, $0x4  }
0x1d1: {  	p1 =	slt.s32 s1, $0x1  }
.Ltmp31:
0x1d2: {  	p0 =	seq.s32 s14, $0x0;
	(pc) =	sbr.rel @p1 .LBB2_38-.Ltmp31, $4  }
0x1d3: {  	s7 =	simm.s32 $0x0;
	v7 =	vmov @!p0 s14;
	v9 =	vlaneseq.u32 @!p0  }
0x1d4: {  	s15 =	simm.s32 $0x1;
	s8 =	simm.s32 $0x5000;
	s2 =	sshll.u32 @!p0 s19, $0x3;
	vm1 =	vgt.u32 @!p0 v7, v9  }
0x1d5: {  	s9 =	simm.s32 $0x5800;
	s4 =	rddreg [dreg:$0x15];
	s0 =	sand.u32 @!p0 $0xFFFFFF80, s2;
	v7 =	vnsel @!p0 vm1, s12, v8  }
0x1d6: {  	s10 =	simm.s32 $0x6000;
	s11 =	simm.s32 $0x6800;
	s14 =	rddreg [dreg:$0x1];
	[tilespmem:s0+$0x0] =	vst @!p0 v7  }
0x1d7: {  	v7 =	vld [tilespmem:s7+$0x0];
	_ =	sdelay $0x4  }
0x1d8: {  	v8 =	vshrl.u32 v7, $0x3  }
0x1d9: {  	v8 =	vmul.u32 $0x30, v8  }
0x1da: {  	v7 =	vand.u32 $0x7, v7  }
0x1db: {  	v7 =	vor.u32 v7, v8  }
0x1dc: {  	v8 =	vperm.xlane v7, v4;
	_ =	sdelay $0x1  }
0x1dd: {  	v8 =	vadd.s32 v5, v8;
	_ =	sdelay $0x3  }
0x1de: {  	s0 =	simm.s32 $0x4000  }
0x1df: {  	v7 =	vperm.xlane v7, v6;
	[hbm4b:s14+s3] =	stream.indirect_vreg.scatter [tilespmem:s0], [sflag:$0x3], $0x80, v8, vm0, $0xb8;
	[tilespmem:$0x1F000] =	vst v63  }
0x1e0: {  	s2 =	simm.s32 $0x4800  }
0x1e1: {  	v7 =	vadd.s32 v5, v7;
	[hbm4b:s5+s3] =	stream.indirect_vreg.scatter [tilespmem:s2], [sflag:$0x3], $0x80, v8, vm0, $0xb8;
	[tilespmem:$0x1F000] =	vst v63  }
0x1e2: {  	p0 =	sne.s32 s1, $0x1  }
0x1e3: {  	[hbm4b:s6+s3] =	stream.indirect_vreg.scatter [tilespmem:s8], [sflag:$0x3], $0x80, v8, vm0, $0xb8;
	[tilespmem:$0x1F000] =	vst v63  }
.Ltmp32:
0x1e4: {  	_ = 	snop;
	(pc) =	sbr.rel @!p0 .LBB2_35-.Ltmp32, $4  }
0x1e5: {  	_ = 	snop  }
0x1e6: {  	[hbm4b:s14+s3] =	stream.indirect_vreg.scatter [tilespmem:s9], [sflag:$0x3], $0x80, v7, vm0, $0xb8;
	[tilespmem:$0x1F000] =	vst v63  }
0x1e7: {  	s4 =	sadd.s32 $0xFFFFFFFF, s1;
	s7 =	sadd.s32 $0x80, s7  }
0x1e8: {  	[hbm4b:s5+s3] =	stream.indirect_vreg.scatter [tilespmem:s10], [sflag:$0x3], $0x80, v7, vm0, $0xb8;
	[tilespmem:$0x1F000] =	vst v63  }
.LBB2_34:
0x1e9: {  	[hbm4b:s6+s3] =	stream.indirect_vreg.scatter [tilespmem:s11], [sflag:$0x3], $0x80, v7, vm0, $0xb8;
	[tilespmem:$0x1F000] =	vst v63  }
0x1ea: {  	p0 =	sne.s32 s4, $0x1;
	s4 =	sadd.s32 $0xFFFFFFFF, s4;
	v7 =	vld [tilespmem:s7+$0x0];
	_ =	sdelay $0x4  }
0x1eb: {  	v8 =	vshrl.u32 v7, $0x3  }
0x1ec: {  	v8 =	vmul.u32 $0x30, v8  }
0x1ed: {  	v7 =	vand.u32 $0x7, v7  }
0x1ee: {  	v7 =	vor.u32 v7, v8  }
0x1ef: {  	v8 =	vperm.xlane v7, v4;
	v7 =	vperm.xlane v7, v6;
	_ =	sdelay $0x1  }
0x1f0: {  	v8 =	vadd.s32 v5, v8;
	_ =	sdelay $0x4  }
0x1f1: {  	[hbm4b:s14+s3] =	stream.indirect_vreg.scatter [tilespmem:s0], [sflag:$0x3], $0x80, v8, vm0, $0xb8;
	[tilespmem:$0x1F000] =	vst v63  }
0x1f2: {  	v7 =	vadd.s32 v5, v7  }
0x1f3: {  	[hbm4b:s5+s3] =	stream.indirect_vreg.scatter [tilespmem:s2], [sflag:$0x3], $0x80, v8, vm0, $0xb8;
	[tilespmem:$0x1F000] =	vst v63  }
0x1f4: {  	_ = 	snop  }
0x1f5: {  	[hbm4b:s6+s3] =	stream.indirect_vreg.scatter [tilespmem:s8], [sflag:$0x3], $0x80, v8, vm0, $0xb8;
	[tilespmem:$0x1F000] =	vst v63  }
.Ltmp33:
0x1f6: {  	(pc) =	sbr.rel @p0 .LBB2_34-.Ltmp33, $4  }
0x1f7: {  	[hbm4b:s14+s3] =	stream.indirect_vreg.scatter [tilespmem:s9], [sflag:$0x3], $0x80, v7, vm0, $0xb8;
	[tilespmem:$0x1F000] =	vst v63  }
0x1f8: {  	_ = 	snop  }
0x1f9: {  	[hbm4b:s5+s3] =	stream.indirect_vreg.scatter [tilespmem:s10], [sflag:$0x3], $0x80, v7, vm0, $0xb8;
	[tilespmem:$0x1F000] =	vst v63  }
0x1fa: {  	s7 =	sadd.s32 $0x80, s7  }
.LBB2_35:
0x1fb: {  	_ = 	snop  }
0x1fc: {  	p0 =	sne.s32 s1, $0x1  }
.Ltmp34:
0x1fd: {  	_ = 	snop;
	(pc) =	sbr.rel @!p0 .LBB2_37-.Ltmp34, $4  }
0x1fe: {  	_ = 	snop  }
0x1ff: {  	[hbm4b:s6+s3] =	stream.indirect_vreg.scatter [tilespmem:s11], [sflag:$0x3], $0x80, v7, vm0, $0xb8;
	[tilespmem:$0x1F000] =	vst v63  }
0x200: {  	_ =	swait.ge [sflag:s29], $0x3000  }
0x201: {  	s1 =	sadd.s32 $0xFFFFFFFF, s1;
	[sflag:s29] =	ssyncset.done $0x0  }
.LBB2_36:
0x202: {  	p0 =	sne.s32 s1, $0x1;
	s1 =	sadd.s32 $0xFFFFFFFF, s1;
	[sflag:s29] =	ssyncadd.s32 $0xFFFFD000  }
.Ltmp35:
0x203: {  	(pc) =	sbr.rel @p0 .LBB2_36-.Ltmp35, $3  }
0x204: {  	_ =	sdelay $0x1  }
0x205: {  	_ =	swait.ge [sflag:s29], $0x3000  }
0x206: {  	[sflag:s29] =	ssyncset.done $0x0  }
.Ltmp36:
0x207: {  	_ = 	snop;
	(pc) =	sbr.rel .LBB2_37-.Ltmp36, $1  }
0x208: {  	_ =	sdelay $0x3  }
.LBB2_39:
0x209: {  	_ =	sfence.sel $0x180000  }
0x20a: {  	[bflag:$0x0] =	sbarrier.arrive $0xFFFF  }
0x20b: {  	_ =	strace $0x90000047  }
0x20c: {  	s0 =	stileid.u32;
	[bflag:$0x2] =	sbarrier.arrive $0xFFFF  }
0x20d: {  	p0 =	sne.s32 s0, $0x0;
	s0 =	rddreg [dreg:$0x2]  }
0x20e: {  	s0 =	sadd.s32 @!p0 $0x100000, s0  }
0x20f: {  	[sflag:s0] =	ssyncadd.tile.s32 @!p0 $0x1;
	_ =	shalt  }
.Lfunc_end2:
_tile_overlayer_lowered:
.L_overlay_start_2:
0x210: {  	(tag) =	ssettag $0x2  }
0x211: {  	s0 =	rddreg [dreg:$0x0];
	s2 =	stileid.u32  }
0x212: {  	s1 =	rddreg [dreg:$0x1];
	p0 =	sne.s32 s2, $0x0  }
0x213: {  	s3 =	rddreg [dreg:$0x2];
	[bflag:$0x3] =	sbarrier.arrive $0xFFFF;
	s2 =	simm.s32 @!p0 $0x1C04  }
0x214: {  	[timem:s3], [sflag:s2] =	dma.local @!p0 [hbm:s0], s1  }
0x215: {  	s0 =	simm.s32 @!p0 $0x4  }
0x216: {  	_ =	swait.ge @!p0 [sflag:s0], s1  }
0x217: {  	s1 =	ssub.s32 @!p0 $0x0, s1;
	[sflag:s0] =	ssyncset.done @!p0 $0x0  }
0x218: {  	[sflag:s0] =	ssyncadd.s32 @!p0 s1  }
0x219: {  	[bflag:$0x3] =	sbarrier.arrive $0xFFFF  }
0x21a: {  	_ =	shalt  }

</sc_bundles>
